<compile_context>
chip_gen: v7x
topology: tpu7x:2x2x1
jax: 0.10.2.dev20260603
libtpu: 0.0.44.dev20260713+nightly
codegen_flags: <defaults>
</compile_context>

<pallas_src>
import functools
import math

import jax
import jax.numpy as jnp
from jax import lax
from jax.experimental import pallas as pl
from jax.experimental.pallas import tpu as pltpu
from jax.experimental.pallas import tpu_sc as plsc

EMB = 64
LANES = 16
NW = 32
BT = 128


def _make_sc_embed(bsz: int, seq: int, scale: float):
    mesh = plsc.VectorSubcoreMesh(core_axis_name="c", subcore_axis_name="s")
    nbt = bsz // BT
    bt_per_w = nbt // NW
    bw = bt_per_w * BT
    toks_per_w = bw * seq
    nchunk = seq * bt_per_w
    er = EMB // 8

    scratch = [
        pltpu.VMEM((toks_per_w,), jnp.int32),
        pltpu.VMEM((seq, bw + 8), jnp.int32),
        pltpu.VMEM((BT, EMB), jnp.float32),
        pltpu.VMEM((BT, EMB), jnp.float32),
        pltpu.VMEM((er, 8, BT + 1), jnp.float32),
        pltpu.VMEM((er, 8, BT + 1), jnp.float32),
        pltpu.SemaphoreType.DMA,
        pltpu.SemaphoreType.DMA,
        pltpu.SemaphoreType.DMA,
        pltpu.SemaphoreType.DMA,
    ]

    @functools.partial(
        pl.kernel,
        mesh=mesh,
        out_type=jax.ShapeDtypeStruct((seq, er, nbt, 8, BT), jnp.float32),
        scratch_types=scratch,
        compiler_params=pltpu.CompilerParams(
            use_tc_tiling_on_sc=False, needs_layout_passes=False),
    )
    def sc_embed(tokens_hbm, table_hbm, out_hbm, idx_v, idx_t, rows0, rows1,
                 obuf0, obuf1, gsem0, gsem1, ssem0, ssem1):
        rows = (rows0, rows1)
        obufs = (obuf0, obuf1)
        gsem = (gsem0, gsem1)
        ssem = (ssem0, ssem1)
        nc = lax.axis_size("c")
        wid = lax.axis_index("s") * nc + lax.axis_index("c")
        pltpu.sync_copy(tokens_hbm.at[pl.ds(wid * toks_per_w, toks_per_w)],
                        idx_v)

        iota16 = lax.iota(jnp.int32, 16)

        def tgroup(g, c):
            f = g * LANES + iota16
            vals = idx_v[pl.ds(g * LANES, LANES)]
            plsc.store_scatter(idx_t, [lax.rem(f, seq), lax.div(f, seq)],
                               vals)
            return c

        lax.fori_loop(0, toks_per_w // LANES, tgroup, 0, unroll=8)

        evecs = [LANES * v + iota16 for v in range(EMB // LANES)]
        etv = [lax.div(e, 8) for e in evecs]
        erv = [lax.rem(e, 8) for e in evecs]

        def fire_gather(t, b):
            s = lax.div(t, bt_per_w)
            btl = lax.rem(t, bt_per_w)
            pltpu.async_copy(
                table_hbm.at[idx_t.at[s, pl.ds(btl * BT, BT)]], rows[b],
                gsem[b])

        def wait_gather(b):
            pltpu.make_async_copy(
                table_hbm.at[idx_t.at[0, pl.ds(0, BT)]], rows[b],
                gsem[b]).wait()

        def do_chunk(t, b):
            s = lax.div(t, bt_per_w)
            btl = lax.rem(t, bt_per_w)
            wait_gather(b)

            @pl.when(t >= 2)
            def _drain_store():
                pltpu.make_async_copy(
                    obufs[b].at[pl.ds(0, er), pl.ds(0, 8), pl.ds(0, BT)],
                    out_hbm.at[0, pl.ds(0, er), 0], ssem[b]).wait()

            def bc_loop(bc, c2):
                bcv = (iota16 & 0) + bc
                for v in range(EMB // LANES):
                    x = rows[b][bc, pl.ds(v * LANES, LANES)] * scale
                    plsc.store_scatter(obufs[b], [etv[v], erv[v], bcv], x)
                return c2

            lax.fori_loop(0, BT, bc_loop, 0, unroll=16)

            @pl.when(t + 2 < nchunk)
            def _refill():
                fire_gather(t + 2, b)

            pltpu.async_copy(
                obufs[b].at[pl.ds(0, er), pl.ds(0, 8), pl.ds(0, BT)],
                out_hbm.at[s, pl.ds(0, er), wid * bt_per_w + btl], ssem[b])

        fire_gather(0, 0)
        fire_gather(1, 1)

        def pair_body(p, c):
            do_chunk(2 * p, 0)
            do_chunk(2 * p + 1, 1)
            return c

        lax.fori_loop(0, nchunk // 2, pair_body, 0)

        for b in range(2):
            pltpu.make_async_copy(
                obufs[b].at[pl.ds(0, er), pl.ds(0, 8), pl.ds(0, BT)],
                out_hbm.at[0, pl.ds(0, er), 0], ssem[b]).wait()

    return sc_embed


def kernel(tokens, table):
    bsz, seq = tokens.shape
    assert bsz % (NW * BT) == 0
    scale = math.sqrt(float(EMB))
    flat_tokens = tokens.reshape(-1).astype(jnp.int32)
    out5 = _make_sc_embed(bsz, seq, scale)(flat_tokens, table)
    return out5.transpose(2, 4, 0, 1, 3).reshape(bsz, seq, EMB)

# --- scband reference (transcript-rebuilt; emitter-appended) ---
"""Pipeline reference for scband-token-embedding-36447092474342 (READ-ONLY COPY).

The authoritative reference and input builder live on the scoring server;
editing this copy changes nothing except your own understanding.
"""

import jax, jax.numpy as jnp
import numpy as np
import math

VOCAB = 1000000
EMB = 64

def setup_inputs(seed: int = 0) -> dict:
    key = jax.random.key(seed)
    k1, k2 = jax.random.split(key)
    tokens = jax.random.randint(k1, (16384, 50), 0, VOCAB, dtype=jnp.int64 if jax.config.jax_enable_x64 else jnp.int32)
    table = jax.random.normal(k2, (VOCAB, EMB), dtype=jnp.float32)
    return {"tokens": tokens, "table": table}

def reference(tokens, table):
    # TokenEmbedding.forward: embedding(tokens) * sqrt(emb_size)
    emb = jnp.take(table, tokens, axis=0)
    return emb * math.sqrt(EMB)

if __name__ == "__main__":
    import jax
    _d = setup_inputs()
    print(jax.jit(kernel)(*tuple(_d.values())))

</pallas_src>

<mosaic_0001>
#map = affine_map<(d0, d1) -> (0)>
#map1 = affine_map<(d0, d1) -> (0, 0)>
#map2 = affine_map<(d0, d1) -> (0, 0, 0, 0, 0)>
module attributes {stable_mosaic.version = 14 : i64} {
  func.func @sc_embed(%arg0: i32, %arg1: i32, %arg2: memref<819200xi32, #tpu.memory_space<hbm>>, %arg3: memref<1000000x64xf32, #tpu.memory_space<hbm>>, %arg4: memref<50x8x128x8x128xf32, #tpu.memory_space<hbm>>, %arg5: memref<25600xi32, #tpu.memory_space<vmem>>, %arg6: memref<50x520xi32, #tpu.memory_space<vmem>>, %arg7: memref<128x64xf32, #tpu.memory_space<vmem>>, %arg8: memref<128x64xf32, #tpu.memory_space<vmem>>, %arg9: memref<8x8x129xf32, #tpu.memory_space<vmem>>, %arg10: memref<8x8x129xf32, #tpu.memory_space<vmem>>, %arg11: memref<!tpu.dma_semaphore, #tpu.memory_space<semaphore_mem>>, %arg12: memref<!tpu.dma_semaphore, #tpu.memory_space<semaphore_mem>>, %arg13: memref<!tpu.dma_semaphore, #tpu.memory_space<semaphore_mem>>, %arg14: memref<!tpu.dma_semaphore, #tpu.memory_space<semaphore_mem>>) attributes {dimension_semantics = [#tpu.dimension_semantics<core_parallel>, #tpu.dimension_semantics<subcore_parallel>], iteration_bounds = array<i64: 2, 16>, scalar_prefetch = 0 : i64, scratch_operands = 10 : i64, tpu.core_type = #tpu.core_type<sc_vector_subcore>, window_params = [{transform_indices = #map}, {transform_indices = #map1}, {transform_indices = #map2}]} {
    %mul3A = arith.constant 2 : i32
    %mul3A_0 = arith.muli %arg1, %mul3A : i32
    %add3A = arith.addi %mul3A_0, %arg0 : i32
    %mul3A_1 = arith.constant 25600 : i32
    %mul3A_2 = arith.muli %add3A, %mul3A_1 : i32
    "tpu.region"() ({
      %run_scoped3A = tpu.sem_alloc : memref<!tpu.dma_semaphore, #tpu.memory_space<semaphore_mem>>
      %dma_start3A_112 = tpu.memref_slice %arg2[%mul3A_2] : memref<819200xi32, #tpu.memory_space<hbm>> -> memref<25600xi32, #tpu.memory_space<hbm>>
      %dma_start3A_113 = tpu.memref_slice %arg2[%mul3A_2] : memref<819200xi32, #tpu.memory_space<hbm>> -> memref<25600xi32, #tpu.memory_space<hbm>>
      tpu.enqueue_dma source(%dma_start3A_113 : memref<25600xi32, #tpu.memory_space<hbm>>) target(%arg5 : memref<25600xi32, #tpu.memory_space<vmem>>) target_semaphore(%run_scoped3A : memref<!tpu.dma_semaphore, #tpu.memory_space<semaphore_mem>>)
      %dma_wait3A_114 = tpu.memref_slice %arg2[%mul3A_2] : memref<819200xi32, #tpu.memory_space<hbm>> -> memref<25600xi32, #tpu.memory_space<hbm>>
      %dma_wait3A_115 = tpu.memref_slice %arg2[%mul3A_2] : memref<819200xi32, #tpu.memory_space<hbm>> -> memref<25600xi32, #tpu.memory_space<hbm>>
      tpu.wait_dma2 semaphore(%run_scoped3A : memref<!tpu.dma_semaphore, #tpu.memory_space<semaphore_mem>>) src(%dma_wait3A_115 : memref<25600xi32, #tpu.memory_space<hbm>>) dst(%arg5 : memref<25600xi32, #tpu.memory_space<vmem>>)
      tpu.yield
    }) : () -> ()
    %iota3A = tpu.iota {dimensions = array<i32: 0>} : vector<16xi32>
    %scan3A = arith.constant 0 : i32
    %scan3A_3 = arith.constant 0 : i32
    %scan3A_4 = arith.constant 1600 : i32
    %scan3A_5 = arith.addi %scan3A_3, %scan3A_4 : i32
    %scan3A_6 = arith.constant 8 : i32
    scf.for %scan3A_112 = %scan3A_3 to %scan3A_5 step %scan3A_6  : i32 {
      %mul3A_113 = arith.constant 16 : i32
      %mul3A_114 = arith.muli %scan3A_112, %mul3A_113 : i32
      %add3A_115 = vector.broadcast %mul3A_114 : i32 to vector<16xi32>
      %add3A_116 = arith.addi %add3A_115, %iota3A : vector<16xi32>
      %mul3A_117 = arith.constant 16 : i32
      %mul3A_118 = arith.muli %scan3A_112, %mul3A_117 : i32
      %get3A = arith.index_cast %mul3A_118 : i32 to index
      %get3A_119 = tpu.vector_load %arg5[%get3A] {strides = array<i32>} : memref<25600xi32, #tpu.memory_space<vmem>>, vector<16xi32>,
      %rem3A_120 = arith.constant 50 : i32
      %rem3A_121 = vector.broadcast %rem3A_120 : i32 to vector<16xi32>
      %rem3A_122 = arith.remsi %add3A_116, %rem3A_121 : vector<16xi32>
      %div3A_123 = arith.constant 50 : i32
      %div3A_124 = vector.broadcast %div3A_123 : i32 to vector<16xi32>
      %div3A_125 = arith.divsi %add3A_116, %div3A_124 : vector<16xi32>
      tpu.vector_store_idx %arg6[%rem3A_122, %div3A_125], %get3A_119 : memref<50x520xi32, #tpu.memory_space<vmem>>[vector<16xi32>, vector<16xi32>], vector<16xi32>,
      %scan3A_126 = arith.constant 1 : i32
      %scan3A_127 = arith.addi %scan3A_112, %scan3A_126 : i32
      %mul3A_128 = arith.constant 16 : i32
      %mul3A_129 = arith.muli %scan3A_127, %mul3A_128 : i32
      %add3A_130 = vector.broadcast %mul3A_129 : i32 to vector<16xi32>
      %add3A_131 = arith.addi %add3A_130, %iota3A : vector<16xi32>
      %mul3A_132 = arith.constant 16 : i32
      %mul3A_133 = arith.muli %scan3A_127, %mul3A_132 : i32
      %get3A_134 = arith.index_cast %mul3A_133 : i32 to index
      %get3A_135 = tpu.vector_load %arg5[%get3A_134] {strides = array<i32>} : memref<25600xi32, #tpu.memory_space<vmem>>, vector<16xi32>,
      %rem3A_136 = arith.constant 50 : i32
      %rem3A_137 = vector.broadcast %rem3A_136 : i32 to vector<16xi32>
      %rem3A_138 = arith.remsi %add3A_131, %rem3A_137 : vector<16xi32>
      %div3A_139 = arith.constant 50 : i32
      %div3A_140 = vector.broadcast %div3A_139 : i32 to vector<16xi32>
      %div3A_141 = arith.divsi %add3A_131, %div3A_140 : vector<16xi32>
      tpu.vector_store_idx %arg6[%rem3A_138, %div3A_141], %get3A_135 : memref<50x520xi32, #tpu.memory_space<vmem>>[vector<16xi32>, vector<16xi32>], vector<16xi32>,
      %scan3A_142 = arith.constant 2 : i32
      %scan3A_143 = arith.addi %scan3A_112, %scan3A_142 : i32
      %mul3A_144 = arith.constant 16 : i32
      %mul3A_145 = arith.muli %scan3A_143, %mul3A_144 : i32
      %add3A_146 = vector.broadcast %mul3A_145 : i32 to vector<16xi32>
      %add3A_147 = arith.addi %add3A_146, %iota3A : vector<16xi32>
      %mul3A_148 = arith.constant 16 : i32
      %mul3A_149 = arith.muli %scan3A_143, %mul3A_148 : i32
      %get3A_150 = arith.index_cast %mul3A_149 : i32 to index
      %get3A_151 = tpu.vector_load %arg5[%get3A_150] {strides = array<i32>} : memref<25600xi32, #tpu.memory_space<vmem>>, vector<16xi32>,
      %rem3A_152 = arith.constant 50 : i32
      %rem3A_153 = vector.broadcast %rem3A_152 : i32 to vector<16xi32>
      %rem3A_154 = arith.remsi %add3A_147, %rem3A_153 : vector<16xi32>
      %div3A_155 = arith.constant 50 : i32
      %div3A_156 = vector.broadcast %div3A_155 : i32 to vector<16xi32>
      %div3A_157 = arith.divsi %add3A_147, %div3A_156 : vector<16xi32>
      tpu.vector_store_idx %arg6[%rem3A_154, %div3A_157], %get3A_151 : memref<50x520xi32, #tpu.memory_space<vmem>>[vector<16xi32>, vector<16xi32>], vector<16xi32>,
      %scan3A_158 = arith.constant 3 : i32
      %scan3A_159 = arith.addi %scan3A_112, %scan3A_158 : i32
      %mul3A_160 = arith.constant 16 : i32
      %mul3A_161 = arith.muli %scan3A_159, %mul3A_160 : i32
      %add3A_162 = vector.broadcast %mul3A_161 : i32 to vector<16xi32>
      %add3A_163 = arith.addi %add3A_162, %iota3A : vector<16xi32>
      %mul3A_164 = arith.constant 16 : i32
      %mul3A_165 = arith.muli %scan3A_159, %mul3A_164 : i32
      %get3A_166 = arith.index_cast %mul3A_165 : i32 to index
      %get3A_167 = tpu.vector_load %arg5[%get3A_166] {strides = array<i32>} : memref<25600xi32, #tpu.memory_space<vmem>>, vector<16xi32>,
      %rem3A_168 = arith.constant 50 : i32
      %rem3A_169 = vector.broadcast %rem3A_168 : i32 to vector<16xi32>
      %rem3A_170 = arith.remsi %add3A_163, %rem3A_169 : vector<16xi32>
      %div3A_171 = arith.constant 50 : i32
      %div3A_172 = vector.broadcast %div3A_171 : i32 to vector<16xi32>
      %div3A_173 = arith.divsi %add3A_163, %div3A_172 : vector<16xi32>
      tpu.vector_store_idx %arg6[%rem3A_170, %div3A_173], %get3A_167 : memref<50x520xi32, #tpu.memory_space<vmem>>[vector<16xi32>, vector<16xi32>], vector<16xi32>,
      %scan3A_174 = arith.constant 4 : i32
      %scan3A_175 = arith.addi %scan3A_112, %scan3A_174 : i32
      %mul3A_176 = arith.constant 16 : i32
      %mul3A_177 = arith.muli %scan3A_175, %mul3A_176 : i32
      %add3A_178 = vector.broadcast %mul3A_177 : i32 to vector<16xi32>
      %add3A_179 = arith.addi %add3A_178, %iota3A : vector<16xi32>
      %mul3A_180 = arith.constant 16 : i32
      %mul3A_181 = arith.muli %scan3A_175, %mul3A_180 : i32
      %get3A_182 = arith.index_cast %mul3A_181 : i32 to index
      %get3A_183 = tpu.vector_load %arg5[%get3A_182] {strides = array<i32>} : memref<25600xi32, #tpu.memory_space<vmem>>, vector<16xi32>,
      %rem3A_184 = arith.constant 50 : i32
      %rem3A_185 = vector.broadcast %rem3A_184 : i32 to vector<16xi32>
      %rem3A_186 = arith.remsi %add3A_179, %rem3A_185 : vector<16xi32>
      %div3A_187 = arith.constant 50 : i32
      %div3A_188 = vector.broadcast %div3A_187 : i32 to vector<16xi32>
      %div3A_189 = arith.divsi %add3A_179, %div3A_188 : vector<16xi32>
      tpu.vector_store_idx %arg6[%rem3A_186, %div3A_189], %get3A_183 : memref<50x520xi32, #tpu.memory_space<vmem>>[vector<16xi32>, vector<16xi32>], vector<16xi32>,
      %scan3A_190 = arith.constant 5 : i32
      %scan3A_191 = arith.addi %scan3A_112, %scan3A_190 : i32
      %mul3A_192 = arith.constant 16 : i32
      %mul3A_193 = arith.muli %scan3A_191, %mul3A_192 : i32
      %add3A_194 = vector.broadcast %mul3A_193 : i32 to vector<16xi32>
      %add3A_195 = arith.addi %add3A_194, %iota3A : vector<16xi32>
      %mul3A_196 = arith.constant 16 : i32
      %mul3A_197 = arith.muli %scan3A_191, %mul3A_196 : i32
      %get3A_198 = arith.index_cast %mul3A_197 : i32 to index
      %get3A_199 = tpu.vector_load %arg5[%get3A_198] {strides = array<i32>} : memref<25600xi32, #tpu.memory_space<vmem>>, vector<16xi32>,
      %rem3A_200 = arith.constant 50 : i32
      %rem3A_201 = vector.broadcast %rem3A_200 : i32 to vector<16xi32>
      %rem3A_202 = arith.remsi %add3A_195, %rem3A_201 : vector<16xi32>
      %div3A_203 = arith.constant 50 : i32
      %div3A_204 = vector.broadcast %div3A_203 : i32 to vector<16xi32>
      %div3A_205 = arith.divsi %add3A_195, %div3A_204 : vector<16xi32>
      tpu.vector_store_idx %arg6[%rem3A_202, %div3A_205], %get3A_199 : memref<50x520xi32, #tpu.memory_space<vmem>>[vector<16xi32>, vector<16xi32>], vector<16xi32>,
      %scan3A_206 = arith.constant 6 : i32
      %scan3A_207 = arith.addi %scan3A_112, %scan3A_206 : i32
      %mul3A_208 = arith.constant 16 : i32
      %mul3A_209 = arith.muli %scan3A_207, %mul3A_208 : i32
      %add3A_210 = vector.broadcast %mul3A_209 : i32 to vector<16xi32>
      %add3A_211 = arith.addi %add3A_210, %iota3A : vector<16xi32>
      %mul3A_212 = arith.constant 16 : i32
      %mul3A_213 = arith.muli %scan3A_207, %mul3A_212 : i32
      %get3A_214 = arith.index_cast %mul3A_213 : i32 to index
      %get3A_215 = tpu.vector_load %arg5[%get3A_214] {strides = array<i32>} : memref<25600xi32, #tpu.memory_space<vmem>>, vector<16xi32>,
      %rem3A_216 = arith.constant 50 : i32
      %rem3A_217 = vector.broadcast %rem3A_216 : i32 to vector<16xi32>
      %rem3A_218 = arith.remsi %add3A_211, %rem3A_217 : vector<16xi32>
      %div3A_219 = arith.constant 50 : i32
      %div3A_220 = vector.broadcast %div3A_219 : i32 to vector<16xi32>
      %div3A_221 = arith.divsi %add3A_211, %div3A_220 : vector<16xi32>
      tpu.vector_store_idx %arg6[%rem3A_218, %div3A_221], %get3A_215 : memref<50x520xi32, #tpu.memory_space<vmem>>[vector<16xi32>, vector<16xi32>], vector<16xi32>,
      %scan3A_222 = arith.constant 7 : i32
      %scan3A_223 = arith.addi %scan3A_112, %scan3A_222 : i32
      %mul3A_224 = arith.constant 16 : i32
      %mul3A_225 = arith.muli %scan3A_223, %mul3A_224 : i32
      %add3A_226 = vector.broadcast %mul3A_225 : i32 to vector<16xi32>
      %add3A_227 = arith.addi %add3A_226, %iota3A : vector<16xi32>
      %mul3A_228 = arith.constant 16 : i32
      %mul3A_229 = arith.muli %scan3A_223, %mul3A_228 : i32
      %get3A_230 = arith.index_cast %mul3A_229 : i32 to index
      %get3A_231 = tpu.vector_load %arg5[%get3A_230] {strides = array<i32>} : memref<25600xi32, #tpu.memory_space<vmem>>, vector<16xi32>,
      %rem3A_232 = arith.constant 50 : i32
      %rem3A_233 = vector.broadcast %rem3A_232 : i32 to vector<16xi32>
      %rem3A_234 = arith.remsi %add3A_227, %rem3A_233 : vector<16xi32>
      %div3A_235 = arith.constant 50 : i32
      %div3A_236 = vector.broadcast %div3A_235 : i32 to vector<16xi32>
      %div3A_237 = arith.divsi %add3A_227, %div3A_236 : vector<16xi32>
      tpu.vector_store_idx %arg6[%rem3A_234, %div3A_237], %get3A_231 : memref<50x520xi32, #tpu.memory_space<vmem>>[vector<16xi32>, vector<16xi32>], vector<16xi32>,
    }
    %scan3A_7 = arith.constant 1600 : i32
    %add3A_8 = arith.constant 0 : i32
    %add3A_9 = vector.broadcast %add3A_8 : i32 to vector<16xi32>
    %add3A_10 = arith.addi %add3A_9, %iota3A : vector<16xi32>
    %add3A_11 = arith.constant 16 : i32
    %add3A_12 = vector.broadcast %add3A_11 : i32 to vector<16xi32>
    %add3A_13 = arith.addi %add3A_12, %iota3A : vector<16xi32>
    %add3A_14 = arith.constant 32 : i32
    %add3A_15 = vector.broadcast %add3A_14 : i32 to vector<16xi32>
    %add3A_16 = arith.addi %add3A_15, %iota3A : vector<16xi32>
    %add3A_17 = arith.constant 48 : i32
    %add3A_18 = vector.broadcast %add3A_17 : i32 to vector<16xi32>
    %add3A_19 = arith.addi %add3A_18, %iota3A : vector<16xi32>
    %div3A = arith.constant 8 : i32
    %div3A_20 = vector.broadcast %div3A : i32 to vector<16xi32>
    %div3A_21 = arith.divsi %add3A_10, %div3A_20 : vector<16xi32>
    %div3A_22 = arith.constant 8 : i32
    %div3A_23 = vector.broadcast %div3A_22 : i32 to vector<16xi32>
    %div3A_24 = arith.divsi %add3A_13, %div3A_23 : vector<16xi32>
    %div3A_25 = arith.constant 8 : i32
    %div3A_26 = vector.broadcast %div3A_25 : i32 to vector<16xi32>
    %div3A_27 = arith.divsi %add3A_16, %div3A_26 : vector<16xi32>
    %div3A_28 = arith.constant 8 : i32
    %div3A_29 = vector.broadcast %div3A_28 : i32 to vector<16xi32>
    %div3A_30 = arith.divsi %add3A_19, %div3A_29 : vector<16xi32>
    %rem3A = arith.constant 8 : i32
    %rem3A_31 = vector.broadcast %rem3A : i32 to vector<16xi32>
    %rem3A_32 = arith.remsi %add3A_10, %rem3A_31 : vector<16xi32>
    %rem3A_33 = arith.constant 8 : i32
    %rem3A_34 = vector.broadcast %rem3A_33 : i32 to vector<16xi32>
    %rem3A_35 = arith.remsi %add3A_13, %rem3A_34 : vector<16xi32>
    %rem3A_36 = arith.constant 8 : i32
    %rem3A_37 = vector.broadcast %rem3A_36 : i32 to vector<16xi32>
    %rem3A_38 = arith.remsi %add3A_16, %rem3A_37 : vector<16xi32>
    %rem3A_39 = arith.constant 8 : i32
    %rem3A_40 = vector.broadcast %rem3A_39 : i32 to vector<16xi32>
    %rem3A_41 = arith.remsi %add3A_19, %rem3A_40 : vector<16xi32>
    %div3A_42 = arith.constant 0 : i32
    %div3A_43 = arith.constant 4 : i32
    %div3A_44 = arith.divsi %div3A_42, %div3A_43 : i32
    %rem3A_45 = arith.constant 0 : i32
    %rem3A_46 = arith.constant 4 : i32
    %rem3A_47 = arith.remsi %rem3A_45, %rem3A_46 : i32
    %mul3A_48 = arith.constant 128 : i32
    %mul3A_49 = arith.muli %rem3A_47, %mul3A_48 : i32
    %dma_start3A = tpu.memref_slice %arg6[%div3A_44, %mul3A_49] : memref<50x520xi32, #tpu.memory_space<vmem>> -> memref<1x128xi32, #tpu.memory_space<vmem>>
    %dma_start3A_50 = tpu.memref_squeeze %dma_start3A : memref<1x128xi32, #tpu.memory_space<vmem>> -> memref<128xi32, #tpu.memory_space<vmem>>
    %dma_start3A_51 = arith.constant 0 : i32
    %dma_start3A_52 = arith.constant 0 : i32
    %dma_start3A_53 = tpu.memref_slice %arg3[%dma_start3A_51, %dma_start3A_52] : memref<1000000x64xf32, #tpu.memory_space<hbm>> -> memref<1000000x64xf32, #tpu.memory_space<hbm>>
    tpu.enqueue_indirect_dma source(%dma_start3A_53 : memref<1000000x64xf32, #tpu.memory_space<hbm>>) target(%arg7 : memref<128x64xf32, #tpu.memory_space<vmem>>) offsets(%dma_start3A_50 : memref<128xi32, #tpu.memory_space<vmem>>) semaphore(%arg11 : memref<!tpu.dma_semaphore, #tpu.memory_space<semaphore_mem>>)
    %div3A_54 = arith.constant 1 : i32
    %div3A_55 = arith.constant 4 : i32
    %div3A_56 = arith.divsi %div3A_54, %div3A_55 : i32
    %rem3A_57 = arith.constant 1 : i32
    %rem3A_58 = arith.constant 4 : i32
    %rem3A_59 = arith.remsi %rem3A_57, %rem3A_58 : i32
    %mul3A_60 = arith.constant 128 : i32
    %mul3A_61 = arith.muli %rem3A_59, %mul3A_60 : i32
    %dma_start3A_62 = tpu.memref_slice %arg6[%div3A_56, %mul3A_61] : memref<50x520xi32, #tpu.memory_space<vmem>> -> memref<1x128xi32, #tpu.memory_space<vmem>>
    %dma_start3A_63 = tpu.memref_squeeze %dma_start3A_62 : memref<1x128xi32, #tpu.memory_space<vmem>> -> memref<128xi32, #tpu.memory_space<vmem>>
    %dma_start3A_64 = arith.constant 0 : i32
    %dma_start3A_65 = arith.constant 0 : i32
    %dma_start3A_66 = tpu.memref_slice %arg3[%dma_start3A_64, %dma_start3A_65] : memref<1000000x64xf32, #tpu.memory_space<hbm>> -> memref<1000000x64xf32, #tpu.memory_space<hbm>>
    tpu.enqueue_indirect_dma source(%dma_start3A_66 : memref<1000000x64xf32, #tpu.memory_space<hbm>>) target(%arg8 : memref<128x64xf32, #tpu.memory_space<vmem>>) offsets(%dma_start3A_63 : memref<128xi32, #tpu.memory_space<vmem>>) semaphore(%arg12 : memref<!tpu.dma_semaphore, #tpu.memory_space<semaphore_mem>>)
    %scan3A_67 = arith.constant 0 : i32
    %scan3A_68 = arith.constant 0 : i32
    %scan3A_69 = arith.constant 100 : i32
    %scan3A_70 = arith.addi %scan3A_68, %scan3A_69 : i32
    %scan3A_71 = arith.constant 1 : i32
    scf.for %scan3A_112 = %scan3A_68 to %scan3A_70 step %scan3A_71  : i32 {
      %mul3A_113 = arith.constant 2 : i32
      %mul3A_114 = arith.muli %mul3A_113, %scan3A_112 : i32
      %div3A_115 = arith.constant 4 : i32
      %div3A_116 = arith.divsi %mul3A_114, %div3A_115 : i32
      %rem3A_117 = arith.constant 4 : i32
      %rem3A_118 = arith.remsi %mul3A_114, %rem3A_117 : i32
      %dma_wait3A_119 = arith.constant 0 : i32
      %dma_wait3A_120 = arith.constant 0 : i32
      %dma_wait3A_121 = tpu.memref_slice %arg6[%dma_wait3A_119, %dma_wait3A_120] : memref<50x520xi32, #tpu.memory_space<vmem>> -> memref<1x128xi32, #tpu.memory_space<vmem>>
      %dma_wait3A_122 = tpu.memref_squeeze %dma_wait3A_121 : memref<1x128xi32, #tpu.memory_space<vmem>> -> memref<128xi32, #tpu.memory_space<vmem>>
      %dma_wait3A_123 = arith.constant 0 : i32
      %dma_wait3A_124 = arith.constant 0 : i32
      %dma_wait3A_125 = tpu.memref_slice %arg3[%dma_wait3A_123, %dma_wait3A_124] : memref<1000000x64xf32, #tpu.memory_space<hbm>> -> memref<1000000x64xf32, #tpu.memory_space<hbm>>
      tpu.wait_indirect_dma semaphore(%arg11 : memref<!tpu.dma_semaphore, #tpu.memory_space<semaphore_mem>>) src(%dma_wait3A_125 : memref<1000000x64xf32, #tpu.memory_space<hbm>>) dst(%arg7 : memref<128x64xf32, #tpu.memory_space<vmem>>)
      %ge3A = arith.constant 2 : i32
      %ge3A_126 = arith.cmpi sge, %mul3A_114, %ge3A : i32
      %convert_element_type3A = arith.extui %ge3A_126 : i1 to i32
      %cond3A = arith.constant 0 : i32
      %cond3A_127 = arith.cmpi ne, %convert_element_type3A, %cond3A : i32
      scf.if %cond3A_127 {
        %dma_wait3A_215 = arith.constant 0 : i32
        %dma_wait3A_216 = arith.constant 0 : i32
        %dma_wait3A_217 = arith.constant 0 : i32
        %dma_wait3A_218 = arith.constant 0 : i32
        %dma_wait3A_219 = arith.constant 0 : i32
        %dma_wait3A_220 = tpu.memref_slice %arg9[%dma_wait3A_217, %dma_wait3A_218, %dma_wait3A_219] : memref<8x8x129xf32, #tpu.memory_space<vmem>> -> memref<8x8x128xf32, #tpu.memory_space<vmem>>
        %dma_wait3A_221 = arith.constant 0 : i32
        %dma_wait3A_222 = arith.constant 0 : i32
        %dma_wait3A_223 = arith.constant 0 : i32
        %dma_wait3A_224 = tpu.memref_slice %arg4[%dma_wait3A_215, %dma_wait3A_221, %dma_wait3A_216, %dma_wait3A_222, %dma_wait3A_223] : memref<50x8x128x8x128xf32, #tpu.memory_space<hbm>> -> memref<1x8x1x8x128xf32, #tpu.memory_space<hbm>>
        %dma_wait3A_225 = tpu.memref_squeeze %dma_wait3A_224 : memref<1x8x1x8x128xf32, #tpu.memory_space<hbm>> -> memref<8x8x128xf32, #tpu.memory_space<hbm>>
        %dma_wait3A_226 = arith.constant 0 : i32
        %dma_wait3A_227 = arith.constant 0 : i32
        %dma_wait3A_228 = arith.constant 0 : i32
        %dma_wait3A_229 = tpu.memref_slice %arg4[%dma_wait3A_215, %dma_wait3A_226, %dma_wait3A_216, %dma_wait3A_227, %dma_wait3A_228] : memref<50x8x128x8x128xf32, #tpu.memory_space<hbm>> -> memref<1x8x1x8x128xf32, #tpu.memory_space<hbm>>
        %dma_wait3A_230 = tpu.memref_squeeze %dma_wait3A_229 : memref<1x8x1x8x128xf32, #tpu.memory_space<hbm>> -> memref<8x8x128xf32, #tpu.memory_space<hbm>>
        %dma_wait3A_231 = arith.constant 0 : i32
        %dma_wait3A_232 = arith.constant 0 : i32
        %dma_wait3A_233 = arith.constant 0 : i32
        %dma_wait3A_234 = tpu.memref_slice %arg9[%dma_wait3A_231, %dma_wait3A_232, %dma_wait3A_233] : memref<8x8x129xf32, #tpu.memory_space<vmem>> -> memref<8x8x128xf32, #tpu.memory_space<vmem>>
        tpu.wait_dma2 semaphore(%arg13 : memref<!tpu.dma_semaphore, #tpu.memory_space<semaphore_mem>>) src(%dma_wait3A_234 : memref<8x8x128xf32, #tpu.memory_space<vmem>>) dst(%dma_wait3A_230 : memref<8x8x128xf32, #tpu.memory_space<hbm>>)
      } else {
      }
      %scan3A_128 = arith.constant 0 : i32
      %scan3A_129 = arith.constant 0 : i32
      %scan3A_130 = arith.constant 128 : i32
      %scan3A_131 = arith.addi %scan3A_129, %scan3A_130 : i32
      %scan3A_132 = arith.constant 16 : i32
      scf.for %scan3A_215 = %scan3A_129 to %scan3A_131 step %scan3A_132  : i32 {
        %and3A = arith.constant 0 : i32
        %and3A_216 = vector.broadcast %and3A : i32 to vector<16xi32>
        %and3A_217 = arith.andi %iota3A, %and3A_216 : vector<16xi32>
        %add3A_218 = vector.broadcast %scan3A_215 : i32 to vector<16xi32>
        %add3A_219 = arith.addi %and3A_217, %add3A_218 : vector<16xi32>
        %get3A = arith.index_cast %scan3A_215 : i32 to index
        %get3A_220 = arith.constant 0 : index
        %get3A_221 = tpu.vector_load %arg7[%get3A, %get3A_220] {strides = array<i32>} : memref<128x64xf32, #tpu.memory_space<vmem>>, vector<16xf32>,
        %mul3A_222 = arith.constant 8.000000e+00 : f32
        %mul3A_223 = vector.broadcast %mul3A_222 : f32 to vector<16xf32>
        %mul3A_224 = arith.mulf %get3A_221, %mul3A_223 : vector<16xf32>
        tpu.vector_store_idx %arg9[%div3A_21, %rem3A_32, %add3A_219], %mul3A_224 : memref<8x8x129xf32, #tpu.memory_space<vmem>>[vector<16xi32>, vector<16xi32>, vector<16xi32>], vector<16xf32>,
        %get3A_225 = arith.index_cast %scan3A_215 : i32 to index
        %get3A_226 = arith.constant 16 : index
        %get3A_227 = tpu.vector_load %arg7[%get3A_225, %get3A_226] {strides = array<i32>} : memref<128x64xf32, #tpu.memory_space<vmem>>, vector<16xf32>,
        %mul3A_228 = arith.constant 8.000000e+00 : f32
        %mul3A_229 = vector.broadcast %mul3A_228 : f32 to vector<16xf32>
        %mul3A_230 = arith.mulf %get3A_227, %mul3A_229 : vector<16xf32>
        tpu.vector_store_idx %arg9[%div3A_24, %rem3A_35, %add3A_219], %mul3A_230 : memref<8x8x129xf32, #tpu.memory_space<vmem>>[vector<16xi32>, vector<16xi32>, vector<16xi32>], vector<16xf32>,
        %get3A_231 = arith.index_cast %scan3A_215 : i32 to index
        %get3A_232 = arith.constant 32 : index
        %get3A_233 = tpu.vector_load %arg7[%get3A_231, %get3A_232] {strides = array<i32>} : memref<128x64xf32, #tpu.memory_space<vmem>>, vector<16xf32>,
        %mul3A_234 = arith.constant 8.000000e+00 : f32
        %mul3A_235 = vector.broadcast %mul3A_234 : f32 to vector<16xf32>
        %mul3A_236 = arith.mulf %get3A_233, %mul3A_235 : vector<16xf32>
        tpu.vector_store_idx %arg9[%div3A_27, %rem3A_38, %add3A_219], %mul3A_236 : memref<8x8x129xf32, #tpu.memory_space<vmem>>[vector<16xi32>, vector<16xi32>, vector<16xi32>], vector<16xf32>,
        %get3A_237 = arith.index_cast %scan3A_215 : i32 to index
        %get3A_238 = arith.constant 48 : index
        %get3A_239 = tpu.vector_load %arg7[%get3A_237, %get3A_238] {strides = array<i32>} : memref<128x64xf32, #tpu.memory_space<vmem>>, vector<16xf32>,
        %mul3A_240 = arith.constant 8.000000e+00 : f32
        %mul3A_241 = vector.broadcast %mul3A_240 : f32 to vector<16xf32>
        %mul3A_242 = arith.mulf %get3A_239, %mul3A_241 : vector<16xf32>
        tpu.vector_store_idx %arg9[%div3A_30, %rem3A_41, %add3A_219], %mul3A_242 : memref<8x8x129xf32, #tpu.memory_space<vmem>>[vector<16xi32>, vector<16xi32>, vector<16xi32>], vector<16xf32>,
        %scan3A_243 = arith.constant 1 : i32
        %scan3A_244 = arith.addi %scan3A_215, %scan3A_243 : i32
        %and3A_245 = arith.constant 0 : i32
        %and3A_246 = vector.broadcast %and3A_245 : i32 to vector<16xi32>
        %and3A_247 = arith.andi %iota3A, %and3A_246 : vector<16xi32>
        %add3A_248 = vector.broadcast %scan3A_244 : i32 to vector<16xi32>
        %add3A_249 = arith.addi %and3A_247, %add3A_248 : vector<16xi32>
        %get3A_250 = arith.index_cast %scan3A_244 : i32 to index
        %get3A_251 = arith.constant 0 : index
        %get3A_252 = tpu.vector_load %arg7[%get3A_250, %get3A_251] {strides = array<i32>} : memref<128x64xf32, #tpu.memory_space<vmem>>, vector<16xf32>,
        %mul3A_253 = arith.constant 8.000000e+00 : f32
        %mul3A_254 = vector.broadcast %mul3A_253 : f32 to vector<16xf32>
        %mul3A_255 = arith.mulf %get3A_252, %mul3A_254 : vector<16xf32>
        tpu.vector_store_idx %arg9[%div3A_21, %rem3A_32, %add3A_249], %mul3A_255 : memref<8x8x129xf32, #tpu.memory_space<vmem>>[vector<16xi32>, vector<16xi32>, vector<16xi32>], vector<16xf32>,
        %get3A_256 = arith.index_cast %scan3A_244 : i32 to index
        %get3A_257 = arith.constant 16 : index
        %get3A_258 = tpu.vector_load %arg7[%get3A_256, %get3A_257] {strides = array<i32>} : memref<128x64xf32, #tpu.memory_space<vmem>>, vector<16xf32>,
        %mul3A_259 = arith.constant 8.000000e+00 : f32
        %mul3A_260 = vector.broadcast %mul3A_259 : f32 to vector<16xf32>
        %mul3A_261 = arith.mulf %get3A_258, %mul3A_260 : vector<16xf32>
        tpu.vector_store_idx %arg9[%div3A_24, %rem3A_35, %add3A_249], %mul3A_261 : memref<8x8x129xf32, #tpu.memory_space<vmem>>[vector<16xi32>, vector<16xi32>, vector<16xi32>], vector<16xf32>,
        %get3A_262 = arith.index_cast %scan3A_244 : i32 to index
        %get3A_263 = arith.constant 32 : index
        %get3A_264 = tpu.vector_load %arg7[%get3A_262, %get3A_263] {strides = array<i32>} : memref<128x64xf32, #tpu.memory_space<vmem>>, vector<16xf32>,
        %mul3A_265 = arith.constant 8.000000e+00 : f32
        %mul3A_266 = vector.broadcast %mul3A_265 : f32 to vector<16xf32>
        %mul3A_267 = arith.mulf %get3A_264, %mul3A_266 : vector<16xf32>
        tpu.vector_store_idx %arg9[%div3A_27, %rem3A_38, %add3A_249], %mul3A_267 : memref<8x8x129xf32, #tpu.memory_space<vmem>>[vector<16xi32>, vector<16xi32>, vector<16xi32>], vector<16xf32>,
        %get3A_268 = arith.index_cast %scan3A_244 : i32 to index
        %get3A_269 = arith.constant 48 : index
        %get3A_270 = tpu.vector_load %arg7[%get3A_268, %get3A_269] {strides = array<i32>} : memref<128x64xf32, #tpu.memory_space<vmem>>, vector<16xf32>,
        %mul3A_271 = arith.constant 8.000000e+00 : f32
        %mul3A_272 = vector.broadcast %mul3A_271 : f32 to vector<16xf32>
        %mul3A_273 = arith.mulf %get3A_270, %mul3A_272 : vector<16xf32>
        tpu.vector_store_idx %arg9[%div3A_30, %rem3A_41, %add3A_249], %mul3A_273 : memref<8x8x129xf32, #tpu.memory_space<vmem>>[vector<16xi32>, vector<16xi32>, vector<16xi32>], vector<16xf32>,
        %scan3A_274 = arith.constant 2 : i32
        %scan3A_275 = arith.addi %scan3A_215, %scan3A_274 : i32
        %and3A_276 = arith.constant 0 : i32
        %and3A_277 = vector.broadcast %and3A_276 : i32 to vector<16xi32>
        %and3A_278 = arith.andi %iota3A, %and3A_277 : vector<16xi32>
        %add3A_279 = vector.broadcast %scan3A_275 : i32 to vector<16xi32>
        %add3A_280 = arith.addi %and3A_278, %add3A_279 : vector<16xi32>
        %get3A_281 = arith.index_cast %scan3A_275 : i32 to index
        %get3A_282 = arith.constant 0 : index
        %get3A_283 = tpu.vector_load %arg7[%get3A_281, %get3A_282] {strides = array<i32>} : memref<128x64xf32, #tpu.memory_space<vmem>>, vector<16xf32>,
        %mul3A_284 = arith.constant 8.000000e+00 : f32
        %mul3A_285 = vector.broadcast %mul3A_284 : f32 to vector<16xf32>
        %mul3A_286 = arith.mulf %get3A_283, %mul3A_285 : vector<16xf32>
        tpu.vector_store_idx %arg9[%div3A_21, %rem3A_32, %add3A_280], %mul3A_286 : memref<8x8x129xf32, #tpu.memory_space<vmem>>[vector<16xi32>, vector<16xi32>, vector<16xi32>], vector<16xf32>,
        %get3A_287 = arith.index_cast %scan3A_275 : i32 to index
        %get3A_288 = arith.constant 16 : index
        %get3A_289 = tpu.vector_load %arg7[%get3A_287, %get3A_288] {strides = array<i32>} : memref<128x64xf32, #tpu.memory_space<vmem>>, vector<16xf32>,
        %mul3A_290 = arith.constant 8.000000e+00 : f32
        %mul3A_291 = vector.broadcast %mul3A_290 : f32 to vector<16xf32>
        %mul3A_292 = arith.mulf %get3A_289, %mul3A_291 : vector<16xf32>
        tpu.vector_store_idx %arg9[%div3A_24, %rem3A_35, %add3A_280], %mul3A_292 : memref<8x8x129xf32, #tpu.memory_space<vmem>>[vector<16xi32>, vector<16xi32>, vector<16xi32>], vector<16xf32>,
        %get3A_293 = arith.index_cast %scan3A_275 : i32 to index
        %get3A_294 = arith.constant 32 : index
        %get3A_295 = tpu.vector_load %arg7[%get3A_293, %get3A_294] {strides = array<i32>} : memref<128x64xf32, #tpu.memory_space<vmem>>, vector<16xf32>,
        %mul3A_296 = arith.constant 8.000000e+00 : f32
        %mul3A_297 = vector.broadcast %mul3A_296 : f32 to vector<16xf32>
        %mul3A_298 = arith.mulf %get3A_295, %mul3A_297 : vector<16xf32>
        tpu.vector_store_idx %arg9[%div3A_27, %rem3A_38, %add3A_280], %mul3A_298 : memref<8x8x129xf32, #tpu.memory_space<vmem>>[vector<16xi32>, vector<16xi32>, vector<16xi32>], vector<16xf32>,
        %get3A_299 = arith.index_cast %scan3A_275 : i32 to index
        %get3A_300 = arith.constant 48 : index
        %get3A_301 = tpu.vector_load %arg7[%get3A_299, %get3A_300] {strides = array<i32>} : memref<128x64xf32, #tpu.memory_space<vmem>>, vector<16xf32>,
        %mul3A_302 = arith.constant 8.000000e+00 : f32
        %mul3A_303 = vector.broadcast %mul3A_302 : f32 to vector<16xf32>
        %mul3A_304 = arith.mulf %get3A_301, %mul3A_303 : vector<16xf32>
        tpu.vector_store_idx %arg9[%div3A_30, %rem3A_41, %add3A_280], %mul3A_304 : memref<8x8x129xf32, #tpu.memory_space<vmem>>[vector<16xi32>, vector<16xi32>, vector<16xi32>], vector<16xf32>,
        %scan3A_305 = arith.constant 3 : i32
        %scan3A_306 = arith.addi %scan3A_215, %scan3A_305 : i32
        %and3A_307 = arith.constant 0 : i32
        %and3A_308 = vector.broadcast %and3A_307 : i32 to vector<16xi32>
        %and3A_309 = arith.andi %iota3A, %and3A_308 : vector<16xi32>
        %add3A_310 = vector.broadcast %scan3A_306 : i32 to vector<16xi32>
        %add3A_311 = arith.addi %and3A_309, %add3A_310 : vector<16xi32>
        %get3A_312 = arith.index_cast %scan3A_306 : i32 to index
        %get3A_313 = arith.constant 0 : index
        %get3A_314 = tpu.vector_load %arg7[%get3A_312, %get3A_313] {strides = array<i32>} : memref<128x64xf32, #tpu.memory_space<vmem>>, vector<16xf32>,
        %mul3A_315 = arith.constant 8.000000e+00 : f32
        %mul3A_316 = vector.broadcast %mul3A_315 : f32 to vector<16xf32>
        %mul3A_317 = arith.mulf %get3A_314, %mul3A_316 : vector<16xf32>
        tpu.vector_store_idx %arg9[%div3A_21, %rem3A_32, %add3A_311], %mul3A_317 : memref<8x8x129xf32, #tpu.memory_space<vmem>>[vector<16xi32>, vector<16xi32>, vector<16xi32>], vector<16xf32>,
        %get3A_318 = arith.index_cast %scan3A_306 : i32 to index
        %get3A_319 = arith.constant 16 : index
        %get3A_320 = tpu.vector_load %arg7[%get3A_318, %get3A_319] {strides = array<i32>} : memref<128x64xf32, #tpu.memory_space<vmem>>, vector<16xf32>,
        %mul3A_321 = arith.constant 8.000000e+00 : f32
        %mul3A_322 = vector.broadcast %mul3A_321 : f32 to vector<16xf32>
        %mul3A_323 = arith.mulf %get3A_320, %mul3A_322 : vector<16xf32>
        tpu.vector_store_idx %arg9[%div3A_24, %rem3A_35, %add3A_311], %mul3A_323 : memref<8x8x129xf32, #tpu.memory_space<vmem>>[vector<16xi32>, vector<16xi32>, vector<16xi32>], vector<16xf32>,
        %get3A_324 = arith.index_cast %scan3A_306 : i32 to index
        %get3A_325 = arith.constant 32 : index
        %get3A_326 = tpu.vector_load %arg7[%get3A_324, %get3A_325] {strides = array<i32>} : memref<128x64xf32, #tpu.memory_space<vmem>>, vector<16xf32>,
        %mul3A_327 = arith.constant 8.000000e+00 : f32
        %mul3A_328 = vector.broadcast %mul3A_327 : f32 to vector<16xf32>
        %mul3A_329 = arith.mulf %get3A_326, %mul3A_328 : vector<16xf32>
        tpu.vector_store_idx %arg9[%div3A_27, %rem3A_38, %add3A_311], %mul3A_329 : memref<8x8x129xf32, #tpu.memory_space<vmem>>[vector<16xi32>, vector<16xi32>, vector<16xi32>], vector<16xf32>,
        %get3A_330 = arith.index_cast %scan3A_306 : i32 to index
        %get3A_331 = arith.constant 48 : index
        %get3A_332 = tpu.vector_load %arg7[%get3A_330, %get3A_331] {strides = array<i32>} : memref<128x64xf32, #tpu.memory_space<vmem>>, vector<16xf32>,
        %mul3A_333 = arith.constant 8.000000e+00 : f32
        %mul3A_334 = vector.broadcast %mul3A_333 : f32 to vector<16xf32>
        %mul3A_335 = arith.mulf %get3A_332, %mul3A_334 : vector<16xf32>
        tpu.vector_store_idx %arg9[%div3A_30, %rem3A_41, %add3A_311], %mul3A_335 : memref<8x8x129xf32, #tpu.memory_space<vmem>>[vector<16xi32>, vector<16xi32>, vector<16xi32>], vector<16xf32>,
        %scan3A_336 = arith.constant 4 : i32
        %scan3A_337 = arith.addi %scan3A_215, %scan3A_336 : i32
        %and3A_338 = arith.constant 0 : i32
        %and3A_339 = vector.broadcast %and3A_338 : i32 to vector<16xi32>
        %and3A_340 = arith.andi %iota3A, %and3A_339 : vector<16xi32>
        %add3A_341 = vector.broadcast %scan3A_337 : i32 to vector<16xi32>
        %add3A_342 = arith.addi %and3A_340, %add3A_341 : vector<16xi32>
        %get3A_343 = arith.index_cast %scan3A_337 : i32 to index
        %get3A_344 = arith.constant 0 : index
        %get3A_345 = tpu.vector_load %arg7[%get3A_343, %get3A_344] {strides = array<i32>} : memref<128x64xf32, #tpu.memory_space<vmem>>, vector<16xf32>,
        %mul3A_346 = arith.constant 8.000000e+00 : f32
        %mul3A_347 = vector.broadcast %mul3A_346 : f32 to vector<16xf32>
        %mul3A_348 = arith.mulf %get3A_345, %mul3A_347 : vector<16xf32>
        tpu.vector_store_idx %arg9[%div3A_21, %rem3A_32, %add3A_342], %mul3A_348 : memref<8x8x129xf32, #tpu.memory_space<vmem>>[vector<16xi32>, vector<16xi32>, vector<16xi32>], vector<16xf32>,
        %get3A_349 = arith.index_cast %scan3A_337 : i32 to index
        %get3A_350 = arith.constant 16 : index
        %get3A_351 = tpu.vector_load %arg7[%get3A_349, %get3A_350] {strides = array<i32>} : memref<128x64xf32, #tpu.memory_space<vmem>>, vector<16xf32>,
        %mul3A_352 = arith.constant 8.000000e+00 : f32
        %mul3A_353 = vector.broadcast %mul3A_352 : f32 to vector<16xf32>
        %mul3A_354 = arith.mulf %get3A_351, %mul3A_353 : vector<16xf32>
        tpu.vector_store_idx %arg9[%div3A_24, %rem3A_35, %add3A_342], %mul3A_354 : memref<8x8x129xf32, #tpu.memory_space<vmem>>[vector<16xi32>, vector<16xi32>, vector<16xi32>], vector<16xf32>,
        %get3A_355 = arith.index_cast %scan3A_337 : i32 to index
        %get3A_356 = arith.constant 32 : index
        %get3A_357 = tpu.vector_load %arg7[%get3A_355, %get3A_356] {strides = array<i32>} : memref<128x64xf32, #tpu.memory_space<vmem>>, vector<16xf32>,
        %mul3A_358 = arith.constant 8.000000e+00 : f32
        %mul3A_359 = vector.broadcast %mul3A_358 : f32 to vector<16xf32>
        %mul3A_360 = arith.mulf %get3A_357, %mul3A_359 : vector<16xf32>
        tpu.vector_store_idx %arg9[%div3A_27, %rem3A_38, %add3A_342], %mul3A_360 : memref<8x8x129xf32, #tpu.memory_space<vmem>>[vector<16xi32>, vector<16xi32>, vector<16xi32>], vector<16xf32>,
        %get3A_361 = arith.index_cast %scan3A_337 : i32 to index
        %get3A_362 = arith.constant 48 : index
        %get3A_363 = tpu.vector_load %arg7[%get3A_361, %get3A_362] {strides = array<i32>} : memref<128x64xf32, #tpu.memory_space<vmem>>, vector<16xf32>,
        %mul3A_364 = arith.constant 8.000000e+00 : f32
        %mul3A_365 = vector.broadcast %mul3A_364 : f32 to vector<16xf32>
        %mul3A_366 = arith.mulf %get3A_363, %mul3A_365 : vector<16xf32>
        tpu.vector_store_idx %arg9[%div3A_30, %rem3A_41, %add3A_342], %mul3A_366 : memref<8x8x129xf32, #tpu.memory_space<vmem>>[vector<16xi32>, vector<16xi32>, vector<16xi32>], vector<16xf32>,
        %scan3A_367 = arith.constant 5 : i32
        %scan3A_368 = arith.addi %scan3A_215, %scan3A_367 : i32
        %and3A_369 = arith.constant 0 : i32
        %and3A_370 = vector.broadcast %and3A_369 : i32 to vector<16xi32>
        %and3A_371 = arith.andi %iota3A, %and3A_370 : vector<16xi32>
        %add3A_372 = vector.broadcast %scan3A_368 : i32 to vector<16xi32>
        %add3A_373 = arith.addi %and3A_371, %add3A_372 : vector<16xi32>
        %get3A_374 = arith.index_cast %scan3A_368 : i32 to index
        %get3A_375 = arith.constant 0 : index
        %get3A_376 = tpu.vector_load %arg7[%get3A_374, %get3A_375] {strides = array<i32>} : memref<128x64xf32, #tpu.memory_space<vmem>>, vector<16xf32>,
        %mul3A_377 = arith.constant 8.000000e+00 : f32
        %mul3A_378 = vector.broadcast %mul3A_377 : f32 to vector<16xf32>
        %mul3A_379 = arith.mulf %get3A_376, %mul3A_378 : vector<16xf32>
        tpu.vector_store_idx %arg9[%div3A_21, %rem3A_32, %add3A_373], %mul3A_379 : memref<8x8x129xf32, #tpu.memory_space<vmem>>[vector<16xi32>, vector<16xi32>, vector<16xi32>], vector<16xf32>,
        %get3A_380 = arith.index_cast %scan3A_368 : i32 to index
        %get3A_381 = arith.constant 16 : index
        %get3A_382 = tpu.vector_load %arg7[%get3A_380, %get3A_381] {strides = array<i32>} : memref<128x64xf32, #tpu.memory_space<vmem>>, vector<16xf32>,
        %mul3A_383 = arith.constant 8.000000e+00 : f32
        %mul3A_384 = vector.broadcast %mul3A_383 : f32 to vector<16xf32>
        %mul3A_385 = arith.mulf %get3A_382, %mul3A_384 : vector<16xf32>
        tpu.vector_store_idx %arg9[%div3A_24, %rem3A_35, %add3A_373], %mul3A_385 : memref<8x8x129xf32, #tpu.memory_space<vmem>>[vector<16xi32>, vector<16xi32>, vector<16xi32>], vector<16xf32>,
        %get3A_386 = arith.index_cast %scan3A_368 : i32 to index
        %get3A_387 = arith.constant 32 : index
        %get3A_388 = tpu.vector_load %arg7[%get3A_386, %get3A_387] {strides = array<i32>} : memref<128x64xf32, #tpu.memory_space<vmem>>, vector<16xf32>,
        %mul3A_389 = arith.constant 8.000000e+00 : f32
        %mul3A_390 = vector.broadcast %mul3A_389 : f32 to vector<16xf32>
        %mul3A_391 = arith.mulf %get3A_388, %mul3A_390 : vector<16xf32>
        tpu.vector_store_idx %arg9[%div3A_27, %rem3A_38, %add3A_373], %mul3A_391 : memref<8x8x129xf32, #tpu.memory_space<vmem>>[vector<16xi32>, vector<16xi32>, vector<16xi32>], vector<16xf32>,
        %get3A_392 = arith.index_cast %scan3A_368 : i32 to index
        %get3A_393 = arith.constant 48 : index
        %get3A_394 = tpu.vector_load %arg7[%get3A_392, %get3A_393] {strides = array<i32>} : memref<128x64xf32, #tpu.memory_space<vmem>>, vector<16xf32>,
        %mul3A_395 = arith.constant 8.000000e+00 : f32
        %mul3A_396 = vector.broadcast %mul3A_395 : f32 to vector<16xf32>
        %mul3A_397 = arith.mulf %get3A_394, %mul3A_396 : vector<16xf32>
        tpu.vector_store_idx %arg9[%div3A_30, %rem3A_41, %add3A_373], %mul3A_397 : memref<8x8x129xf32, #tpu.memory_space<vmem>>[vector<16xi32>, vector<16xi32>, vector<16xi32>], vector<16xf32>,
        %scan3A_398 = arith.constant 6 : i32
        %scan3A_399 = arith.addi %scan3A_215, %scan3A_398 : i32
        %and3A_400 = arith.constant 0 : i32
        %and3A_401 = vector.broadcast %and3A_400 : i32 to vector<16xi32>
        %and3A_402 = arith.andi %iota3A, %and3A_401 : vector<16xi32>
        %add3A_403 = vector.broadcast %scan3A_399 : i32 to vector<16xi32>
        %add3A_404 = arith.addi %and3A_402, %add3A_403 : vector<16xi32>
        %get3A_405 = arith.index_cast %scan3A_399 : i32 to index
        %get3A_406 = arith.constant 0 : index
        %get3A_407 = tpu.vector_load %arg7[%get3A_405, %get3A_406] {strides = array<i32>} : memref<128x64xf32, #tpu.memory_space<vmem>>, vector<16xf32>,
        %mul3A_408 = arith.constant 8.000000e+00 : f32
        %mul3A_409 = vector.broadcast %mul3A_408 : f32 to vector<16xf32>
        %mul3A_410 = arith.mulf %get3A_407, %mul3A_409 : vector<16xf32>
        tpu.vector_store_idx %arg9[%div3A_21, %rem3A_32, %add3A_404], %mul3A_410 : memref<8x8x129xf32, #tpu.memory_space<vmem>>[vector<16xi32>, vector<16xi32>, vector<16xi32>], vector<16xf32>,
        %get3A_411 = arith.index_cast %scan3A_399 : i32 to index
        %get3A_412 = arith.constant 16 : index
        %get3A_413 = tpu.vector_load %arg7[%get3A_411, %get3A_412] {strides = array<i32>} : memref<128x64xf32, #tpu.memory_space<vmem>>, vector<16xf32>,
        %mul3A_414 = arith.constant 8.000000e+00 : f32
        %mul3A_415 = vector.broadcast %mul3A_414 : f32 to vector<16xf32>
        %mul3A_416 = arith.mulf %get3A_413, %mul3A_415 : vector<16xf32>
        tpu.vector_store_idx %arg9[%div3A_24, %rem3A_35, %add3A_404], %mul3A_416 : memref<8x8x129xf32, #tpu.memory_space<vmem>>[vector<16xi32>, vector<16xi32>, vector<16xi32>], vector<16xf32>,
        %get3A_417 = arith.index_cast %scan3A_399 : i32 to index
        %get3A_418 = arith.constant 32 : index
        %get3A_419 = tpu.vector_load %arg7[%get3A_417, %get3A_418] {strides = array<i32>} : memref<128x64xf32, #tpu.memory_space<vmem>>, vector<16xf32>,
        %mul3A_420 = arith.constant 8.000000e+00 : f32
        %mul3A_421 = vector.broadcast %mul3A_420 : f32 to vector<16xf32>
        %mul3A_422 = arith.mulf %get3A_419, %mul3A_421 : vector<16xf32>
        tpu.vector_store_idx %arg9[%div3A_27, %rem3A_38, %add3A_404], %mul3A_422 : memref<8x8x129xf32, #tpu.memory_space<vmem>>[vector<16xi32>, vector<16xi32>, vector<16xi32>], vector<16xf32>,
        %get3A_423 = arith.index_cast %scan3A_399 : i32 to index
        %get3A_424 = arith.constant 48 : index
        %get3A_425 = tpu.vector_load %arg7[%get3A_423, %get3A_424] {strides = array<i32>} : memref<128x64xf32, #tpu.memory_space<vmem>>, vector<16xf32>,
        %mul3A_426 = arith.constant 8.000000e+00 : f32
        %mul3A_427 = vector.broadcast %mul3A_426 : f32 to vector<16xf32>
        %mul3A_428 = arith.mulf %get3A_425, %mul3A_427 : vector<16xf32>
        tpu.vector_store_idx %arg9[%div3A_30, %rem3A_41, %add3A_404], %mul3A_428 : memref<8x8x129xf32, #tpu.memory_space<vmem>>[vector<16xi32>, vector<16xi32>, vector<16xi32>], vector<16xf32>,
        %scan3A_429 = arith.constant 7 : i32
        %scan3A_430 = arith.addi %scan3A_215, %scan3A_429 : i32
        %and3A_431 = arith.constant 0 : i32
        %and3A_432 = vector.broadcast %and3A_431 : i32 to vector<16xi32>
        %and3A_433 = arith.andi %iota3A, %and3A_432 : vector<16xi32>
        %add3A_434 = vector.broadcast %scan3A_430 : i32 to vector<16xi32>
        %add3A_435 = arith.addi %and3A_433, %add3A_434 : vector<16xi32>
        %get3A_436 = arith.index_cast %scan3A_430 : i32 to index
        %get3A_437 = arith.constant 0 : index
        %get3A_438 = tpu.vector_load %arg7[%get3A_436, %get3A_437] {strides = array<i32>} : memref<128x64xf32, #tpu.memory_space<vmem>>, vector<16xf32>,
        %mul3A_439 = arith.constant 8.000000e+00 : f32
        %mul3A_440 = vector.broadcast %mul3A_439 : f32 to vector<16xf32>
        %mul3A_441 = arith.mulf %get3A_438, %mul3A_440 : vector<16xf32>
        tpu.vector_store_idx %arg9[%div3A_21, %rem3A_32, %add3A_435], %mul3A_441 : memref<8x8x129xf32, #tpu.memory_space<vmem>>[vector<16xi32>, vector<16xi32>, vector<16xi32>], vector<16xf32>,
        %get3A_442 = arith.index_cast %scan3A_430 : i32 to index
        %get3A_443 = arith.constant 16 : index
        %get3A_444 = tpu.vector_load %arg7[%get3A_442, %get3A_443] {strides = array<i32>} : memref<128x64xf32, #tpu.memory_space<vmem>>, vector<16xf32>,
        %mul3A_445 = arith.constant 8.000000e+00 : f32
        %mul3A_446 = vector.broadcast %mul3A_445 : f32 to vector<16xf32>
        %mul3A_447 = arith.mulf %get3A_444, %mul3A_446 : vector<16xf32>
        tpu.vector_store_idx %arg9[%div3A_24, %rem3A_35, %add3A_435], %mul3A_447 : memref<8x8x129xf32, #tpu.memory_space<vmem>>[vector<16xi32>, vector<16xi32>, vector<16xi32>], vector<16xf32>,
        %get3A_448 = arith.index_cast %scan3A_430 : i32 to index
        %get3A_449 = arith.constant 32 : index
        %get3A_450 = tpu.vector_load %arg7[%get3A_448, %get3A_449] {strides = array<i32>} : memref<128x64xf32, #tpu.memory_space<vmem>>, vector<16xf32>,
        %mul3A_451 = arith.constant 8.000000e+00 : f32
        %mul3A_452 = vector.broadcast %mul3A_451 : f32 to vector<16xf32>
        %mul3A_453 = arith.mulf %get3A_450, %mul3A_452 : vector<16xf32>
        tpu.vector_store_idx %arg9[%div3A_27, %rem3A_38, %add3A_435], %mul3A_453 : memref<8x8x129xf32, #tpu.memory_space<vmem>>[vector<16xi32>, vector<16xi32>, vector<16xi32>], vector<16xf32>,
        %get3A_454 = arith.index_cast %scan3A_430 : i32 to index
        %get3A_455 = arith.constant 48 : index
        %get3A_456 = tpu.vector_load %arg7[%get3A_454, %get3A_455] {strides = array<i32>} : memref<128x64xf32, #tpu.memory_space<vmem>>, vector<16xf32>,
        %mul3A_457 = arith.constant 8.000000e+00 : f32
        %mul3A_458 = vector.broadcast %mul3A_457 : f32 to vector<16xf32>
        %mul3A_459 = arith.mulf %get3A_456, %mul3A_458 : vector<16xf32>
        tpu.vector_store_idx %arg9[%div3A_30, %rem3A_41, %add3A_435], %mul3A_459 : memref<8x8x129xf32, #tpu.memory_space<vmem>>[vector<16xi32>, vector<16xi32>, vector<16xi32>], vector<16xf32>,
        %scan3A_460 = arith.constant 8 : i32
        %scan3A_461 = arith.addi %scan3A_215, %scan3A_460 : i32
        %and3A_462 = arith.constant 0 : i32
        %and3A_463 = vector.broadcast %and3A_462 : i32 to vector<16xi32>
        %and3A_464 = arith.andi %iota3A, %and3A_463 : vector<16xi32>
        %add3A_465 = vector.broadcast %scan3A_461 : i32 to vector<16xi32>
        %add3A_466 = arith.addi %and3A_464, %add3A_465 : vector<16xi32>
        %get3A_467 = arith.index_cast %scan3A_461 : i32 to index
        %get3A_468 = arith.constant 0 : index
        %get3A_469 = tpu.vector_load %arg7[%get3A_467, %get3A_468] {strides = array<i32>} : memref<128x64xf32, #tpu.memory_space<vmem>>, vector<16xf32>,
        %mul3A_470 = arith.constant 8.000000e+00 : f32
        %mul3A_471 = vector.broadcast %mul3A_470 : f32 to vector<16xf32>
        %mul3A_472 = arith.mulf %get3A_469, %mul3A_471 : vector<16xf32>
        tpu.vector_store_idx %arg9[%div3A_21, %rem3A_32, %add3A_466], %mul3A_472 : memref<8x8x129xf32, #tpu.memory_space<vmem>>[vector<16xi32>, vector<16xi32>, vector<16xi32>], vector<16xf32>,
        %get3A_473 = arith.index_cast %scan3A_461 : i32 to index
        %get3A_474 = arith.constant 16 : index
        %get3A_475 = tpu.vector_load %arg7[%get3A_473, %get3A_474] {strides = array<i32>} : memref<128x64xf32, #tpu.memory_space<vmem>>, vector<16xf32>,
        %mul3A_476 = arith.constant 8.000000e+00 : f32
        %mul3A_477 = vector.broadcast %mul3A_476 : f32 to vector<16xf32>
        %mul3A_478 = arith.mulf %get3A_475, %mul3A_477 : vector<16xf32>
        tpu.vector_store_idx %arg9[%div3A_24, %rem3A_35, %add3A_466], %mul3A_478 : memref<8x8x129xf32, #tpu.memory_space<vmem>>[vector<16xi32>, vector<16xi32>, vector<16xi32>], vector<16xf32>,
        %get3A_479 = arith.index_cast %scan3A_461 : i32 to index
        %get3A_480 = arith.constant 32 : index
        %get3A_481 = tpu.vector_load %arg7[%get3A_479, %get3A_480] {strides = array<i32>} : memref<128x64xf32, #tpu.memory_space<vmem>>, vector<16xf32>,
        %mul3A_482 = arith.constant 8.000000e+00 : f32
        %mul3A_483 = vector.broadcast %mul3A_482 : f32 to vector<16xf32>
        %mul3A_484 = arith.mulf %get3A_481, %mul3A_483 : vector<16xf32>
        tpu.vector_store_idx %arg9[%div3A_27, %rem3A_38, %add3A_466], %mul3A_484 : memref<8x8x129xf32, #tpu.memory_space<vmem>>[vector<16xi32>, vector<16xi32>, vector<16xi32>], vector<16xf32>,
        %get3A_485 = arith.index_cast %scan3A_461 : i32 to index
        %get3A_486 = arith.constant 48 : index
        %get3A_487 = tpu.vector_load %arg7[%get3A_485, %get3A_486] {strides = array<i32>} : memref<128x64xf32, #tpu.memory_space<vmem>>, vector<16xf32>,
        %mul3A_488 = arith.constant 8.000000e+00 : f32
        %mul3A_489 = vector.broadcast %mul3A_488 : f32 to vector<16xf32>
        %mul3A_490 = arith.mulf %get3A_487, %mul3A_489 : vector<16xf32>
        tpu.vector_store_idx %arg9[%div3A_30, %rem3A_41, %add3A_466], %mul3A_490 : memref<8x8x129xf32, #tpu.memory_space<vmem>>[vector<16xi32>, vector<16xi32>, vector<16xi32>], vector<16xf32>,
        %scan3A_491 = arith.constant 9 : i32
        %scan3A_492 = arith.addi %scan3A_215, %scan3A_491 : i32
        %and3A_493 = arith.constant 0 : i32
        %and3A_494 = vector.broadcast %and3A_493 : i32 to vector<16xi32>
        %and3A_495 = arith.andi %iota3A, %and3A_494 : vector<16xi32>
        %add3A_496 = vector.broadcast %scan3A_492 : i32 to vector<16xi32>
        %add3A_497 = arith.addi %and3A_495, %add3A_496 : vector<16xi32>
        %get3A_498 = arith.index_cast %scan3A_492 : i32 to index
        %get3A_499 = arith.constant 0 : index
        %get3A_500 = tpu.vector_load %arg7[%get3A_498, %get3A_499] {strides = array<i32>} : memref<128x64xf32, #tpu.memory_space<vmem>>, vector<16xf32>,
        %mul3A_501 = arith.constant 8.000000e+00 : f32
        %mul3A_502 = vector.broadcast %mul3A_501 : f32 to vector<16xf32>
        %mul3A_503 = arith.mulf %get3A_500, %mul3A_502 : vector<16xf32>
        tpu.vector_store_idx %arg9[%div3A_21, %rem3A_32, %add3A_497], %mul3A_503 : memref<8x8x129xf32, #tpu.memory_space<vmem>>[vector<16xi32>, vector<16xi32>, vector<16xi32>], vector<16xf32>,
        %get3A_504 = arith.index_cast %scan3A_492 : i32 to index
        %get3A_505 = arith.constant 16 : index
        %get3A_506 = tpu.vector_load %arg7[%get3A_504, %get3A_505] {strides = array<i32>} : memref<128x64xf32, #tpu.memory_space<vmem>>, vector<16xf32>,
        %mul3A_507 = arith.constant 8.000000e+00 : f32
        %mul3A_508 = vector.broadcast %mul3A_507 : f32 to vector<16xf32>
        %mul3A_509 = arith.mulf %get3A_506, %mul3A_508 : vector<16xf32>
        tpu.vector_store_idx %arg9[%div3A_24, %rem3A_35, %add3A_497], %mul3A_509 : memref<8x8x129xf32, #tpu.memory_space<vmem>>[vector<16xi32>, vector<16xi32>, vector<16xi32>], vector<16xf32>,
        %get3A_510 = arith.index_cast %scan3A_492 : i32 to index
        %get3A_511 = arith.constant 32 : index
        %get3A_512 = tpu.vector_load %arg7[%get3A_510, %get3A_511] {strides = array<i32>} : memref<128x64xf32, #tpu.memory_space<vmem>>, vector<16xf32>,
        %mul3A_513 = arith.constant 8.000000e+00 : f32
        %mul3A_514 = vector.broadcast %mul3A_513 : f32 to vector<16xf32>
        %mul3A_515 = arith.mulf %get3A_512, %mul3A_514 : vector<16xf32>
        tpu.vector_store_idx %arg9[%div3A_27, %rem3A_38, %add3A_497], %mul3A_515 : memref<8x8x129xf32, #tpu.memory_space<vmem>>[vector<16xi32>, vector<16xi32>, vector<16xi32>], vector<16xf32>,
        %get3A_516 = arith.index_cast %scan3A_492 : i32 to index
        %get3A_517 = arith.constant 48 : index
        %get3A_518 = tpu.vector_load %arg7[%get3A_516, %get3A_517] {strides = array<i32>} : memref<128x64xf32, #tpu.memory_space<vmem>>, vector<16xf32>,
        %mul3A_519 = arith.constant 8.000000e+00 : f32
        %mul3A_520 = vector.broadcast %mul3A_519 : f32 to vector<16xf32>
        %mul3A_521 = arith.mulf %get3A_518, %mul3A_520 : vector<16xf32>
        tpu.vector_store_idx %arg9[%div3A_30, %rem3A_41, %add3A_497], %mul3A_521 : memref<8x8x129xf32, #tpu.memory_space<vmem>>[vector<16xi32>, vector<16xi32>, vector<16xi32>], vector<16xf32>,
        %scan3A_522 = arith.constant 10 : i32
        %scan3A_523 = arith.addi %scan3A_215, %scan3A_522 : i32
        %and3A_524 = arith.constant 0 : i32
        %and3A_525 = vector.broadcast %and3A_524 : i32 to vector<16xi32>
        %and3A_526 = arith.andi %iota3A, %and3A_525 : vector<16xi32>
        %add3A_527 = vector.broadcast %scan3A_523 : i32 to vector<16xi32>
        %add3A_528 = arith.addi %and3A_526, %add3A_527 : vector<16xi32>
        %get3A_529 = arith.index_cast %scan3A_523 : i32 to index
        %get3A_530 = arith.constant 0 : index
        %get3A_531 = tpu.vector_load %arg7[%get3A_529, %get3A_530] {strides = array<i32>} : memref<128x64xf32, #tpu.memory_space<vmem>>, vector<16xf32>,
        %mul3A_532 = arith.constant 8.000000e+00 : f32
        %mul3A_533 = vector.broadcast %mul3A_532 : f32 to vector<16xf32>
        %mul3A_534 = arith.mulf %get3A_531, %mul3A_533 : vector<16xf32>
        tpu.vector_store_idx %arg9[%div3A_21, %rem3A_32, %add3A_528], %mul3A_534 : memref<8x8x129xf32, #tpu.memory_space<vmem>>[vector<16xi32>, vector<16xi32>, vector<16xi32>], vector<16xf32>,
        %get3A_535 = arith.index_cast %scan3A_523 : i32 to index
        %get3A_536 = arith.constant 16 : index
        %get3A_537 = tpu.vector_load %arg7[%get3A_535, %get3A_536] {strides = array<i32>} : memref<128x64xf32, #tpu.memory_space<vmem>>, vector<16xf32>,
        %mul3A_538 = arith.constant 8.000000e+00 : f32
        %mul3A_539 = vector.broadcast %mul3A_538 : f32 to vector<16xf32>
        %mul3A_540 = arith.mulf %get3A_537, %mul3A_539 : vector<16xf32>
        tpu.vector_store_idx %arg9[%div3A_24, %rem3A_35, %add3A_528], %mul3A_540 : memref<8x8x129xf32, #tpu.memory_space<vmem>>[vector<16xi32>, vector<16xi32>, vector<16xi32>], vector<16xf32>,
        %get3A_541 = arith.index_cast %scan3A_523 : i32 to index
        %get3A_542 = arith.constant 32 : index
        %get3A_543 = tpu.vector_load %arg7[%get3A_541, %get3A_542] {strides = array<i32>} : memref<128x64xf32, #tpu.memory_space<vmem>>, vector<16xf32>,
        %mul3A_544 = arith.constant 8.000000e+00 : f32
        %mul3A_545 = vector.broadcast %mul3A_544 : f32 to vector<16xf32>
        %mul3A_546 = arith.mulf %get3A_543, %mul3A_545 : vector<16xf32>
        tpu.vector_store_idx %arg9[%div3A_27, %rem3A_38, %add3A_528], %mul3A_546 : memref<8x8x129xf32, #tpu.memory_space<vmem>>[vector<16xi32>, vector<16xi32>, vector<16xi32>], vector<16xf32>,
        %get3A_547 = arith.index_cast %scan3A_523 : i32 to index
        %get3A_548 = arith.constant 48 : index
        %get3A_549 = tpu.vector_load %arg7[%get3A_547, %get3A_548] {strides = array<i32>} : memref<128x64xf32, #tpu.memory_space<vmem>>, vector<16xf32>,
        %mul3A_550 = arith.constant 8.000000e+00 : f32
        %mul3A_551 = vector.broadcast %mul3A_550 : f32 to vector<16xf32>
        %mul3A_552 = arith.mulf %get3A_549, %mul3A_551 : vector<16xf32>
        tpu.vector_store_idx %arg9[%div3A_30, %rem3A_41, %add3A_528], %mul3A_552 : memref<8x8x129xf32, #tpu.memory_space<vmem>>[vector<16xi32>, vector<16xi32>, vector<16xi32>], vector<16xf32>,
        %scan3A_553 = arith.constant 11 : i32
        %scan3A_554 = arith.addi %scan3A_215, %scan3A_553 : i32
        %and3A_555 = arith.constant 0 : i32
        %and3A_556 = vector.broadcast %and3A_555 : i32 to vector<16xi32>
        %and3A_557 = arith.andi %iota3A, %and3A_556 : vector<16xi32>
        %add3A_558 = vector.broadcast %scan3A_554 : i32 to vector<16xi32>
        %add3A_559 = arith.addi %and3A_557, %add3A_558 : vector<16xi32>
        %get3A_560 = arith.index_cast %scan3A_554 : i32 to index
        %get3A_561 = arith.constant 0 : index
        %get3A_562 = tpu.vector_load %arg7[%get3A_560, %get3A_561] {strides = array<i32>} : memref<128x64xf32, #tpu.memory_space<vmem>>, vector<16xf32>,
        %mul3A_563 = arith.constant 8.000000e+00 : f32
        %mul3A_564 = vector.broadcast %mul3A_563 : f32 to vector<16xf32>
        %mul3A_565 = arith.mulf %get3A_562, %mul3A_564 : vector<16xf32>
        tpu.vector_store_idx %arg9[%div3A_21, %rem3A_32, %add3A_559], %mul3A_565 : memref<8x8x129xf32, #tpu.memory_space<vmem>>[vector<16xi32>, vector<16xi32>, vector<16xi32>], vector<16xf32>,
        %get3A_566 = arith.index_cast %scan3A_554 : i32 to index
        %get3A_567 = arith.constant 16 : index
        %get3A_568 = tpu.vector_load %arg7[%get3A_566, %get3A_567] {strides = array<i32>} : memref<128x64xf32, #tpu.memory_space<vmem>>, vector<16xf32>,
        %mul3A_569 = arith.constant 8.000000e+00 : f32
        %mul3A_570 = vector.broadcast %mul3A_569 : f32 to vector<16xf32>
        %mul3A_571 = arith.mulf %get3A_568, %mul3A_570 : vector<16xf32>
        tpu.vector_store_idx %arg9[%div3A_24, %rem3A_35, %add3A_559], %mul3A_571 : memref<8x8x129xf32, #tpu.memory_space<vmem>>[vector<16xi32>, vector<16xi32>, vector<16xi32>], vector<16xf32>,
        %get3A_572 = arith.index_cast %scan3A_554 : i32 to index
        %get3A_573 = arith.constant 32 : index
        %get3A_574 = tpu.vector_load %arg7[%get3A_572, %get3A_573] {strides = array<i32>} : memref<128x64xf32, #tpu.memory_space<vmem>>, vector<16xf32>,
        %mul3A_575 = arith.constant 8.000000e+00 : f32
        %mul3A_576 = vector.broadcast %mul3A_575 : f32 to vector<16xf32>
        %mul3A_577 = arith.mulf %get3A_574, %mul3A_576 : vector<16xf32>
        tpu.vector_store_idx %arg9[%div3A_27, %rem3A_38, %add3A_559], %mul3A_577 : memref<8x8x129xf32, #tpu.memory_space<vmem>>[vector<16xi32>, vector<16xi32>, vector<16xi32>], vector<16xf32>,
        %get3A_578 = arith.index_cast %scan3A_554 : i32 to index
        %get3A_579 = arith.constant 48 : index
        %get3A_580 = tpu.vector_load %arg7[%get3A_578, %get3A_579] {strides = array<i32>} : memref<128x64xf32, #tpu.memory_space<vmem>>, vector<16xf32>,
        %mul3A_581 = arith.constant 8.000000e+00 : f32
        %mul3A_582 = vector.broadcast %mul3A_581 : f32 to vector<16xf32>
        %mul3A_583 = arith.mulf %get3A_580, %mul3A_582 : vector<16xf32>
        tpu.vector_store_idx %arg9[%div3A_30, %rem3A_41, %add3A_559], %mul3A_583 : memref<8x8x129xf32, #tpu.memory_space<vmem>>[vector<16xi32>, vector<16xi32>, vector<16xi32>], vector<16xf32>,
        %scan3A_584 = arith.constant 12 : i32
        %scan3A_585 = arith.addi %scan3A_215, %scan3A_584 : i32
        %and3A_586 = arith.constant 0 : i32
        %and3A_587 = vector.broadcast %and3A_586 : i32 to vector<16xi32>
        %and3A_588 = arith.andi %iota3A, %and3A_587 : vector<16xi32>
        %add3A_589 = vector.broadcast %scan3A_585 : i32 to vector<16xi32>
        %add3A_590 = arith.addi %and3A_588, %add3A_589 : vector<16xi32>
        %get3A_591 = arith.index_cast %scan3A_585 : i32 to index
        %get3A_592 = arith.constant 0 : index
        %get3A_593 = tpu.vector_load %arg7[%get3A_591, %get3A_592] {strides = array<i32>} : memref<128x64xf32, #tpu.memory_space<vmem>>, vector<16xf32>,
        %mul3A_594 = arith.constant 8.000000e+00 : f32
        %mul3A_595 = vector.broadcast %mul3A_594 : f32 to vector<16xf32>
        %mul3A_596 = arith.mulf %get3A_593, %mul3A_595 : vector<16xf32>
        tpu.vector_store_idx %arg9[%div3A_21, %rem3A_32, %add3A_590], %mul3A_596 : memref<8x8x129xf32, #tpu.memory_space<vmem>>[vector<16xi32>, vector<16xi32>, vector<16xi32>], vector<16xf32>,
        %get3A_597 = arith.index_cast %scan3A_585 : i32 to index
        %get3A_598 = arith.constant 16 : index
        %get3A_599 = tpu.vector_load %arg7[%get3A_597, %get3A_598] {strides = array<i32>} : memref<128x64xf32, #tpu.memory_space<vmem>>, vector<16xf32>,
        %mul3A_600 = arith.constant 8.000000e+00 : f32
        %mul3A_601 = vector.broadcast %mul3A_600 : f32 to vector<16xf32>
        %mul3A_602 = arith.mulf %get3A_599, %mul3A_601 : vector<16xf32>
        tpu.vector_store_idx %arg9[%div3A_24, %rem3A_35, %add3A_590], %mul3A_602 : memref<8x8x129xf32, #tpu.memory_space<vmem>>[vector<16xi32>, vector<16xi32>, vector<16xi32>], vector<16xf32>,
        %get3A_603 = arith.index_cast %scan3A_585 : i32 to index
        %get3A_604 = arith.constant 32 : index
        %get3A_605 = tpu.vector_load %arg7[%get3A_603, %get3A_604] {strides = array<i32>} : memref<128x64xf32, #tpu.memory_space<vmem>>, vector<16xf32>,
        %mul3A_606 = arith.constant 8.000000e+00 : f32
        %mul3A_607 = vector.broadcast %mul3A_606 : f32 to vector<16xf32>
        %mul3A_608 = arith.mulf %get3A_605, %mul3A_607 : vector<16xf32>
        tpu.vector_store_idx %arg9[%div3A_27, %rem3A_38, %add3A_590], %mul3A_608 : memref<8x8x129xf32, #tpu.memory_space<vmem>>[vector<16xi32>, vector<16xi32>, vector<16xi32>], vector<16xf32>,
        %get3A_609 = arith.index_cast %scan3A_585 : i32 to index
        %get3A_610 = arith.constant 48 : index
        %get3A_611 = tpu.vector_load %arg7[%get3A_609, %get3A_610] {strides = array<i32>} : memref<128x64xf32, #tpu.memory_space<vmem>>, vector<16xf32>,
        %mul3A_612 = arith.constant 8.000000e+00 : f32
        %mul3A_613 = vector.broadcast %mul3A_612 : f32 to vector<16xf32>
        %mul3A_614 = arith.mulf %get3A_611, %mul3A_613 : vector<16xf32>
        tpu.vector_store_idx %arg9[%div3A_30, %rem3A_41, %add3A_590], %mul3A_614 : memref<8x8x129xf32, #tpu.memory_space<vmem>>[vector<16xi32>, vector<16xi32>, vector<16xi32>], vector<16xf32>,
        %scan3A_615 = arith.constant 13 : i32
        %scan3A_616 = arith.addi %scan3A_215, %scan3A_615 : i32
        %and3A_617 = arith.constant 0 : i32
        %and3A_618 = vector.broadcast %and3A_617 : i32 to vector<16xi32>
        %and3A_619 = arith.andi %iota3A, %and3A_618 : vector<16xi32>
        %add3A_620 = vector.broadcast %scan3A_616 : i32 to vector<16xi32>
        %add3A_621 = arith.addi %and3A_619, %add3A_620 : vector<16xi32>
        %get3A_622 = arith.index_cast %scan3A_616 : i32 to index
        %get3A_623 = arith.constant 0 : index
        %get3A_624 = tpu.vector_load %arg7[%get3A_622, %get3A_623] {strides = array<i32>} : memref<128x64xf32, #tpu.memory_space<vmem>>, vector<16xf32>,
        %mul3A_625 = arith.constant 8.000000e+00 : f32
        %mul3A_626 = vector.broadcast %mul3A_625 : f32 to vector<16xf32>
        %mul3A_627 = arith.mulf %get3A_624, %mul3A_626 : vector<16xf32>
        tpu.vector_store_idx %arg9[%div3A_21, %rem3A_32, %add3A_621], %mul3A_627 : memref<8x8x129xf32, #tpu.memory_space<vmem>>[vector<16xi32>, vector<16xi32>, vector<16xi32>], vector<16xf32>,
        %get3A_628 = arith.index_cast %scan3A_616 : i32 to index
        %get3A_629 = arith.constant 16 : index
        %get3A_630 = tpu.vector_load %arg7[%get3A_628, %get3A_629] {strides = array<i32>} : memref<128x64xf32, #tpu.memory_space<vmem>>, vector<16xf32>,
        %mul3A_631 = arith.constant 8.000000e+00 : f32
        %mul3A_632 = vector.broadcast %mul3A_631 : f32 to vector<16xf32>
        %mul3A_633 = arith.mulf %get3A_630, %mul3A_632 : vector<16xf32>
        tpu.vector_store_idx %arg9[%div3A_24, %rem3A_35, %add3A_621], %mul3A_633 : memref<8x8x129xf32, #tpu.memory_space<vmem>>[vector<16xi32>, vector<16xi32>, vector<16xi32>], vector<16xf32>,
        %get3A_634 = arith.index_cast %scan3A_616 : i32 to index
        %get3A_635 = arith.constant 32 : index
        %get3A_636 = tpu.vector_load %arg7[%get3A_634, %get3A_635] {strides = array<i32>} : memref<128x64xf32, #tpu.memory_space<vmem>>, vector<16xf32>,
        %mul3A_637 = arith.constant 8.000000e+00 : f32
        %mul3A_638 = vector.broadcast %mul3A_637 : f32 to vector<16xf32>
        %mul3A_639 = arith.mulf %get3A_636, %mul3A_638 : vector<16xf32>
        tpu.vector_store_idx %arg9[%div3A_27, %rem3A_38, %add3A_621], %mul3A_639 : memref<8x8x129xf32, #tpu.memory_space<vmem>>[vector<16xi32>, vector<16xi32>, vector<16xi32>], vector<16xf32>,
        %get3A_640 = arith.index_cast %scan3A_616 : i32 to index
        %get3A_641 = arith.constant 48 : index
        %get3A_642 = tpu.vector_load %arg7[%get3A_640, %get3A_641] {strides = array<i32>} : memref<128x64xf32, #tpu.memory_space<vmem>>, vector<16xf32>,
        %mul3A_643 = arith.constant 8.000000e+00 : f32
        %mul3A_644 = vector.broadcast %mul3A_643 : f32 to vector<16xf32>
        %mul3A_645 = arith.mulf %get3A_642, %mul3A_644 : vector<16xf32>
        tpu.vector_store_idx %arg9[%div3A_30, %rem3A_41, %add3A_621], %mul3A_645 : memref<8x8x129xf32, #tpu.memory_space<vmem>>[vector<16xi32>, vector<16xi32>, vector<16xi32>], vector<16xf32>,
        %scan3A_646 = arith.constant 14 : i32
        %scan3A_647 = arith.addi %scan3A_215, %scan3A_646 : i32
        %and3A_648 = arith.constant 0 : i32
        %and3A_649 = vector.broadcast %and3A_648 : i32 to vector<16xi32>
        %and3A_650 = arith.andi %iota3A, %and3A_649 : vector<16xi32>
        %add3A_651 = vector.broadcast %scan3A_647 : i32 to vector<16xi32>
        %add3A_652 = arith.addi %and3A_650, %add3A_651 : vector<16xi32>
        %get3A_653 = arith.index_cast %scan3A_647 : i32 to index
        %get3A_654 = arith.constant 0 : index
        %get3A_655 = tpu.vector_load %arg7[%get3A_653, %get3A_654] {strides = array<i32>} : memref<128x64xf32, #tpu.memory_space<vmem>>, vector<16xf32>,
        %mul3A_656 = arith.constant 8.000000e+00 : f32
        %mul3A_657 = vector.broadcast %mul3A_656 : f32 to vector<16xf32>
        %mul3A_658 = arith.mulf %get3A_655, %mul3A_657 : vector<16xf32>
        tpu.vector_store_idx %arg9[%div3A_21, %rem3A_32, %add3A_652], %mul3A_658 : memref<8x8x129xf32, #tpu.memory_space<vmem>>[vector<16xi32>, vector<16xi32>, vector<16xi32>], vector<16xf32>,
        %get3A_659 = arith.index_cast %scan3A_647 : i32 to index
        %get3A_660 = arith.constant 16 : index
        %get3A_661 = tpu.vector_load %arg7[%get3A_659, %get3A_660] {strides = array<i32>} : memref<128x64xf32, #tpu.memory_space<vmem>>, vector<16xf32>,
        %mul3A_662 = arith.constant 8.000000e+00 : f32
        %mul3A_663 = vector.broadcast %mul3A_662 : f32 to vector<16xf32>
        %mul3A_664 = arith.mulf %get3A_661, %mul3A_663 : vector<16xf32>
        tpu.vector_store_idx %arg9[%div3A_24, %rem3A_35, %add3A_652], %mul3A_664 : memref<8x8x129xf32, #tpu.memory_space<vmem>>[vector<16xi32>, vector<16xi32>, vector<16xi32>], vector<16xf32>,
        %get3A_665 = arith.index_cast %scan3A_647 : i32 to index
        %get3A_666 = arith.constant 32 : index
        %get3A_667 = tpu.vector_load %arg7[%get3A_665, %get3A_666] {strides = array<i32>} : memref<128x64xf32, #tpu.memory_space<vmem>>, vector<16xf32>,
        %mul3A_668 = arith.constant 8.000000e+00 : f32
        %mul3A_669 = vector.broadcast %mul3A_668 : f32 to vector<16xf32>
        %mul3A_670 = arith.mulf %get3A_667, %mul3A_669 : vector<16xf32>
        tpu.vector_store_idx %arg9[%div3A_27, %rem3A_38, %add3A_652], %mul3A_670 : memref<8x8x129xf32, #tpu.memory_space<vmem>>[vector<16xi32>, vector<16xi32>, vector<16xi32>], vector<16xf32>,
        %get3A_671 = arith.index_cast %scan3A_647 : i32 to index
        %get3A_672 = arith.constant 48 : index
        %get3A_673 = tpu.vector_load %arg7[%get3A_671, %get3A_672] {strides = array<i32>} : memref<128x64xf32, #tpu.memory_space<vmem>>, vector<16xf32>,
        %mul3A_674 = arith.constant 8.000000e+00 : f32
        %mul3A_675 = vector.broadcast %mul3A_674 : f32 to vector<16xf32>
        %mul3A_676 = arith.mulf %get3A_673, %mul3A_675 : vector<16xf32>
        tpu.vector_store_idx %arg9[%div3A_30, %rem3A_41, %add3A_652], %mul3A_676 : memref<8x8x129xf32, #tpu.memory_space<vmem>>[vector<16xi32>, vector<16xi32>, vector<16xi32>], vector<16xf32>,
        %scan3A_677 = arith.constant 15 : i32
        %scan3A_678 = arith.addi %scan3A_215, %scan3A_677 : i32
        %and3A_679 = arith.constant 0 : i32
        %and3A_680 = vector.broadcast %and3A_679 : i32 to vector<16xi32>
        %and3A_681 = arith.andi %iota3A, %and3A_680 : vector<16xi32>
        %add3A_682 = vector.broadcast %scan3A_678 : i32 to vector<16xi32>
        %add3A_683 = arith.addi %and3A_681, %add3A_682 : vector<16xi32>
        %get3A_684 = arith.index_cast %scan3A_678 : i32 to index
        %get3A_685 = arith.constant 0 : index
        %get3A_686 = tpu.vector_load %arg7[%get3A_684, %get3A_685] {strides = array<i32>} : memref<128x64xf32, #tpu.memory_space<vmem>>, vector<16xf32>,
        %mul3A_687 = arith.constant 8.000000e+00 : f32
        %mul3A_688 = vector.broadcast %mul3A_687 : f32 to vector<16xf32>
        %mul3A_689 = arith.mulf %get3A_686, %mul3A_688 : vector<16xf32>
        tpu.vector_store_idx %arg9[%div3A_21, %rem3A_32, %add3A_683], %mul3A_689 : memref<8x8x129xf32, #tpu.memory_space<vmem>>[vector<16xi32>, vector<16xi32>, vector<16xi32>], vector<16xf32>,
        %get3A_690 = arith.index_cast %scan3A_678 : i32 to index
        %get3A_691 = arith.constant 16 : index
        %get3A_692 = tpu.vector_load %arg7[%get3A_690, %get3A_691] {strides = array<i32>} : memref<128x64xf32, #tpu.memory_space<vmem>>, vector<16xf32>,
        %mul3A_693 = arith.constant 8.000000e+00 : f32
        %mul3A_694 = vector.broadcast %mul3A_693 : f32 to vector<16xf32>
        %mul3A_695 = arith.mulf %get3A_692, %mul3A_694 : vector<16xf32>
        tpu.vector_store_idx %arg9[%div3A_24, %rem3A_35, %add3A_683], %mul3A_695 : memref<8x8x129xf32, #tpu.memory_space<vmem>>[vector<16xi32>, vector<16xi32>, vector<16xi32>], vector<16xf32>,
        %get3A_696 = arith.index_cast %scan3A_678 : i32 to index
        %get3A_697 = arith.constant 32 : index
        %get3A_698 = tpu.vector_load %arg7[%get3A_696, %get3A_697] {strides = array<i32>} : memref<128x64xf32, #tpu.memory_space<vmem>>, vector<16xf32>,
        %mul3A_699 = arith.constant 8.000000e+00 : f32
        %mul3A_700 = vector.broadcast %mul3A_699 : f32 to vector<16xf32>
        %mul3A_701 = arith.mulf %get3A_698, %mul3A_700 : vector<16xf32>
        tpu.vector_store_idx %arg9[%div3A_27, %rem3A_38, %add3A_683], %mul3A_701 : memref<8x8x129xf32, #tpu.memory_space<vmem>>[vector<16xi32>, vector<16xi32>, vector<16xi32>], vector<16xf32>,
        %get3A_702 = arith.index_cast %scan3A_678 : i32 to index
        %get3A_703 = arith.constant 48 : index
        %get3A_704 = tpu.vector_load %arg7[%get3A_702, %get3A_703] {strides = array<i32>} : memref<128x64xf32, #tpu.memory_space<vmem>>, vector<16xf32>,
        %mul3A_705 = arith.constant 8.000000e+00 : f32
        %mul3A_706 = vector.broadcast %mul3A_705 : f32 to vector<16xf32>
        %mul3A_707 = arith.mulf %get3A_704, %mul3A_706 : vector<16xf32>
        tpu.vector_store_idx %arg9[%div3A_30, %rem3A_41, %add3A_683], %mul3A_707 : memref<8x8x129xf32, #tpu.memory_space<vmem>>[vector<16xi32>, vector<16xi32>, vector<16xi32>], vector<16xf32>,
      }
      %scan3A_133 = arith.constant 128 : i32
      %add3A_134 = arith.constant 2 : i32
      %add3A_135 = arith.addi %mul3A_114, %add3A_134 : i32
      %lt3A = arith.constant 200 : i32
      %lt3A_136 = arith.cmpi slt, %add3A_135, %lt3A : i32
      %convert_element_type3A_137 = arith.extui %lt3A_136 : i1 to i32
      %cond3A_138 = arith.constant 0 : i32
      %cond3A_139 = arith.cmpi ne, %convert_element_type3A_137, %cond3A_138 : i32
      scf.if %cond3A_139 {
        %add3A_215 = arith.constant 2 : i32
        %add3A_216 = arith.addi %mul3A_114, %add3A_215 : i32
        %div3A_217 = arith.constant 4 : i32
        %div3A_218 = arith.divsi %add3A_216, %div3A_217 : i32
        %rem3A_219 = arith.constant 4 : i32
        %rem3A_220 = arith.remsi %add3A_216, %rem3A_219 : i32
        %mul3A_221 = arith.constant 128 : i32
        %mul3A_222 = arith.muli %rem3A_220, %mul3A_221 : i32
        %dma_start3A_223 = tpu.memref_slice %arg6[%div3A_218, %mul3A_222] : memref<50x520xi32, #tpu.memory_space<vmem>> -> memref<1x128xi32, #tpu.memory_space<vmem>>
        %dma_start3A_224 = tpu.memref_squeeze %dma_start3A_223 : memref<1x128xi32, #tpu.memory_space<vmem>> -> memref<128xi32, #tpu.memory_space<vmem>>
        %dma_start3A_225 = arith.constant 0 : i32
        %dma_start3A_226 = arith.constant 0 : i32
        %dma_start3A_227 = tpu.memref_slice %arg3[%dma_start3A_225, %dma_start3A_226] : memref<1000000x64xf32, #tpu.memory_space<hbm>> -> memref<1000000x64xf32, #tpu.memory_space<hbm>>
        tpu.enqueue_indirect_dma source(%dma_start3A_227 : memref<1000000x64xf32, #tpu.memory_space<hbm>>) target(%arg7 : memref<128x64xf32, #tpu.memory_space<vmem>>) offsets(%dma_start3A_224 : memref<128xi32, #tpu.memory_space<vmem>>) semaphore(%arg11 : memref<!tpu.dma_semaphore, #tpu.memory_space<semaphore_mem>>)
      } else {
      }
      %mul3A_140 = arith.constant 4 : i32
      %mul3A_141 = arith.muli %add3A, %mul3A_140 : i32
      %add3A_142 = arith.addi %mul3A_141, %rem3A_118 : i32
      %dma_start3A_143 = arith.constant 0 : i32
      %dma_start3A_144 = arith.constant 0 : i32
      %dma_start3A_145 = arith.constant 0 : i32
      %dma_start3A_146 = tpu.memref_slice %arg9[%dma_start3A_143, %dma_start3A_144, %dma_start3A_145] : memref<8x8x129xf32, #tpu.memory_space<vmem>> -> memref<8x8x128xf32, #tpu.memory_space<vmem>>
      %dma_start3A_147 = arith.constant 0 : i32
      %dma_start3A_148 = arith.constant 0 : i32
      %dma_start3A_149 = arith.constant 0 : i32
      %dma_start3A_150 = tpu.memref_slice %arg4[%div3A_116, %dma_start3A_147, %add3A_142, %dma_start3A_148, %dma_start3A_149] : memref<50x8x128x8x128xf32, #tpu.memory_space<hbm>> -> memref<1x8x1x8x128xf32, #tpu.memory_space<hbm>>
      %dma_start3A_151 = tpu.memref_squeeze %dma_start3A_150 : memref<1x8x1x8x128xf32, #tpu.memory_space<hbm>> -> memref<8x8x128xf32, #tpu.memory_space<hbm>>
      %dma_start3A_152 = arith.constant 0 : i32
      %dma_start3A_153 = arith.constant 0 : i32
      %dma_start3A_154 = arith.constant 0 : i32
      %dma_start3A_155 = tpu.memref_slice %arg4[%div3A_116, %dma_start3A_152, %add3A_142, %dma_start3A_153, %dma_start3A_154] : memref<50x8x128x8x128xf32, #tpu.memory_space<hbm>> -> memref<1x8x1x8x128xf32, #tpu.memory_space<hbm>>
      %dma_start3A_156 = tpu.memref_squeeze %dma_start3A_155 : memref<1x8x1x8x128xf32, #tpu.memory_space<hbm>> -> memref<8x8x128xf32, #tpu.memory_space<hbm>>
      %dma_start3A_157 = arith.constant 0 : i32
      %dma_start3A_158 = arith.constant 0 : i32
      %dma_start3A_159 = arith.constant 0 : i32
      %dma_start3A_160 = tpu.memref_slice %arg9[%dma_start3A_157, %dma_start3A_158, %dma_start3A_159] : memref<8x8x129xf32, #tpu.memory_space<vmem>> -> memref<8x8x128xf32, #tpu.memory_space<vmem>>
      tpu.enqueue_dma source(%dma_start3A_160 : memref<8x8x128xf32, #tpu.memory_space<vmem>>) target(%dma_start3A_156 : memref<8x8x128xf32, #tpu.memory_space<hbm>>) target_semaphore(%arg13 : memref<!tpu.dma_semaphore, #tpu.memory_space<semaphore_mem>>)
      %mul3A_161 = arith.constant 2 : i32
      %mul3A_162 = arith.muli %mul3A_161, %scan3A_112 : i32
      %add3A_163 = arith.constant 1 : i32
      %add3A_164 = arith.addi %mul3A_162, %add3A_163 : i32
      %div3A_165 = arith.constant 4 : i32
      %div3A_166 = arith.divsi %add3A_164, %div3A_165 : i32
      %rem3A_167 = arith.constant 4 : i32
      %rem3A_168 = arith.remsi %add3A_164, %rem3A_167 : i32
      %dma_wait3A_169 = arith.constant 0 : i32
      %dma_wait3A_170 = arith.constant 0 : i32
      %dma_wait3A_171 = tpu.memref_slice %arg6[%dma_wait3A_169, %dma_wait3A_170] : memref<50x520xi32, #tpu.memory_space<vmem>> -> memref<1x128xi32, #tpu.memory_space<vmem>>
      %dma_wait3A_172 = tpu.memref_squeeze %dma_wait3A_171 : memref<1x128xi32, #tpu.memory_space<vmem>> -> memref<128xi32, #tpu.memory_space<vmem>>
      %dma_wait3A_173 = arith.constant 0 : i32
      %dma_wait3A_174 = arith.constant 0 : i32
      %dma_wait3A_175 = tpu.memref_slice %arg3[%dma_wait3A_173, %dma_wait3A_174] : memref<1000000x64xf32, #tpu.memory_space<hbm>> -> memref<1000000x64xf32, #tpu.memory_space<hbm>>
      tpu.wait_indirect_dma semaphore(%arg12 : memref<!tpu.dma_semaphore, #tpu.memory_space<semaphore_mem>>) src(%dma_wait3A_175 : memref<1000000x64xf32, #tpu.memory_space<hbm>>) dst(%arg8 : memref<128x64xf32, #tpu.memory_space<vmem>>)
      %ge3A_176 = arith.constant 2 : i32
      %ge3A_177 = arith.cmpi sge, %add3A_164, %ge3A_176 : i32
      %convert_element_type3A_178 = arith.extui %ge3A_177 : i1 to i32
      %cond3A_179 = arith.constant 0 : i32
      %cond3A_180 = arith.cmpi ne, %convert_element_type3A_178, %cond3A_179 : i32
      scf.if %cond3A_180 {
        %dma_wait3A_215 = arith.constant 0 : i32
        %dma_wait3A_216 = arith.constant 0 : i32
        %dma_wait3A_217 = arith.constant 0 : i32
        %dma_wait3A_218 = arith.constant 0 : i32
        %dma_wait3A_219 = arith.constant 0 : i32
        %dma_wait3A_220 = tpu.memref_slice %arg10[%dma_wait3A_217, %dma_wait3A_218, %dma_wait3A_219] : memref<8x8x129xf32, #tpu.memory_space<vmem>> -> memref<8x8x128xf32, #tpu.memory_space<vmem>>
        %dma_wait3A_221 = arith.constant 0 : i32
        %dma_wait3A_222 = arith.constant 0 : i32
        %dma_wait3A_223 = arith.constant 0 : i32
        %dma_wait3A_224 = tpu.memref_slice %arg4[%dma_wait3A_215, %dma_wait3A_221, %dma_wait3A_216, %dma_wait3A_222, %dma_wait3A_223] : memref<50x8x128x8x128xf32, #tpu.memory_space<hbm>> -> memref<1x8x1x8x128xf32, #tpu.memory_space<hbm>>
        %dma_wait3A_225 = tpu.memref_squeeze %dma_wait3A_224 : memref<1x8x1x8x128xf32, #tpu.memory_space<hbm>> -> memref<8x8x128xf32, #tpu.memory_space<hbm>>
        %dma_wait3A_226 = arith.constant 0 : i32
        %dma_wait3A_227 = arith.constant 0 : i32
        %dma_wait3A_228 = arith.constant 0 : i32
        %dma_wait3A_229 = tpu.memref_slice %arg4[%dma_wait3A_215, %dma_wait3A_226, %dma_wait3A_216, %dma_wait3A_227, %dma_wait3A_228] : memref<50x8x128x8x128xf32, #tpu.memory_space<hbm>> -> memref<1x8x1x8x128xf32, #tpu.memory_space<hbm>>
        %dma_wait3A_230 = tpu.memref_squeeze %dma_wait3A_229 : memref<1x8x1x8x128xf32, #tpu.memory_space<hbm>> -> memref<8x8x128xf32, #tpu.memory_space<hbm>>
        %dma_wait3A_231 = arith.constant 0 : i32
        %dma_wait3A_232 = arith.constant 0 : i32
        %dma_wait3A_233 = arith.constant 0 : i32
        %dma_wait3A_234 = tpu.memref_slice %arg10[%dma_wait3A_231, %dma_wait3A_232, %dma_wait3A_233] : memref<8x8x129xf32, #tpu.memory_space<vmem>> -> memref<8x8x128xf32, #tpu.memory_space<vmem>>
        tpu.wait_dma2 semaphore(%arg14 : memref<!tpu.dma_semaphore, #tpu.memory_space<semaphore_mem>>) src(%dma_wait3A_234 : memref<8x8x128xf32, #tpu.memory_space<vmem>>) dst(%dma_wait3A_230 : memref<8x8x128xf32, #tpu.memory_space<hbm>>)
      } else {
      }
      %scan3A_181 = arith.constant 0 : i32
      %scan3A_182 = arith.constant 0 : i32
      %scan3A_183 = arith.constant 128 : i32
      %scan3A_184 = arith.addi %scan3A_182, %scan3A_183 : i32
      %scan3A_185 = arith.constant 16 : i32
      scf.for %scan3A_215 = %scan3A_182 to %scan3A_184 step %scan3A_185  : i32 {
        %and3A = arith.constant 0 : i32
        %and3A_216 = vector.broadcast %and3A : i32 to vector<16xi32>
        %and3A_217 = arith.andi %iota3A, %and3A_216 : vector<16xi32>
        %add3A_218 = vector.broadcast %scan3A_215 : i32 to vector<16xi32>
        %add3A_219 = arith.addi %and3A_217, %add3A_218 : vector<16xi32>
        %get3A = arith.index_cast %scan3A_215 : i32 to index
        %get3A_220 = arith.constant 0 : index
        %get3A_221 = tpu.vector_load %arg8[%get3A, %get3A_220] {strides = array<i32>} : memref<128x64xf32, #tpu.memory_space<vmem>>, vector<16xf32>,
        %mul3A_222 = arith.constant 8.000000e+00 : f32
        %mul3A_223 = vector.broadcast %mul3A_222 : f32 to vector<16xf32>
        %mul3A_224 = arith.mulf %get3A_221, %mul3A_223 : vector<16xf32>
        tpu.vector_store_idx %arg10[%div3A_21, %rem3A_32, %add3A_219], %mul3A_224 : memref<8x8x129xf32, #tpu.memory_space<vmem>>[vector<16xi32>, vector<16xi32>, vector<16xi32>], vector<16xf32>,
        %get3A_225 = arith.index_cast %scan3A_215 : i32 to index
        %get3A_226 = arith.constant 16 : index
        %get3A_227 = tpu.vector_load %arg8[%get3A_225, %get3A_226] {strides = array<i32>} : memref<128x64xf32, #tpu.memory_space<vmem>>, vector<16xf32>,
        %mul3A_228 = arith.constant 8.000000e+00 : f32
        %mul3A_229 = vector.broadcast %mul3A_228 : f32 to vector<16xf32>
        %mul3A_230 = arith.mulf %get3A_227, %mul3A_229 : vector<16xf32>
        tpu.vector_store_idx %arg10[%div3A_24, %rem3A_35, %add3A_219], %mul3A_230 : memref<8x8x129xf32, #tpu.memory_space<vmem>>[vector<16xi32>, vector<16xi32>, vector<16xi32>], vector<16xf32>,
        %get3A_231 = arith.index_cast %scan3A_215 : i32 to index
        %get3A_232 = arith.constant 32 : index
        %get3A_233 = tpu.vector_load %arg8[%get3A_231, %get3A_232] {strides = array<i32>} : memref<128x64xf32, #tpu.memory_space<vmem>>, vector<16xf32>,
        %mul3A_234 = arith.constant 8.000000e+00 : f32
        %mul3A_235 = vector.broadcast %mul3A_234 : f32 to vector<16xf32>
        %mul3A_236 = arith.mulf %get3A_233, %mul3A_235 : vector<16xf32>
        tpu.vector_store_idx %arg10[%div3A_27, %rem3A_38, %add3A_219], %mul3A_236 : memref<8x8x129xf32, #tpu.memory_space<vmem>>[vector<16xi32>, vector<16xi32>, vector<16xi32>], vector<16xf32>,
        %get3A_237 = arith.index_cast %scan3A_215 : i32 to index
        %get3A_238 = arith.constant 48 : index
        %get3A_239 = tpu.vector_load %arg8[%get3A_237, %get3A_238] {strides = array<i32>} : memref<128x64xf32, #tpu.memory_space<vmem>>, vector<16xf32>,
        %mul3A_240 = arith.constant 8.000000e+00 : f32
        %mul3A_241 = vector.broadcast %mul3A_240 : f32 to vector<16xf32>
        %mul3A_242 = arith.mulf %get3A_239, %mul3A_241 : vector<16xf32>
        tpu.vector_store_idx %arg10[%div3A_30, %rem3A_41, %add3A_219], %mul3A_242 : memref<8x8x129xf32, #tpu.memory_space<vmem>>[vector<16xi32>, vector<16xi32>, vector<16xi32>], vector<16xf32>,
        %scan3A_243 = arith.constant 1 : i32
        %scan3A_244 = arith.addi %scan3A_215, %scan3A_243 : i32
        %and3A_245 = arith.constant 0 : i32
        %and3A_246 = vector.broadcast %and3A_245 : i32 to vector<16xi32>
        %and3A_247 = arith.andi %iota3A, %and3A_246 : vector<16xi32>
        %add3A_248 = vector.broadcast %scan3A_244 : i32 to vector<16xi32>
        %add3A_249 = arith.addi %and3A_247, %add3A_248 : vector<16xi32>
        %get3A_250 = arith.index_cast %scan3A_244 : i32 to index
        %get3A_251 = arith.constant 0 : index
        %get3A_252 = tpu.vector_load %arg8[%get3A_250, %get3A_251] {strides = array<i32>} : memref<128x64xf32, #tpu.memory_space<vmem>>, vector<16xf32>,
        %mul3A_253 = arith.constant 8.000000e+00 : f32
        %mul3A_254 = vector.broadcast %mul3A_253 : f32 to vector<16xf32>
        %mul3A_255 = arith.mulf %get3A_252, %mul3A_254 : vector<16xf32>
        tpu.vector_store_idx %arg10[%div3A_21, %rem3A_32, %add3A_249], %mul3A_255 : memref<8x8x129xf32, #tpu.memory_space<vmem>>[vector<16xi32>, vector<16xi32>, vector<16xi32>], vector<16xf32>,
        %get3A_256 = arith.index_cast %scan3A_244 : i32 to index
        %get3A_257 = arith.constant 16 : index
        %get3A_258 = tpu.vector_load %arg8[%get3A_256, %get3A_257] {strides = array<i32>} : memref<128x64xf32, #tpu.memory_space<vmem>>, vector<16xf32>,
        %mul3A_259 = arith.constant 8.000000e+00 : f32
        %mul3A_260 = vector.broadcast %mul3A_259 : f32 to vector<16xf32>
        %mul3A_261 = arith.mulf %get3A_258, %mul3A_260 : vector<16xf32>
        tpu.vector_store_idx %arg10[%div3A_24, %rem3A_35, %add3A_249], %mul3A_261 : memref<8x8x129xf32, #tpu.memory_space<vmem>>[vector<16xi32>, vector<16xi32>, vector<16xi32>], vector<16xf32>,
        %get3A_262 = arith.index_cast %scan3A_244 : i32 to index
        %get3A_263 = arith.constant 32 : index
        %get3A_264 = tpu.vector_load %arg8[%get3A_262, %get3A_263] {strides = array<i32>} : memref<128x64xf32, #tpu.memory_space<vmem>>, vector<16xf32>,
        %mul3A_265 = arith.constant 8.000000e+00 : f32
        %mul3A_266 = vector.broadcast %mul3A_265 : f32 to vector<16xf32>
        %mul3A_267 = arith.mulf %get3A_264, %mul3A_266 : vector<16xf32>
        tpu.vector_store_idx %arg10[%div3A_27, %rem3A_38, %add3A_249], %mul3A_267 : memref<8x8x129xf32, #tpu.memory_space<vmem>>[vector<16xi32>, vector<16xi32>, vector<16xi32>], vector<16xf32>,
        %get3A_268 = arith.index_cast %scan3A_244 : i32 to index
        %get3A_269 = arith.constant 48 : index
        %get3A_270 = tpu.vector_load %arg8[%get3A_268, %get3A_269] {strides = array<i32>} : memref<128x64xf32, #tpu.memory_space<vmem>>, vector<16xf32>,
        %mul3A_271 = arith.constant 8.000000e+00 : f32
        %mul3A_272 = vector.broadcast %mul3A_271 : f32 to vector<16xf32>
        %mul3A_273 = arith.mulf %get3A_270, %mul3A_272 : vector<16xf32>
        tpu.vector_store_idx %arg10[%div3A_30, %rem3A_41, %add3A_249], %mul3A_273 : memref<8x8x129xf32, #tpu.memory_space<vmem>>[vector<16xi32>, vector<16xi32>, vector<16xi32>], vector<16xf32>,
        %scan3A_274 = arith.constant 2 : i32
        %scan3A_275 = arith.addi %scan3A_215, %scan3A_274 : i32
        %and3A_276 = arith.constant 0 : i32
        %and3A_277 = vector.broadcast %and3A_276 : i32 to vector<16xi32>
        %and3A_278 = arith.andi %iota3A, %and3A_277 : vector<16xi32>
        %add3A_279 = vector.broadcast %scan3A_275 : i32 to vector<16xi32>
        %add3A_280 = arith.addi %and3A_278, %add3A_279 : vector<16xi32>
        %get3A_281 = arith.index_cast %scan3A_275 : i32 to index
        %get3A_282 = arith.constant 0 : index
        %get3A_283 = tpu.vector_load %arg8[%get3A_281, %get3A_282] {strides = array<i32>} : memref<128x64xf32, #tpu.memory_space<vmem>>, vector<16xf32>,
        %mul3A_284 = arith.constant 8.000000e+00 : f32
        %mul3A_285 = vector.broadcast %mul3A_284 : f32 to vector<16xf32>
        %mul3A_286 = arith.mulf %get3A_283, %mul3A_285 : vector<16xf32>
        tpu.vector_store_idx %arg10[%div3A_21, %rem3A_32, %add3A_280], %mul3A_286 : memref<8x8x129xf32, #tpu.memory_space<vmem>>[vector<16xi32>, vector<16xi32>, vector<16xi32>], vector<16xf32>,
        %get3A_287 = arith.index_cast %scan3A_275 : i32 to index
        %get3A_288 = arith.constant 16 : index
        %get3A_289 = tpu.vector_load %arg8[%get3A_287, %get3A_288] {strides = array<i32>} : memref<128x64xf32, #tpu.memory_space<vmem>>, vector<16xf32>,
        %mul3A_290 = arith.constant 8.000000e+00 : f32
        %mul3A_291 = vector.broadcast %mul3A_290 : f32 to vector<16xf32>
        %mul3A_292 = arith.mulf %get3A_289, %mul3A_291 : vector<16xf32>
        tpu.vector_store_idx %arg10[%div3A_24, %rem3A_35, %add3A_280], %mul3A_292 : memref<8x8x129xf32, #tpu.memory_space<vmem>>[vector<16xi32>, vector<16xi32>, vector<16xi32>], vector<16xf32>,
        %get3A_293 = arith.index_cast %scan3A_275 : i32 to index
        %get3A_294 = arith.constant 32 : index
        %get3A_295 = tpu.vector_load %arg8[%get3A_293, %get3A_294] {strides = array<i32>} : memref<128x64xf32, #tpu.memory_space<vmem>>, vector<16xf32>,
        %mul3A_296 = arith.constant 8.000000e+00 : f32
        %mul3A_297 = vector.broadcast %mul3A_296 : f32 to vector<16xf32>
        %mul3A_298 = arith.mulf %get3A_295, %mul3A_297 : vector<16xf32>
        tpu.vector_store_idx %arg10[%div3A_27, %rem3A_38, %add3A_280], %mul3A_298 : memref<8x8x129xf32, #tpu.memory_space<vmem>>[vector<16xi32>, vector<16xi32>, vector<16xi32>], vector<16xf32>,
        %get3A_299 = arith.index_cast %scan3A_275 : i32 to index
        %get3A_300 = arith.constant 48 : index
        %get3A_301 = tpu.vector_load %arg8[%get3A_299, %get3A_300] {strides = array<i32>} : memref<128x64xf32, #tpu.memory_space<vmem>>, vector<16xf32>,
        %mul3A_302 = arith.constant 8.000000e+00 : f32
        %mul3A_303 = vector.broadcast %mul3A_302 : f32 to vector<16xf32>
        %mul3A_304 = arith.mulf %get3A_301, %mul3A_303 : vector<16xf32>
        tpu.vector_store_idx %arg10[%div3A_30, %rem3A_41, %add3A_280], %mul3A_304 : memref<8x8x129xf32, #tpu.memory_space<vmem>>[vector<16xi32>, vector<16xi32>, vector<16xi32>], vector<16xf32>,
        %scan3A_305 = arith.constant 3 : i32
        %scan3A_306 = arith.addi %scan3A_215, %scan3A_305 : i32
        %and3A_307 = arith.constant 0 : i32
        %and3A_308 = vector.broadcast %and3A_307 : i32 to vector<16xi32>
        %and3A_309 = arith.andi %iota3A, %and3A_308 : vector<16xi32>
        %add3A_310 = vector.broadcast %scan3A_306 : i32 to vector<16xi32>
        %add3A_311 = arith.addi %and3A_309, %add3A_310 : vector<16xi32>
        %get3A_312 = arith.index_cast %scan3A_306 : i32 to index
        %get3A_313 = arith.constant 0 : index
        %get3A_314 = tpu.vector_load %arg8[%get3A_312, %get3A_313] {strides = array<i32>} : memref<128x64xf32, #tpu.memory_space<vmem>>, vector<16xf32>,
        %mul3A_315 = arith.constant 8.000000e+00 : f32
        %mul3A_316 = vector.broadcast %mul3A_315 : f32 to vector<16xf32>
        %mul3A_317 = arith.mulf %get3A_314, %mul3A_316 : vector<16xf32>
        tpu.vector_store_idx %arg10[%div3A_21, %rem3A_32, %add3A_311], %mul3A_317 : memref<8x8x129xf32, #tpu.memory_space<vmem>>[vector<16xi32>, vector<16xi32>, vector<16xi32>], vector<16xf32>,
        %get3A_318 = arith.index_cast %scan3A_306 : i32 to index
        %get3A_319 = arith.constant 16 : index
        %get3A_320 = tpu.vector_load %arg8[%get3A_318, %get3A_319] {strides = array<i32>} : memref<128x64xf32, #tpu.memory_space<vmem>>, vector<16xf32>,
        %mul3A_321 = arith.constant 8.000000e+00 : f32
        %mul3A_322 = vector.broadcast %mul3A_321 : f32 to vector<16xf32>
        %mul3A_323 = arith.mulf %get3A_320, %mul3A_322 : vector<16xf32>
        tpu.vector_store_idx %arg10[%div3A_24, %rem3A_35, %add3A_311], %mul3A_323 : memref<8x8x129xf32, #tpu.memory_space<vmem>>[vector<16xi32>, vector<16xi32>, vector<16xi32>], vector<16xf32>,
        %get3A_324 = arith.index_cast %scan3A_306 : i32 to index
        %get3A_325 = arith.constant 32 : index
        %get3A_326 = tpu.vector_load %arg8[%get3A_324, %get3A_325] {strides = array<i32>} : memref<128x64xf32, #tpu.memory_space<vmem>>, vector<16xf32>,
        %mul3A_327 = arith.constant 8.000000e+00 : f32
        %mul3A_328 = vector.broadcast %mul3A_327 : f32 to vector<16xf32>
        %mul3A_329 = arith.mulf %get3A_326, %mul3A_328 : vector<16xf32>
        tpu.vector_store_idx %arg10[%div3A_27, %rem3A_38, %add3A_311], %mul3A_329 : memref<8x8x129xf32, #tpu.memory_space<vmem>>[vector<16xi32>, vector<16xi32>, vector<16xi32>], vector<16xf32>,
        %get3A_330 = arith.index_cast %scan3A_306 : i32 to index
        %get3A_331 = arith.constant 48 : index
        %get3A_332 = tpu.vector_load %arg8[%get3A_330, %get3A_331] {strides = array<i32>} : memref<128x64xf32, #tpu.memory_space<vmem>>, vector<16xf32>,
        %mul3A_333 = arith.constant 8.000000e+00 : f32
        %mul3A_334 = vector.broadcast %mul3A_333 : f32 to vector<16xf32>
        %mul3A_335 = arith.mulf %get3A_332, %mul3A_334 : vector<16xf32>
        tpu.vector_store_idx %arg10[%div3A_30, %rem3A_41, %add3A_311], %mul3A_335 : memref<8x8x129xf32, #tpu.memory_space<vmem>>[vector<16xi32>, vector<16xi32>, vector<16xi32>], vector<16xf32>,
        %scan3A_336 = arith.constant 4 : i32
        %scan3A_337 = arith.addi %scan3A_215, %scan3A_336 : i32
        %and3A_338 = arith.constant 0 : i32
        %and3A_339 = vector.broadcast %and3A_338 : i32 to vector<16xi32>
        %and3A_340 = arith.andi %iota3A, %and3A_339 : vector<16xi32>
        %add3A_341 = vector.broadcast %scan3A_337 : i32 to vector<16xi32>
        %add3A_342 = arith.addi %and3A_340, %add3A_341 : vector<16xi32>
        %get3A_343 = arith.index_cast %scan3A_337 : i32 to index
        %get3A_344 = arith.constant 0 : index
        %get3A_345 = tpu.vector_load %arg8[%get3A_343, %get3A_344] {strides = array<i32>} : memref<128x64xf32, #tpu.memory_space<vmem>>, vector<16xf32>,
        %mul3A_346 = arith.constant 8.000000e+00 : f32
        %mul3A_347 = vector.broadcast %mul3A_346 : f32 to vector<16xf32>
        %mul3A_348 = arith.mulf %get3A_345, %mul3A_347 : vector<16xf32>
        tpu.vector_store_idx %arg10[%div3A_21, %rem3A_32, %add3A_342], %mul3A_348 : memref<8x8x129xf32, #tpu.memory_space<vmem>>[vector<16xi32>, vector<16xi32>, vector<16xi32>], vector<16xf32>,
        %get3A_349 = arith.index_cast %scan3A_337 : i32 to index
        %get3A_350 = arith.constant 16 : index
        %get3A_351 = tpu.vector_load %arg8[%get3A_349, %get3A_350] {strides = array<i32>} : memref<128x64xf32, #tpu.memory_space<vmem>>, vector<16xf32>,
        %mul3A_352 = arith.constant 8.000000e+00 : f32
        %mul3A_353 = vector.broadcast %mul3A_352 : f32 to vector<16xf32>
        %mul3A_354 = arith.mulf %get3A_351, %mul3A_353 : vector<16xf32>
        tpu.vector_store_idx %arg10[%div3A_24, %rem3A_35, %add3A_342], %mul3A_354 : memref<8x8x129xf32, #tpu.memory_space<vmem>>[vector<16xi32>, vector<16xi32>, vector<16xi32>], vector<16xf32>,
        %get3A_355 = arith.index_cast %scan3A_337 : i32 to index
        %get3A_356 = arith.constant 32 : index
        %get3A_357 = tpu.vector_load %arg8[%get3A_355, %get3A_356] {strides = array<i32>} : memref<128x64xf32, #tpu.memory_space<vmem>>, vector<16xf32>,
        %mul3A_358 = arith.constant 8.000000e+00 : f32
        %mul3A_359 = vector.broadcast %mul3A_358 : f32 to vector<16xf32>
        %mul3A_360 = arith.mulf %get3A_357, %mul3A_359 : vector<16xf32>
        tpu.vector_store_idx %arg10[%div3A_27, %rem3A_38, %add3A_342], %mul3A_360 : memref<8x8x129xf32, #tpu.memory_space<vmem>>[vector<16xi32>, vector<16xi32>, vector<16xi32>], vector<16xf32>,
        %get3A_361 = arith.index_cast %scan3A_337 : i32 to index
        %get3A_362 = arith.constant 48 : index
        %get3A_363 = tpu.vector_load %arg8[%get3A_361, %get3A_362] {strides = array<i32>} : memref<128x64xf32, #tpu.memory_space<vmem>>, vector<16xf32>,
        %mul3A_364 = arith.constant 8.000000e+00 : f32
        %mul3A_365 = vector.broadcast %mul3A_364 : f32 to vector<16xf32>
        %mul3A_366 = arith.mulf %get3A_363, %mul3A_365 : vector<16xf32>
        tpu.vector_store_idx %arg10[%div3A_30, %rem3A_41, %add3A_342], %mul3A_366 : memref<8x8x129xf32, #tpu.memory_space<vmem>>[vector<16xi32>, vector<16xi32>, vector<16xi32>], vector<16xf32>,
        %scan3A_367 = arith.constant 5 : i32
        %scan3A_368 = arith.addi %scan3A_215, %scan3A_367 : i32
        %and3A_369 = arith.constant 0 : i32
        %and3A_370 = vector.broadcast %and3A_369 : i32 to vector<16xi32>
        %and3A_371 = arith.andi %iota3A, %and3A_370 : vector<16xi32>
        %add3A_372 = vector.broadcast %scan3A_368 : i32 to vector<16xi32>
        %add3A_373 = arith.addi %and3A_371, %add3A_372 : vector<16xi32>
        %get3A_374 = arith.index_cast %scan3A_368 : i32 to index
        %get3A_375 = arith.constant 0 : index
        %get3A_376 = tpu.vector_load %arg8[%get3A_374, %get3A_375] {strides = array<i32>} : memref<128x64xf32, #tpu.memory_space<vmem>>, vector<16xf32>,
        %mul3A_377 = arith.constant 8.000000e+00 : f32
        %mul3A_378 = vector.broadcast %mul3A_377 : f32 to vector<16xf32>
        %mul3A_379 = arith.mulf %get3A_376, %mul3A_378 : vector<16xf32>
        tpu.vector_store_idx %arg10[%div3A_21, %rem3A_32, %add3A_373], %mul3A_379 : memref<8x8x129xf32, #tpu.memory_space<vmem>>[vector<16xi32>, vector<16xi32>, vector<16xi32>], vector<16xf32>,
        %get3A_380 = arith.index_cast %scan3A_368 : i32 to index
        %get3A_381 = arith.constant 16 : index
        %get3A_382 = tpu.vector_load %arg8[%get3A_380, %get3A_381] {strides = array<i32>} : memref<128x64xf32, #tpu.memory_space<vmem>>, vector<16xf32>,
        %mul3A_383 = arith.constant 8.000000e+00 : f32
        %mul3A_384 = vector.broadcast %mul3A_383 : f32 to vector<16xf32>
        %mul3A_385 = arith.mulf %get3A_382, %mul3A_384 : vector<16xf32>
        tpu.vector_store_idx %arg10[%div3A_24, %rem3A_35, %add3A_373], %mul3A_385 : memref<8x8x129xf32, #tpu.memory_space<vmem>>[vector<16xi32>, vector<16xi32>, vector<16xi32>], vector<16xf32>,
        %get3A_386 = arith.index_cast %scan3A_368 : i32 to index
        %get3A_387 = arith.constant 32 : index
        %get3A_388 = tpu.vector_load %arg8[%get3A_386, %get3A_387] {strides = array<i32>} : memref<128x64xf32, #tpu.memory_space<vmem>>, vector<16xf32>,
        %mul3A_389 = arith.constant 8.000000e+00 : f32
        %mul3A_390 = vector.broadcast %mul3A_389 : f32 to vector<16xf32>
        %mul3A_391 = arith.mulf %get3A_388, %mul3A_390 : vector<16xf32>
        tpu.vector_store_idx %arg10[%div3A_27, %rem3A_38, %add3A_373], %mul3A_391 : memref<8x8x129xf32, #tpu.memory_space<vmem>>[vector<16xi32>, vector<16xi32>, vector<16xi32>], vector<16xf32>,
        %get3A_392 = arith.index_cast %scan3A_368 : i32 to index
        %get3A_393 = arith.constant 48 : index
        %get3A_394 = tpu.vector_load %arg8[%get3A_392, %get3A_393] {strides = array<i32>} : memref<128x64xf32, #tpu.memory_space<vmem>>, vector<16xf32>,
        %mul3A_395 = arith.constant 8.000000e+00 : f32
        %mul3A_396 = vector.broadcast %mul3A_395 : f32 to vector<16xf32>
        %mul3A_397 = arith.mulf %get3A_394, %mul3A_396 : vector<16xf32>
        tpu.vector_store_idx %arg10[%div3A_30, %rem3A_41, %add3A_373], %mul3A_397 : memref<8x8x129xf32, #tpu.memory_space<vmem>>[vector<16xi32>, vector<16xi32>, vector<16xi32>], vector<16xf32>,
        %scan3A_398 = arith.constant 6 : i32
        %scan3A_399 = arith.addi %scan3A_215, %scan3A_398 : i32
        %and3A_400 = arith.constant 0 : i32
        %and3A_401 = vector.broadcast %and3A_400 : i32 to vector<16xi32>
        %and3A_402 = arith.andi %iota3A, %and3A_401 : vector<16xi32>
        %add3A_403 = vector.broadcast %scan3A_399 : i32 to vector<16xi32>
        %add3A_404 = arith.addi %and3A_402, %add3A_403 : vector<16xi32>
        %get3A_405 = arith.index_cast %scan3A_399 : i32 to index
        %get3A_406 = arith.constant 0 : index
        %get3A_407 = tpu.vector_load %arg8[%get3A_405, %get3A_406] {strides = array<i32>} : memref<128x64xf32, #tpu.memory_space<vmem>>, vector<16xf32>,
        %mul3A_408 = arith.constant 8.000000e+00 : f32
        %mul3A_409 = vector.broadcast %mul3A_408 : f32 to vector<16xf32>
        %mul3A_410 = arith.mulf %get3A_407, %mul3A_409 : vector<16xf32>
        tpu.vector_store_idx %arg10[%div3A_21, %rem3A_32, %add3A_404], %mul3A_410 : memref<8x8x129xf32, #tpu.memory_space<vmem>>[vector<16xi32>, vector<16xi32>, vector<16xi32>], vector<16xf32>,
        %get3A_411 = arith.index_cast %scan3A_399 : i32 to index
        %get3A_412 = arith.constant 16 : index
        %get3A_413 = tpu.vector_load %arg8[%get3A_411, %get3A_412] {strides = array<i32>} : memref<128x64xf32, #tpu.memory_space<vmem>>, vector<16xf32>,
        %mul3A_414 = arith.constant 8.000000e+00 : f32
        %mul3A_415 = vector.broadcast %mul3A_414 : f32 to vector<16xf32>
        %mul3A_416 = arith.mulf %get3A_413, %mul3A_415 : vector<16xf32>
        tpu.vector_store_idx %arg10[%div3A_24, %rem3A_35, %add3A_404], %mul3A_416 : memref<8x8x129xf32, #tpu.memory_space<vmem>>[vector<16xi32>, vector<16xi32>, vector<16xi32>], vector<16xf32>,
        %get3A_417 = arith.index_cast %scan3A_399 : i32 to index
        %get3A_418 = arith.constant 32 : index
        %get3A_419 = tpu.vector_load %arg8[%get3A_417, %get3A_418] {strides = array<i32>} : memref<128x64xf32, #tpu.memory_space<vmem>>, vector<16xf32>,
        %mul3A_420 = arith.constant 8.000000e+00 : f32
        %mul3A_421 = vector.broadcast %mul3A_420 : f32 to vector<16xf32>
        %mul3A_422 = arith.mulf %get3A_419, %mul3A_421 : vector<16xf32>
        tpu.vector_store_idx %arg10[%div3A_27, %rem3A_38, %add3A_404], %mul3A_422 : memref<8x8x129xf32, #tpu.memory_space<vmem>>[vector<16xi32>, vector<16xi32>, vector<16xi32>], vector<16xf32>,
        %get3A_423 = arith.index_cast %scan3A_399 : i32 to index
        %get3A_424 = arith.constant 48 : index
        %get3A_425 = tpu.vector_load %arg8[%get3A_423, %get3A_424] {strides = array<i32>} : memref<128x64xf32, #tpu.memory_space<vmem>>, vector<16xf32>,
        %mul3A_426 = arith.constant 8.000000e+00 : f32
        %mul3A_427 = vector.broadcast %mul3A_426 : f32 to vector<16xf32>
        %mul3A_428 = arith.mulf %get3A_425, %mul3A_427 : vector<16xf32>
        tpu.vector_store_idx %arg10[%div3A_30, %rem3A_41, %add3A_404], %mul3A_428 : memref<8x8x129xf32, #tpu.memory_space<vmem>>[vector<16xi32>, vector<16xi32>, vector<16xi32>], vector<16xf32>,
        %scan3A_429 = arith.constant 7 : i32
        %scan3A_430 = arith.addi %scan3A_215, %scan3A_429 : i32
        %and3A_431 = arith.constant 0 : i32
        %and3A_432 = vector.broadcast %and3A_431 : i32 to vector<16xi32>
        %and3A_433 = arith.andi %iota3A, %and3A_432 : vector<16xi32>
        %add3A_434 = vector.broadcast %scan3A_430 : i32 to vector<16xi32>
        %add3A_435 = arith.addi %and3A_433, %add3A_434 : vector<16xi32>
        %get3A_436 = arith.index_cast %scan3A_430 : i32 to index
        %get3A_437 = arith.constant 0 : index
        %get3A_438 = tpu.vector_load %arg8[%get3A_436, %get3A_437] {strides = array<i32>} : memref<128x64xf32, #tpu.memory_space<vmem>>, vector<16xf32>,
        %mul3A_439 = arith.constant 8.000000e+00 : f32
        %mul3A_440 = vector.broadcast %mul3A_439 : f32 to vector<16xf32>
        %mul3A_441 = arith.mulf %get3A_438, %mul3A_440 : vector<16xf32>
        tpu.vector_store_idx %arg10[%div3A_21, %rem3A_32, %add3A_435], %mul3A_441 : memref<8x8x129xf32, #tpu.memory_space<vmem>>[vector<16xi32>, vector<16xi32>, vector<16xi32>], vector<16xf32>,
        %get3A_442 = arith.index_cast %scan3A_430 : i32 to index
        %get3A_443 = arith.constant 16 : index
        %get3A_444 = tpu.vector_load %arg8[%get3A_442, %get3A_443] {strides = array<i32>} : memref<128x64xf32, #tpu.memory_space<vmem>>, vector<16xf32>,
        %mul3A_445 = arith.constant 8.000000e+00 : f32
        %mul3A_446 = vector.broadcast %mul3A_445 : f32 to vector<16xf32>
        %mul3A_447 = arith.mulf %get3A_444, %mul3A_446 : vector<16xf32>
        tpu.vector_store_idx %arg10[%div3A_24, %rem3A_35, %add3A_435], %mul3A_447 : memref<8x8x129xf32, #tpu.memory_space<vmem>>[vector<16xi32>, vector<16xi32>, vector<16xi32>], vector<16xf32>,
        %get3A_448 = arith.index_cast %scan3A_430 : i32 to index
        %get3A_449 = arith.constant 32 : index
        %get3A_450 = tpu.vector_load %arg8[%get3A_448, %get3A_449] {strides = array<i32>} : memref<128x64xf32, #tpu.memory_space<vmem>>, vector<16xf32>,
        %mul3A_451 = arith.constant 8.000000e+00 : f32
        %mul3A_452 = vector.broadcast %mul3A_451 : f32 to vector<16xf32>
        %mul3A_453 = arith.mulf %get3A_450, %mul3A_452 : vector<16xf32>
        tpu.vector_store_idx %arg10[%div3A_27, %rem3A_38, %add3A_435], %mul3A_453 : memref<8x8x129xf32, #tpu.memory_space<vmem>>[vector<16xi32>, vector<16xi32>, vector<16xi32>], vector<16xf32>,
        %get3A_454 = arith.index_cast %scan3A_430 : i32 to index
        %get3A_455 = arith.constant 48 : index
        %get3A_456 = tpu.vector_load %arg8[%get3A_454, %get3A_455] {strides = array<i32>} : memref<128x64xf32, #tpu.memory_space<vmem>>, vector<16xf32>,
        %mul3A_457 = arith.constant 8.000000e+00 : f32
        %mul3A_458 = vector.broadcast %mul3A_457 : f32 to vector<16xf32>
        %mul3A_459 = arith.mulf %get3A_456, %mul3A_458 : vector<16xf32>
        tpu.vector_store_idx %arg10[%div3A_30, %rem3A_41, %add3A_435], %mul3A_459 : memref<8x8x129xf32, #tpu.memory_space<vmem>>[vector<16xi32>, vector<16xi32>, vector<16xi32>], vector<16xf32>,
        %scan3A_460 = arith.constant 8 : i32
        %scan3A_461 = arith.addi %scan3A_215, %scan3A_460 : i32
        %and3A_462 = arith.constant 0 : i32
        %and3A_463 = vector.broadcast %and3A_462 : i32 to vector<16xi32>
        %and3A_464 = arith.andi %iota3A, %and3A_463 : vector<16xi32>
        %add3A_465 = vector.broadcast %scan3A_461 : i32 to vector<16xi32>
        %add3A_466 = arith.addi %and3A_464, %add3A_465 : vector<16xi32>
        %get3A_467 = arith.index_cast %scan3A_461 : i32 to index
        %get3A_468 = arith.constant 0 : index
        %get3A_469 = tpu.vector_load %arg8[%get3A_467, %get3A_468] {strides = array<i32>} : memref<128x64xf32, #tpu.memory_space<vmem>>, vector<16xf32>,
        %mul3A_470 = arith.constant 8.000000e+00 : f32
        %mul3A_471 = vector.broadcast %mul3A_470 : f32 to vector<16xf32>
        %mul3A_472 = arith.mulf %get3A_469, %mul3A_471 : vector<16xf32>
        tpu.vector_store_idx %arg10[%div3A_21, %rem3A_32, %add3A_466], %mul3A_472 : memref<8x8x129xf32, #tpu.memory_space<vmem>>[vector<16xi32>, vector<16xi32>, vector<16xi32>], vector<16xf32>,
        %get3A_473 = arith.index_cast %scan3A_461 : i32 to index
        %get3A_474 = arith.constant 16 : index
        %get3A_475 = tpu.vector_load %arg8[%get3A_473, %get3A_474] {strides = array<i32>} : memref<128x64xf32, #tpu.memory_space<vmem>>, vector<16xf32>,
        %mul3A_476 = arith.constant 8.000000e+00 : f32
        %mul3A_477 = vector.broadcast %mul3A_476 : f32 to vector<16xf32>
        %mul3A_478 = arith.mulf %get3A_475, %mul3A_477 : vector<16xf32>
        tpu.vector_store_idx %arg10[%div3A_24, %rem3A_35, %add3A_466], %mul3A_478 : memref<8x8x129xf32, #tpu.memory_space<vmem>>[vector<16xi32>, vector<16xi32>, vector<16xi32>], vector<16xf32>,
        %get3A_479 = arith.index_cast %scan3A_461 : i32 to index
        %get3A_480 = arith.constant 32 : index
        %get3A_481 = tpu.vector_load %arg8[%get3A_479, %get3A_480] {strides = array<i32>} : memref<128x64xf32, #tpu.memory_space<vmem>>, vector<16xf32>,
        %mul3A_482 = arith.constant 8.000000e+00 : f32
        %mul3A_483 = vector.broadcast %mul3A_482 : f32 to vector<16xf32>
        %mul3A_484 = arith.mulf %get3A_481, %mul3A_483 : vector<16xf32>
        tpu.vector_store_idx %arg10[%div3A_27, %rem3A_38, %add3A_466], %mul3A_484 : memref<8x8x129xf32, #tpu.memory_space<vmem>>[vector<16xi32>, vector<16xi32>, vector<16xi32>], vector<16xf32>,
        %get3A_485 = arith.index_cast %scan3A_461 : i32 to index
        %get3A_486 = arith.constant 48 : index
        %get3A_487 = tpu.vector_load %arg8[%get3A_485, %get3A_486] {strides = array<i32>} : memref<128x64xf32, #tpu.memory_space<vmem>>, vector<16xf32>,
        %mul3A_488 = arith.constant 8.000000e+00 : f32
        %mul3A_489 = vector.broadcast %mul3A_488 : f32 to vector<16xf32>
        %mul3A_490 = arith.mulf %get3A_487, %mul3A_489 : vector<16xf32>
        tpu.vector_store_idx %arg10[%div3A_30, %rem3A_41, %add3A_466], %mul3A_490 : memref<8x8x129xf32, #tpu.memory_space<vmem>>[vector<16xi32>, vector<16xi32>, vector<16xi32>], vector<16xf32>,
        %scan3A_491 = arith.constant 9 : i32
        %scan3A_492 = arith.addi %scan3A_215, %scan3A_491 : i32
        %and3A_493 = arith.constant 0 : i32
        %and3A_494 = vector.broadcast %and3A_493 : i32 to vector<16xi32>
        %and3A_495 = arith.andi %iota3A, %and3A_494 : vector<16xi32>
        %add3A_496 = vector.broadcast %scan3A_492 : i32 to vector<16xi32>
        %add3A_497 = arith.addi %and3A_495, %add3A_496 : vector<16xi32>
        %get3A_498 = arith.index_cast %scan3A_492 : i32 to index
        %get3A_499 = arith.constant 0 : index
        %get3A_500 = tpu.vector_load %arg8[%get3A_498, %get3A_499] {strides = array<i32>} : memref<128x64xf32, #tpu.memory_space<vmem>>, vector<16xf32>,
        %mul3A_501 = arith.constant 8.000000e+00 : f32
        %mul3A_502 = vector.broadcast %mul3A_501 : f32 to vector<16xf32>
        %mul3A_503 = arith.mulf %get3A_500, %mul3A_502 : vector<16xf32>
        tpu.vector_store_idx %arg10[%div3A_21, %rem3A_32, %add3A_497], %mul3A_503 : memref<8x8x129xf32, #tpu.memory_space<vmem>>[vector<16xi32>, vector<16xi32>, vector<16xi32>], vector<16xf32>,
        %get3A_504 = arith.index_cast %scan3A_492 : i32 to index
        %get3A_505 = arith.constant 16 : index
        %get3A_506 = tpu.vector_load %arg8[%get3A_504, %get3A_505] {strides = array<i32>} : memref<128x64xf32, #tpu.memory_space<vmem>>, vector<16xf32>,
        %mul3A_507 = arith.constant 8.000000e+00 : f32
        %mul3A_508 = vector.broadcast %mul3A_507 : f32 to vector<16xf32>
        %mul3A_509 = arith.mulf %get3A_506, %mul3A_508 : vector<16xf32>
        tpu.vector_store_idx %arg10[%div3A_24, %rem3A_35, %add3A_497], %mul3A_509 : memref<8x8x129xf32, #tpu.memory_space<vmem>>[vector<16xi32>, vector<16xi32>, vector<16xi32>], vector<16xf32>,
        %get3A_510 = arith.index_cast %scan3A_492 : i32 to index
        %get3A_511 = arith.constant 32 : index
        %get3A_512 = tpu.vector_load %arg8[%get3A_510, %get3A_511] {strides = array<i32>} : memref<128x64xf32, #tpu.memory_space<vmem>>, vector<16xf32>,
        %mul3A_513 = arith.constant 8.000000e+00 : f32
        %mul3A_514 = vector.broadcast %mul3A_513 : f32 to vector<16xf32>
        %mul3A_515 = arith.mulf %get3A_512, %mul3A_514 : vector<16xf32>
        tpu.vector_store_idx %arg10[%div3A_27, %rem3A_38, %add3A_497], %mul3A_515 : memref<8x8x129xf32, #tpu.memory_space<vmem>>[vector<16xi32>, vector<16xi32>, vector<16xi32>], vector<16xf32>,
        %get3A_516 = arith.index_cast %scan3A_492 : i32 to index
        %get3A_517 = arith.constant 48 : index
        %get3A_518 = tpu.vector_load %arg8[%get3A_516, %get3A_517] {strides = array<i32>} : memref<128x64xf32, #tpu.memory_space<vmem>>, vector<16xf32>,
        %mul3A_519 = arith.constant 8.000000e+00 : f32
        %mul3A_520 = vector.broadcast %mul3A_519 : f32 to vector<16xf32>
        %mul3A_521 = arith.mulf %get3A_518, %mul3A_520 : vector<16xf32>
        tpu.vector_store_idx %arg10[%div3A_30, %rem3A_41, %add3A_497], %mul3A_521 : memref<8x8x129xf32, #tpu.memory_space<vmem>>[vector<16xi32>, vector<16xi32>, vector<16xi32>], vector<16xf32>,
        %scan3A_522 = arith.constant 10 : i32
        %scan3A_523 = arith.addi %scan3A_215, %scan3A_522 : i32
        %and3A_524 = arith.constant 0 : i32
        %and3A_525 = vector.broadcast %and3A_524 : i32 to vector<16xi32>
        %and3A_526 = arith.andi %iota3A, %and3A_525 : vector<16xi32>
        %add3A_527 = vector.broadcast %scan3A_523 : i32 to vector<16xi32>
        %add3A_528 = arith.addi %and3A_526, %add3A_527 : vector<16xi32>
        %get3A_529 = arith.index_cast %scan3A_523 : i32 to index
        %get3A_530 = arith.constant 0 : index
        %get3A_531 = tpu.vector_load %arg8[%get3A_529, %get3A_530] {strides = array<i32>} : memref<128x64xf32, #tpu.memory_space<vmem>>, vector<16xf32>,
        %mul3A_532 = arith.constant 8.000000e+00 : f32
        %mul3A_533 = vector.broadcast %mul3A_532 : f32 to vector<16xf32>
        %mul3A_534 = arith.mulf %get3A_531, %mul3A_533 : vector<16xf32>
        tpu.vector_store_idx %arg10[%div3A_21, %rem3A_32, %add3A_528], %mul3A_534 : memref<8x8x129xf32, #tpu.memory_space<vmem>>[vector<16xi32>, vector<16xi32>, vector<16xi32>], vector<16xf32>,
        %get3A_535 = arith.index_cast %scan3A_523 : i32 to index
        %get3A_536 = arith.constant 16 : index
        %get3A_537 = tpu.vector_load %arg8[%get3A_535, %get3A_536] {strides = array<i32>} : memref<128x64xf32, #tpu.memory_space<vmem>>, vector<16xf32>,
        %mul3A_538 = arith.constant 8.000000e+00 : f32
        %mul3A_539 = vector.broadcast %mul3A_538 : f32 to vector<16xf32>
        %mul3A_540 = arith.mulf %get3A_537, %mul3A_539 : vector<16xf32>
        tpu.vector_store_idx %arg10[%div3A_24, %rem3A_35, %add3A_528], %mul3A_540 : memref<8x8x129xf32, #tpu.memory_space<vmem>>[vector<16xi32>, vector<16xi32>, vector<16xi32>], vector<16xf32>,
        %get3A_541 = arith.index_cast %scan3A_523 : i32 to index
        %get3A_542 = arith.constant 32 : index
        %get3A_543 = tpu.vector_load %arg8[%get3A_541, %get3A_542] {strides = array<i32>} : memref<128x64xf32, #tpu.memory_space<vmem>>, vector<16xf32>,
        %mul3A_544 = arith.constant 8.000000e+00 : f32
        %mul3A_545 = vector.broadcast %mul3A_544 : f32 to vector<16xf32>
        %mul3A_546 = arith.mulf %get3A_543, %mul3A_545 : vector<16xf32>
        tpu.vector_store_idx %arg10[%div3A_27, %rem3A_38, %add3A_528], %mul3A_546 : memref<8x8x129xf32, #tpu.memory_space<vmem>>[vector<16xi32>, vector<16xi32>, vector<16xi32>], vector<16xf32>,
        %get3A_547 = arith.index_cast %scan3A_523 : i32 to index
        %get3A_548 = arith.constant 48 : index
        %get3A_549 = tpu.vector_load %arg8[%get3A_547, %get3A_548] {strides = array<i32>} : memref<128x64xf32, #tpu.memory_space<vmem>>, vector<16xf32>,
        %mul3A_550 = arith.constant 8.000000e+00 : f32
        %mul3A_551 = vector.broadcast %mul3A_550 : f32 to vector<16xf32>
        %mul3A_552 = arith.mulf %get3A_549, %mul3A_551 : vector<16xf32>
        tpu.vector_store_idx %arg10[%div3A_30, %rem3A_41, %add3A_528], %mul3A_552 : memref<8x8x129xf32, #tpu.memory_space<vmem>>[vector<16xi32>, vector<16xi32>, vector<16xi32>], vector<16xf32>,
        %scan3A_553 = arith.constant 11 : i32
        %scan3A_554 = arith.addi %scan3A_215, %scan3A_553 : i32
        %and3A_555 = arith.constant 0 : i32
        %and3A_556 = vector.broadcast %and3A_555 : i32 to vector<16xi32>
        %and3A_557 = arith.andi %iota3A, %and3A_556 : vector<16xi32>
        %add3A_558 = vector.broadcast %scan3A_554 : i32 to vector<16xi32>
        %add3A_559 = arith.addi %and3A_557, %add3A_558 : vector<16xi32>
        %get3A_560 = arith.index_cast %scan3A_554 : i32 to index
        %get3A_561 = arith.constant 0 : index
        %get3A_562 = tpu.vector_load %arg8[%get3A_560, %get3A_561] {strides = array<i32>} : memref<128x64xf32, #tpu.memory_space<vmem>>, vector<16xf32>,
        %mul3A_563 = arith.constant 8.000000e+00 : f32
        %mul3A_564 = vector.broadcast %mul3A_563 : f32 to vector<16xf32>
        %mul3A_565 = arith.mulf %get3A_562, %mul3A_564 : vector<16xf32>
        tpu.vector_store_idx %arg10[%div3A_21, %rem3A_32, %add3A_559], %mul3A_565 : memref<8x8x129xf32, #tpu.memory_space<vmem>>[vector<16xi32>, vector<16xi32>, vector<16xi32>], vector<16xf32>,
        %get3A_566 = arith.index_cast %scan3A_554 : i32 to index
        %get3A_567 = arith.constant 16 : index
        %get3A_568 = tpu.vector_load %arg8[%get3A_566, %get3A_567] {strides = array<i32>} : memref<128x64xf32, #tpu.memory_space<vmem>>, vector<16xf32>,
        %mul3A_569 = arith.constant 8.000000e+00 : f32
        %mul3A_570 = vector.broadcast %mul3A_569 : f32 to vector<16xf32>
        %mul3A_571 = arith.mulf %get3A_568, %mul3A_570 : vector<16xf32>
        tpu.vector_store_idx %arg10[%div3A_24, %rem3A_35, %add3A_559], %mul3A_571 : memref<8x8x129xf32, #tpu.memory_space<vmem>>[vector<16xi32>, vector<16xi32>, vector<16xi32>], vector<16xf32>,
        %get3A_572 = arith.index_cast %scan3A_554 : i32 to index
        %get3A_573 = arith.constant 32 : index
        %get3A_574 = tpu.vector_load %arg8[%get3A_572, %get3A_573] {strides = array<i32>} : memref<128x64xf32, #tpu.memory_space<vmem>>, vector<16xf32>,
        %mul3A_575 = arith.constant 8.000000e+00 : f32
        %mul3A_576 = vector.broadcast %mul3A_575 : f32 to vector<16xf32>
        %mul3A_577 = arith.mulf %get3A_574, %mul3A_576 : vector<16xf32>
        tpu.vector_store_idx %arg10[%div3A_27, %rem3A_38, %add3A_559], %mul3A_577 : memref<8x8x129xf32, #tpu.memory_space<vmem>>[vector<16xi32>, vector<16xi32>, vector<16xi32>], vector<16xf32>,
        %get3A_578 = arith.index_cast %scan3A_554 : i32 to index
        %get3A_579 = arith.constant 48 : index
        %get3A_580 = tpu.vector_load %arg8[%get3A_578, %get3A_579] {strides = array<i32>} : memref<128x64xf32, #tpu.memory_space<vmem>>, vector<16xf32>,
        %mul3A_581 = arith.constant 8.000000e+00 : f32
        %mul3A_582 = vector.broadcast %mul3A_581 : f32 to vector<16xf32>
        %mul3A_583 = arith.mulf %get3A_580, %mul3A_582 : vector<16xf32>
        tpu.vector_store_idx %arg10[%div3A_30, %rem3A_41, %add3A_559], %mul3A_583 : memref<8x8x129xf32, #tpu.memory_space<vmem>>[vector<16xi32>, vector<16xi32>, vector<16xi32>], vector<16xf32>,
        %scan3A_584 = arith.constant 12 : i32
        %scan3A_585 = arith.addi %scan3A_215, %scan3A_584 : i32
        %and3A_586 = arith.constant 0 : i32
        %and3A_587 = vector.broadcast %and3A_586 : i32 to vector<16xi32>
        %and3A_588 = arith.andi %iota3A, %and3A_587 : vector<16xi32>
        %add3A_589 = vector.broadcast %scan3A_585 : i32 to vector<16xi32>
        %add3A_590 = arith.addi %and3A_588, %add3A_589 : vector<16xi32>
        %get3A_591 = arith.index_cast %scan3A_585 : i32 to index
        %get3A_592 = arith.constant 0 : index
        %get3A_593 = tpu.vector_load %arg8[%get3A_591, %get3A_592] {strides = array<i32>} : memref<128x64xf32, #tpu.memory_space<vmem>>, vector<16xf32>,
        %mul3A_594 = arith.constant 8.000000e+00 : f32
        %mul3A_595 = vector.broadcast %mul3A_594 : f32 to vector<16xf32>
        %mul3A_596 = arith.mulf %get3A_593, %mul3A_595 : vector<16xf32>
        tpu.vector_store_idx %arg10[%div3A_21, %rem3A_32, %add3A_590], %mul3A_596 : memref<8x8x129xf32, #tpu.memory_space<vmem>>[vector<16xi32>, vector<16xi32>, vector<16xi32>], vector<16xf32>,
        %get3A_597 = arith.index_cast %scan3A_585 : i32 to index
        %get3A_598 = arith.constant 16 : index
        %get3A_599 = tpu.vector_load %arg8[%get3A_597, %get3A_598] {strides = array<i32>} : memref<128x64xf32, #tpu.memory_space<vmem>>, vector<16xf32>,
        %mul3A_600 = arith.constant 8.000000e+00 : f32
        %mul3A_601 = vector.broadcast %mul3A_600 : f32 to vector<16xf32>
        %mul3A_602 = arith.mulf %get3A_599, %mul3A_601 : vector<16xf32>
        tpu.vector_store_idx %arg10[%div3A_24, %rem3A_35, %add3A_590], %mul3A_602 : memref<8x8x129xf32, #tpu.memory_space<vmem>>[vector<16xi32>, vector<16xi32>, vector<16xi32>], vector<16xf32>,
        %get3A_603 = arith.index_cast %scan3A_585 : i32 to index
        %get3A_604 = arith.constant 32 : index
        %get3A_605 = tpu.vector_load %arg8[%get3A_603, %get3A_604] {strides = array<i32>} : memref<128x64xf32, #tpu.memory_space<vmem>>, vector<16xf32>,
        %mul3A_606 = arith.constant 8.000000e+00 : f32
        %mul3A_607 = vector.broadcast %mul3A_606 : f32 to vector<16xf32>
        %mul3A_608 = arith.mulf %get3A_605, %mul3A_607 : vector<16xf32>
        tpu.vector_store_idx %arg10[%div3A_27, %rem3A_38, %add3A_590], %mul3A_608 : memref<8x8x129xf32, #tpu.memory_space<vmem>>[vector<16xi32>, vector<16xi32>, vector<16xi32>], vector<16xf32>,
        %get3A_609 = arith.index_cast %scan3A_585 : i32 to index
        %get3A_610 = arith.constant 48 : index
        %get3A_611 = tpu.vector_load %arg8[%get3A_609, %get3A_610] {strides = array<i32>} : memref<128x64xf32, #tpu.memory_space<vmem>>, vector<16xf32>,
        %mul3A_612 = arith.constant 8.000000e+00 : f32
        %mul3A_613 = vector.broadcast %mul3A_612 : f32 to vector<16xf32>
        %mul3A_614 = arith.mulf %get3A_611, %mul3A_613 : vector<16xf32>
        tpu.vector_store_idx %arg10[%div3A_30, %rem3A_41, %add3A_590], %mul3A_614 : memref<8x8x129xf32, #tpu.memory_space<vmem>>[vector<16xi32>, vector<16xi32>, vector<16xi32>], vector<16xf32>,
        %scan3A_615 = arith.constant 13 : i32
        %scan3A_616 = arith.addi %scan3A_215, %scan3A_615 : i32
        %and3A_617 = arith.constant 0 : i32
        %and3A_618 = vector.broadcast %and3A_617 : i32 to vector<16xi32>
        %and3A_619 = arith.andi %iota3A, %and3A_618 : vector<16xi32>
        %add3A_620 = vector.broadcast %scan3A_616 : i32 to vector<16xi32>
        %add3A_621 = arith.addi %and3A_619, %add3A_620 : vector<16xi32>
        %get3A_622 = arith.index_cast %scan3A_616 : i32 to index
        %get3A_623 = arith.constant 0 : index
        %get3A_624 = tpu.vector_load %arg8[%get3A_622, %get3A_623] {strides = array<i32>} : memref<128x64xf32, #tpu.memory_space<vmem>>, vector<16xf32>,
        %mul3A_625 = arith.constant 8.000000e+00 : f32
        %mul3A_626 = vector.broadcast %mul3A_625 : f32 to vector<16xf32>
        %mul3A_627 = arith.mulf %get3A_624, %mul3A_626 : vector<16xf32>
        tpu.vector_store_idx %arg10[%div3A_21, %rem3A_32, %add3A_621], %mul3A_627 : memref<8x8x129xf32, #tpu.memory_space<vmem>>[vector<16xi32>, vector<16xi32>, vector<16xi32>], vector<16xf32>,
        %get3A_628 = arith.index_cast %scan3A_616 : i32 to index
        %get3A_629 = arith.constant 16 : index
        %get3A_630 = tpu.vector_load %arg8[%get3A_628, %get3A_629] {strides = array<i32>} : memref<128x64xf32, #tpu.memory_space<vmem>>, vector<16xf32>,
        %mul3A_631 = arith.constant 8.000000e+00 : f32
        %mul3A_632 = vector.broadcast %mul3A_631 : f32 to vector<16xf32>
        %mul3A_633 = arith.mulf %get3A_630, %mul3A_632 : vector<16xf32>
        tpu.vector_store_idx %arg10[%div3A_24, %rem3A_35, %add3A_621], %mul3A_633 : memref<8x8x129xf32, #tpu.memory_space<vmem>>[vector<16xi32>, vector<16xi32>, vector<16xi32>], vector<16xf32>,
        %get3A_634 = arith.index_cast %scan3A_616 : i32 to index
        %get3A_635 = arith.constant 32 : index
        %get3A_636 = tpu.vector_load %arg8[%get3A_634, %get3A_635] {strides = array<i32>} : memref<128x64xf32, #tpu.memory_space<vmem>>, vector<16xf32>,
        %mul3A_637 = arith.constant 8.000000e+00 : f32
        %mul3A_638 = vector.broadcast %mul3A_637 : f32 to vector<16xf32>
        %mul3A_639 = arith.mulf %get3A_636, %mul3A_638 : vector<16xf32>
        tpu.vector_store_idx %arg10[%div3A_27, %rem3A_38, %add3A_621], %mul3A_639 : memref<8x8x129xf32, #tpu.memory_space<vmem>>[vector<16xi32>, vector<16xi32>, vector<16xi32>], vector<16xf32>,
        %get3A_640 = arith.index_cast %scan3A_616 : i32 to index
        %get3A_641 = arith.constant 48 : index
        %get3A_642 = tpu.vector_load %arg8[%get3A_640, %get3A_641] {strides = array<i32>} : memref<128x64xf32, #tpu.memory_space<vmem>>, vector<16xf32>,
        %mul3A_643 = arith.constant 8.000000e+00 : f32
        %mul3A_644 = vector.broadcast %mul3A_643 : f32 to vector<16xf32>
        %mul3A_645 = arith.mulf %get3A_642, %mul3A_644 : vector<16xf32>
        tpu.vector_store_idx %arg10[%div3A_30, %rem3A_41, %add3A_621], %mul3A_645 : memref<8x8x129xf32, #tpu.memory_space<vmem>>[vector<16xi32>, vector<16xi32>, vector<16xi32>], vector<16xf32>,
        %scan3A_646 = arith.constant 14 : i32
        %scan3A_647 = arith.addi %scan3A_215, %scan3A_646 : i32
        %and3A_648 = arith.constant 0 : i32
        %and3A_649 = vector.broadcast %and3A_648 : i32 to vector<16xi32>
        %and3A_650 = arith.andi %iota3A, %and3A_649 : vector<16xi32>
        %add3A_651 = vector.broadcast %scan3A_647 : i32 to vector<16xi32>
        %add3A_652 = arith.addi %and3A_650, %add3A_651 : vector<16xi32>
        %get3A_653 = arith.index_cast %scan3A_647 : i32 to index
        %get3A_654 = arith.constant 0 : index
        %get3A_655 = tpu.vector_load %arg8[%get3A_653, %get3A_654] {strides = array<i32>} : memref<128x64xf32, #tpu.memory_space<vmem>>, vector<16xf32>,
        %mul3A_656 = arith.constant 8.000000e+00 : f32
        %mul3A_657 = vector.broadcast %mul3A_656 : f32 to vector<16xf32>
        %mul3A_658 = arith.mulf %get3A_655, %mul3A_657 : vector<16xf32>
        tpu.vector_store_idx %arg10[%div3A_21, %rem3A_32, %add3A_652], %mul3A_658 : memref<8x8x129xf32, #tpu.memory_space<vmem>>[vector<16xi32>, vector<16xi32>, vector<16xi32>], vector<16xf32>,
        %get3A_659 = arith.index_cast %scan3A_647 : i32 to index
        %get3A_660 = arith.constant 16 : index
        %get3A_661 = tpu.vector_load %arg8[%get3A_659, %get3A_660] {strides = array<i32>} : memref<128x64xf32, #tpu.memory_space<vmem>>, vector<16xf32>,
        %mul3A_662 = arith.constant 8.000000e+00 : f32
        %mul3A_663 = vector.broadcast %mul3A_662 : f32 to vector<16xf32>
        %mul3A_664 = arith.mulf %get3A_661, %mul3A_663 : vector<16xf32>
        tpu.vector_store_idx %arg10[%div3A_24, %rem3A_35, %add3A_652], %mul3A_664 : memref<8x8x129xf32, #tpu.memory_space<vmem>>[vector<16xi32>, vector<16xi32>, vector<16xi32>], vector<16xf32>,
        %get3A_665 = arith.index_cast %scan3A_647 : i32 to index
        %get3A_666 = arith.constant 32 : index
        %get3A_667 = tpu.vector_load %arg8[%get3A_665, %get3A_666] {strides = array<i32>} : memref<128x64xf32, #tpu.memory_space<vmem>>, vector<16xf32>,
        %mul3A_668 = arith.constant 8.000000e+00 : f32
        %mul3A_669 = vector.broadcast %mul3A_668 : f32 to vector<16xf32>
        %mul3A_670 = arith.mulf %get3A_667, %mul3A_669 : vector<16xf32>
        tpu.vector_store_idx %arg10[%div3A_27, %rem3A_38, %add3A_652], %mul3A_670 : memref<8x8x129xf32, #tpu.memory_space<vmem>>[vector<16xi32>, vector<16xi32>, vector<16xi32>], vector<16xf32>,
        %get3A_671 = arith.index_cast %scan3A_647 : i32 to index
        %get3A_672 = arith.constant 48 : index
        %get3A_673 = tpu.vector_load %arg8[%get3A_671, %get3A_672] {strides = array<i32>} : memref<128x64xf32, #tpu.memory_space<vmem>>, vector<16xf32>,
        %mul3A_674 = arith.constant 8.000000e+00 : f32
        %mul3A_675 = vector.broadcast %mul3A_674 : f32 to vector<16xf32>
        %mul3A_676 = arith.mulf %get3A_673, %mul3A_675 : vector<16xf32>
        tpu.vector_store_idx %arg10[%div3A_30, %rem3A_41, %add3A_652], %mul3A_676 : memref<8x8x129xf32, #tpu.memory_space<vmem>>[vector<16xi32>, vector<16xi32>, vector<16xi32>], vector<16xf32>,
        %scan3A_677 = arith.constant 15 : i32
        %scan3A_678 = arith.addi %scan3A_215, %scan3A_677 : i32
        %and3A_679 = arith.constant 0 : i32
        %and3A_680 = vector.broadcast %and3A_679 : i32 to vector<16xi32>
        %and3A_681 = arith.andi %iota3A, %and3A_680 : vector<16xi32>
        %add3A_682 = vector.broadcast %scan3A_678 : i32 to vector<16xi32>
        %add3A_683 = arith.addi %and3A_681, %add3A_682 : vector<16xi32>
        %get3A_684 = arith.index_cast %scan3A_678 : i32 to index
        %get3A_685 = arith.constant 0 : index
        %get3A_686 = tpu.vector_load %arg8[%get3A_684, %get3A_685] {strides = array<i32>} : memref<128x64xf32, #tpu.memory_space<vmem>>, vector<16xf32>,
        %mul3A_687 = arith.constant 8.000000e+00 : f32
        %mul3A_688 = vector.broadcast %mul3A_687 : f32 to vector<16xf32>
        %mul3A_689 = arith.mulf %get3A_686, %mul3A_688 : vector<16xf32>
        tpu.vector_store_idx %arg10[%div3A_21, %rem3A_32, %add3A_683], %mul3A_689 : memref<8x8x129xf32, #tpu.memory_space<vmem>>[vector<16xi32>, vector<16xi32>, vector<16xi32>], vector<16xf32>,
        %get3A_690 = arith.index_cast %scan3A_678 : i32 to index
        %get3A_691 = arith.constant 16 : index
        %get3A_692 = tpu.vector_load %arg8[%get3A_690, %get3A_691] {strides = array<i32>} : memref<128x64xf32, #tpu.memory_space<vmem>>, vector<16xf32>,
        %mul3A_693 = arith.constant 8.000000e+00 : f32
        %mul3A_694 = vector.broadcast %mul3A_693 : f32 to vector<16xf32>
        %mul3A_695 = arith.mulf %get3A_692, %mul3A_694 : vector<16xf32>
        tpu.vector_store_idx %arg10[%div3A_24, %rem3A_35, %add3A_683], %mul3A_695 : memref<8x8x129xf32, #tpu.memory_space<vmem>>[vector<16xi32>, vector<16xi32>, vector<16xi32>], vector<16xf32>,
        %get3A_696 = arith.index_cast %scan3A_678 : i32 to index
        %get3A_697 = arith.constant 32 : index
        %get3A_698 = tpu.vector_load %arg8[%get3A_696, %get3A_697] {strides = array<i32>} : memref<128x64xf32, #tpu.memory_space<vmem>>, vector<16xf32>,
        %mul3A_699 = arith.constant 8.000000e+00 : f32
        %mul3A_700 = vector.broadcast %mul3A_699 : f32 to vector<16xf32>
        %mul3A_701 = arith.mulf %get3A_698, %mul3A_700 : vector<16xf32>
        tpu.vector_store_idx %arg10[%div3A_27, %rem3A_38, %add3A_683], %mul3A_701 : memref<8x8x129xf32, #tpu.memory_space<vmem>>[vector<16xi32>, vector<16xi32>, vector<16xi32>], vector<16xf32>,
        %get3A_702 = arith.index_cast %scan3A_678 : i32 to index
        %get3A_703 = arith.constant 48 : index
        %get3A_704 = tpu.vector_load %arg8[%get3A_702, %get3A_703] {strides = array<i32>} : memref<128x64xf32, #tpu.memory_space<vmem>>, vector<16xf32>,
        %mul3A_705 = arith.constant 8.000000e+00 : f32
        %mul3A_706 = vector.broadcast %mul3A_705 : f32 to vector<16xf32>
        %mul3A_707 = arith.mulf %get3A_704, %mul3A_706 : vector<16xf32>
        tpu.vector_store_idx %arg10[%div3A_30, %rem3A_41, %add3A_683], %mul3A_707 : memref<8x8x129xf32, #tpu.memory_space<vmem>>[vector<16xi32>, vector<16xi32>, vector<16xi32>], vector<16xf32>,
      }
      %scan3A_186 = arith.constant 128 : i32
      %add3A_187 = arith.constant 2 : i32
      %add3A_188 = arith.addi %add3A_164, %add3A_187 : i32
      %lt3A_189 = arith.constant 200 : i32
      %lt3A_190 = arith.cmpi slt, %add3A_188, %lt3A_189 : i32
      %convert_element_type3A_191 = arith.extui %lt3A_190 : i1 to i32
      %cond3A_192 = arith.constant 0 : i32
      %cond3A_193 = arith.cmpi ne, %convert_element_type3A_191, %cond3A_192 : i32
      scf.if %cond3A_193 {
        %add3A_215 = arith.constant 2 : i32
        %add3A_216 = arith.addi %add3A_164, %add3A_215 : i32
        %div3A_217 = arith.constant 4 : i32
        %div3A_218 = arith.divsi %add3A_216, %div3A_217 : i32
        %rem3A_219 = arith.constant 4 : i32
        %rem3A_220 = arith.remsi %add3A_216, %rem3A_219 : i32
        %mul3A_221 = arith.constant 128 : i32
        %mul3A_222 = arith.muli %rem3A_220, %mul3A_221 : i32
        %dma_start3A_223 = tpu.memref_slice %arg6[%div3A_218, %mul3A_222] : memref<50x520xi32, #tpu.memory_space<vmem>> -> memref<1x128xi32, #tpu.memory_space<vmem>>
        %dma_start3A_224 = tpu.memref_squeeze %dma_start3A_223 : memref<1x128xi32, #tpu.memory_space<vmem>> -> memref<128xi32, #tpu.memory_space<vmem>>
        %dma_start3A_225 = arith.constant 0 : i32
        %dma_start3A_226 = arith.constant 0 : i32
        %dma_start3A_227 = tpu.memref_slice %arg3[%dma_start3A_225, %dma_start3A_226] : memref<1000000x64xf32, #tpu.memory_space<hbm>> -> memref<1000000x64xf32, #tpu.memory_space<hbm>>
        tpu.enqueue_indirect_dma source(%dma_start3A_227 : memref<1000000x64xf32, #tpu.memory_space<hbm>>) target(%arg8 : memref<128x64xf32, #tpu.memory_space<vmem>>) offsets(%dma_start3A_224 : memref<128xi32, #tpu.memory_space<vmem>>) semaphore(%arg12 : memref<!tpu.dma_semaphore, #tpu.memory_space<semaphore_mem>>)
      } else {
      }
      %mul3A_194 = arith.constant 4 : i32
      %mul3A_195 = arith.muli %add3A, %mul3A_194 : i32
      %add3A_196 = arith.addi %mul3A_195, %rem3A_168 : i32
      %dma_start3A_197 = arith.constant 0 : i32
      %dma_start3A_198 = arith.constant 0 : i32
      %dma_start3A_199 = arith.constant 0 : i32
      %dma_start3A_200 = tpu.memref_slice %arg10[%dma_start3A_197, %dma_start3A_198, %dma_start3A_199] : memref<8x8x129xf32, #tpu.memory_space<vmem>> -> memref<8x8x128xf32, #tpu.memory_space<vmem>>
      %dma_start3A_201 = arith.constant 0 : i32
      %dma_start3A_202 = arith.constant 0 : i32
      %dma_start3A_203 = arith.constant 0 : i32
      %dma_start3A_204 = tpu.memref_slice %arg4[%div3A_166, %dma_start3A_201, %add3A_196, %dma_start3A_202, %dma_start3A_203] : memref<50x8x128x8x128xf32, #tpu.memory_space<hbm>> -> memref<1x8x1x8x128xf32, #tpu.memory_space<hbm>>
      %dma_start3A_205 = tpu.memref_squeeze %dma_start3A_204 : memref<1x8x1x8x128xf32, #tpu.memory_space<hbm>> -> memref<8x8x128xf32, #tpu.memory_space<hbm>>
      %dma_start3A_206 = arith.constant 0 : i32
      %dma_start3A_207 = arith.constant 0 : i32
      %dma_start3A_208 = arith.constant 0 : i32
      %dma_start3A_209 = tpu.memref_slice %arg4[%div3A_166, %dma_start3A_206, %add3A_196, %dma_start3A_207, %dma_start3A_208] : memref<50x8x128x8x128xf32, #tpu.memory_space<hbm>> -> memref<1x8x1x8x128xf32, #tpu.memory_space<hbm>>
      %dma_start3A_210 = tpu.memref_squeeze %dma_start3A_209 : memref<1x8x1x8x128xf32, #tpu.memory_space<hbm>> -> memref<8x8x128xf32, #tpu.memory_space<hbm>>
      %dma_start3A_211 = arith.constant 0 : i32
      %dma_start3A_212 = arith.constant 0 : i32
      %dma_start3A_213 = arith.constant 0 : i32
      %dma_start3A_214 = tpu.memref_slice %arg10[%dma_start3A_211, %dma_start3A_212, %dma_start3A_213] : memref<8x8x129xf32, #tpu.memory_space<vmem>> -> memref<8x8x128xf32, #tpu.memory_space<vmem>>
      tpu.enqueue_dma source(%dma_start3A_214 : memref<8x8x128xf32, #tpu.memory_space<vmem>>) target(%dma_start3A_210 : memref<8x8x128xf32, #tpu.memory_space<hbm>>) target_semaphore(%arg14 : memref<!tpu.dma_semaphore, #tpu.memory_space<semaphore_mem>>)
    }
    %scan3A_72 = arith.constant 100 : i32
    %dma_wait3A = arith.constant 0 : i32
    %dma_wait3A_73 = arith.constant 0 : i32
    %dma_wait3A_74 = arith.constant 0 : i32
    %dma_wait3A_75 = arith.constant 0 : i32
    %dma_wait3A_76 = arith.constant 0 : i32
    %dma_wait3A_77 = tpu.memref_slice %arg9[%dma_wait3A_74, %dma_wait3A_75, %dma_wait3A_76] : memref<8x8x129xf32, #tpu.memory_space<vmem>> -> memref<8x8x128xf32, #tpu.memory_space<vmem>>
    %dma_wait3A_78 = arith.constant 0 : i32
    %dma_wait3A_79 = arith.constant 0 : i32
    %dma_wait3A_80 = arith.constant 0 : i32
    %dma_wait3A_81 = tpu.memref_slice %arg4[%dma_wait3A, %dma_wait3A_78, %dma_wait3A_73, %dma_wait3A_79, %dma_wait3A_80] : memref<50x8x128x8x128xf32, #tpu.memory_space<hbm>> -> memref<1x8x1x8x128xf32, #tpu.memory_space<hbm>>
    %dma_wait3A_82 = tpu.memref_squeeze %dma_wait3A_81 : memref<1x8x1x8x128xf32, #tpu.memory_space<hbm>> -> memref<8x8x128xf32, #tpu.memory_space<hbm>>
    %dma_wait3A_83 = arith.constant 0 : i32
    %dma_wait3A_84 = arith.constant 0 : i32
    %dma_wait3A_85 = arith.constant 0 : i32
    %dma_wait3A_86 = tpu.memref_slice %arg4[%dma_wait3A, %dma_wait3A_83, %dma_wait3A_73, %dma_wait3A_84, %dma_wait3A_85] : memref<50x8x128x8x128xf32, #tpu.memory_space<hbm>> -> memref<1x8x1x8x128xf32, #tpu.memory_space<hbm>>
    %dma_wait3A_87 = tpu.memref_squeeze %dma_wait3A_86 : memref<1x8x1x8x128xf32, #tpu.memory_space<hbm>> -> memref<8x8x128xf32, #tpu.memory_space<hbm>>
    %dma_wait3A_88 = arith.constant 0 : i32
    %dma_wait3A_89 = arith.constant 0 : i32
    %dma_wait3A_90 = arith.constant 0 : i32
    %dma_wait3A_91 = tpu.memref_slice %arg9[%dma_wait3A_88, %dma_wait3A_89, %dma_wait3A_90] : memref<8x8x129xf32, #tpu.memory_space<vmem>> -> memref<8x8x128xf32, #tpu.memory_space<vmem>>
    tpu.wait_dma2 semaphore(%arg13 : memref<!tpu.dma_semaphore, #tpu.memory_space<semaphore_mem>>) src(%dma_wait3A_91 : memref<8x8x128xf32, #tpu.memory_space<vmem>>) dst(%dma_wait3A_87 : memref<8x8x128xf32, #tpu.memory_space<hbm>>)
    %dma_wait3A_92 = arith.constant 0 : i32
    %dma_wait3A_93 = arith.constant 0 : i32
    %dma_wait3A_94 = arith.constant 0 : i32
    %dma_wait3A_95 = arith.constant 0 : i32
    %dma_wait3A_96 = arith.constant 0 : i32
    %dma_wait3A_97 = tpu.memref_slice %arg10[%dma_wait3A_94, %dma_wait3A_95, %dma_wait3A_96] : memref<8x8x129xf32, #tpu.memory_space<vmem>> -> memref<8x8x128xf32, #tpu.memory_space<vmem>>
    %dma_wait3A_98 = arith.constant 0 : i32
    %dma_wait3A_99 = arith.constant 0 : i32
    %dma_wait3A_100 = arith.constant 0 : i32
    %dma_wait3A_101 = tpu.memref_slice %arg4[%dma_wait3A_92, %dma_wait3A_98, %dma_wait3A_93, %dma_wait3A_99, %dma_wait3A_100] : memref<50x8x128x8x128xf32, #tpu.memory_space<hbm>> -> memref<1x8x1x8x128xf32, #tpu.memory_space<hbm>>
    %dma_wait3A_102 = tpu.memref_squeeze %dma_wait3A_101 : memref<1x8x1x8x128xf32, #tpu.memory_space<hbm>> -> memref<8x8x128xf32, #tpu.memory_space<hbm>>
    %dma_wait3A_103 = arith.constant 0 : i32
    %dma_wait3A_104 = arith.constant 0 : i32
    %dma_wait3A_105 = arith.constant 0 : i32
    %dma_wait3A_106 = tpu.memref_slice %arg4[%dma_wait3A_92, %dma_wait3A_103, %dma_wait3A_93, %dma_wait3A_104, %dma_wait3A_105] : memref<50x8x128x8x128xf32, #tpu.memory_space<hbm>> -> memref<1x8x1x8x128xf32, #tpu.memory_space<hbm>>
    %dma_wait3A_107 = tpu.memref_squeeze %dma_wait3A_106 : memref<1x8x1x8x128xf32, #tpu.memory_space<hbm>> -> memref<8x8x128xf32, #tpu.memory_space<hbm>>
    %dma_wait3A_108 = arith.constant 0 : i32
    %dma_wait3A_109 = arith.constant 0 : i32
    %dma_wait3A_110 = arith.constant 0 : i32
    %dma_wait3A_111 = tpu.memref_slice %arg10[%dma_wait3A_108, %dma_wait3A_109, %dma_wait3A_110] : memref<8x8x129xf32, #tpu.memory_space<vmem>> -> memref<8x8x128xf32, #tpu.memory_space<vmem>>
    tpu.wait_dma2 semaphore(%arg14 : memref<!tpu.dma_semaphore, #tpu.memory_space<semaphore_mem>>) src(%dma_wait3A_111 : memref<8x8x128xf32, #tpu.memory_space<vmem>>) dst(%dma_wait3A_107 : memref<8x8x128xf32, #tpu.memory_space<hbm>>)
    return
  }
}

</mosaic_0001>

<sc_bundles>
// kernel: kernel.3.cloned.1.call-start
scs
__scs_entry_jumppad:
0x0: {  	(pc) =	sbr.rel $0x88, $3  }
0x1: {  	(tag) =	ssettag $0x0;
	lr =	simm.s32 $0x1  }
0x2: {  	[smem:$0x3F9F] =	sst lr;
	_ =	strace $0xD0000000  }
0x3: {  	_ = 	snop  }
0x4: {  	_ = 	snop  }
0x5: {  	_ = 	snop  }
0x6: {  	_ = 	snop  }
0x7: {  	_ = 	snop  }
__scs_overlays_trampoline_lowered:
0x8: {  	[smem:$0x3FAE] =	sst s0  }
0x9: {  	[smem:$0x3FAF] =	sst s1  }
0xa: {  	[smem:$0x3FB0] =	sst s2  }
0xb: {  	[smem:$0x3FB1] =	sst s3  }
0xc: {  	[smem:$0x3FB2] =	sst s4  }
0xd: {  	[smem:$0x3FB3] =	sst s5  }
0xe: {  	[smem:$0x3FB4] =	sst s6  }
0xf: {  	[smem:$0x3FB5] =	sst s7  }
0x10: {  	[smem:$0x3FB6] =	sst s8  }
0x11: {  	[smem:$0x3FB7] =	sst s9;
	s0 =	simm.s32 @!p0 $0x0  }
0x12: {  	s1 =	sld [smem:$0x3F9D];
	s0 =	simm.s32 @p0 $0x1  }
0x13: {  	[smem:$0x3FB8] =	sst s0;
	s0 =	simm.s32 @!p1 $0x0  }
0x14: {  	s2 =	sld [smem:$0x3F9C];
	s0 =	simm.s32 @p1 $0x1  }
0x15: {  	[smem:$0x3FB9] =	sst s0;
	s0 =	simm.s32 @!p2 $0x0  }
0x16: {  	s3 =	sld [smem:$0x3FDB];
	s0 =	simm.s32 @p2 $0x1  }
0x17: {  	s4 =	simm.s32 $0x1BF5;
	[smem:$0x3FBB] =	sst s0  }
0x18: {  	s0 =	sld [smem:$0x3F9E];
	_ =	swait.ge [sflag:s4], $0x0  }
0x19: {  	s7 =	sld [smem:$0x3F9F]  }
0x1a: {  	s8 =	sadd.s32 $0xFFFFE003, lr  }
0x1b: {  	s9 =	sadd.s32 $0xFFFFFEF7, lr;
	s5 =	simm.s32 $0xFFFFFFFF;
	p2 =	slt.u32 s8, $0xFFFFF086  }
0x1c: {  	p1 =	slt.u32 s9, $0xF7A;
	s5 =	simm.s32 @!p2 $0x0  }
0x1d: {  	s5 =	simm.s32 @p1 $0x1;
	p0 =	seq.s32 s7, s2  }
0x1e: {  	s7 =	smul.u32 @!p0 $0xF7A, s2;
	p2 =	seq.s32 @!p0 s5, $0x0  }
0x1f: {  	s9 =	smul.u32 $0xF7A, s1;
	s8 =	simm.s32 @!p0 $0x1BF5;
	p2 =	por !p2, p0  }
0x20: {  	[sflag:s8] =	ssyncset.s32 @!p0 $0xFFFFF086;
	s6 =	sadd.s32 @!p0 s3, s7;
	s7 =	simm.s32 @!p0 $0x108  }
0x21: {  	s3 =	sadd.s32 s3, s9;
	s6 =	sadd.s32 @!p0 $0x88, s6;
	s7 =	simm.s32 @p2 $0x1082  }
0x22: {  	[simem:s7], [sflag:s8] =	dma.local @!p0 [hbm:s6], $0xF7A  }
0x23: {  	s9 =	sor.u32 $0xD0000000, s2;
	s6 =	simm.s32 $0x108;
	_ =	swait.ge @!p0 [sflag:s8], $0x0  }
0x24: {  	s3 =	sadd.s32 $0x88, s3;
	s6 =	simm.s32 @!p1 $0x1082;
	[sflag:s4] =	ssyncset.s32 $0xFFFFF086  }
0x25: {  	[simem:s6], [sflag:s4] =	dma.local [hbm:s3], $0xF7A  }
0x26: {  	[smem:$0x3F9F] =	sst s1;
	(tag) =	ssettag s2;
	_ =	strace s9  }
0x27: {  	s1 =	sld [smem:$0x3FAF]  }
0x28: {  	s2 =	sld [smem:$0x3FB0]  }
0x29: {  	s4 =	sld [smem:$0x3FB2]  }
0x2a: {  	p0 =	seq.s32 s5, $0x0;
	s5 =	sld [smem:$0x3FB3]  }
0x2b: {  	s6 =	sld [smem:$0x3FB4]  }
0x2c: {  	s7 =	sld [smem:$0x3FB5]  }
0x2d: {  	s3 =	simm.s32 $0x108;
	s8 =	sld [smem:$0x3FB6]  }
0x2e: {  	s3 =	simm.s32 @!p0 $0x1082;
	s9 =	sld [smem:$0x3FB7]  }
0x2f: {  	lr =	sadd.s32 s0, s3;
	s0 =	sld [smem:$0x3FAE]  }
0x30: {  	s3 =	sld [smem:$0x3FB1]  }
0x31: {  	[smem:$0x3FBA] =	sst s10  }
0x32: {  	s10 =	sld [smem:$0x3FB8];
	_ =	sdelay $0x3  }
0x33: {  	p0 =	seq.s32 s10, $0x1;
	s10 =	sld [smem:$0x3FBA];
	_ =	sdelay $0x3  }
0x34: {  	[smem:$0x3FBA] =	sst s10  }
0x35: {  	s10 =	sld [smem:$0x3FB9];
	_ =	sdelay $0x3  }
0x36: {  	p1 =	seq.s32 s10, $0x1;
	s10 =	sld [smem:$0x3FBA];
	_ =	sdelay $0x3  }
0x37: {  	[smem:$0x3FBA] =	sst s10  }
0x38: {  	s10 =	sld [smem:$0x3FBB]  }
0x39: {  	_ = 	snop;
	(pc) =	sbr.ind lr, $3  }
0x3a: {  	_ = 	snop  }
0x3b: {  	_ = 	snop  }
0x3c: {  	p2 =	seq.s32 s10, $0x1;
	s10 =	sld [smem:$0x3FBA]  }
0x3d: {  	_ =	shalt  }
0x3e: {  	_ =	shalt  }
0x3f: {  	_ =	shalt  }
0x40: {  	_ =	shalt  }
0x41: {  	_ =	shalt  }
0x42: {  	_ =	shalt  }
0x43: {  	_ =	shalt  }
0x44: {  	_ =	shalt  }
0x45: {  	_ =	shalt  }
0x46: {  	_ =	shalt  }
0x47: {  	_ =	shalt  }
0x48: {  	_ =	shalt  }
0x49: {  	_ =	shalt  }
0x4a: {  	_ =	shalt  }
0x4b: {  	_ =	shalt  }
0x4c: {  	_ =	shalt  }
0x4d: {  	_ =	shalt  }
0x4e: {  	_ =	shalt  }
0x4f: {  	_ =	shalt  }
0x50: {  	_ =	shalt  }
0x51: {  	_ =	shalt  }
0x52: {  	_ =	shalt  }
0x53: {  	_ =	shalt  }
0x54: {  	_ =	shalt  }
0x55: {  	_ =	shalt  }
0x56: {  	_ =	shalt  }
0x57: {  	_ =	shalt  }
0x58: {  	_ =	shalt  }
0x59: {  	_ =	shalt  }
0x5a: {  	_ =	shalt  }
0x5b: {  	_ =	shalt  }
0x5c: {  	_ =	shalt  }
0x5d: {  	_ =	shalt  }
0x5e: {  	_ =	shalt  }
0x5f: {  	_ =	shalt  }
0x60: {  	_ =	shalt  }
0x61: {  	_ =	shalt  }
0x62: {  	_ =	shalt  }
0x63: {  	_ =	shalt  }
0x64: {  	_ =	shalt  }
0x65: {  	_ =	shalt  }
0x66: {  	_ =	shalt  }
0x67: {  	_ =	shalt  }
0x68: {  	_ =	shalt  }
0x69: {  	_ =	shalt  }
0x6a: {  	_ =	shalt  }
0x6b: {  	_ =	shalt  }
0x6c: {  	_ =	shalt  }
0x6d: {  	_ =	shalt  }
0x6e: {  	_ =	shalt  }
0x6f: {  	_ =	shalt  }
0x70: {  	_ =	shalt  }
0x71: {  	_ =	shalt  }
0x72: {  	_ =	shalt  }
0x73: {  	_ =	shalt  }
0x74: {  	_ =	shalt  }
0x75: {  	_ =	shalt  }
0x76: {  	_ =	shalt  }
0x77: {  	_ =	shalt  }
0x78: {  	_ =	shalt  }
0x79: {  	_ =	shalt  }
0x7a: {  	_ =	shalt  }
0x7b: {  	_ =	shalt  }
0x7c: {  	_ =	shalt  }
0x7d: {  	_ =	shalt  }
0x7e: {  	_ =	shalt  }
0x7f: {  	_ =	shalt  }
0x80: {  	_ =	shalt  }
0x81: {  	_ =	shalt  }
0x82: {  	_ =	shalt  }
0x83: {  	_ =	shalt  }
0x84: {  	_ =	shalt  }
0x85: {  	_ =	shalt  }
0x86: {  	_ =	shalt  }
0x87: {  	_ =	shalt  }
.Lfunc_end0:
.L_simem_size_0:
called_computation_lowered:
.L_overlay_start_0:
0x88: {  	s2 =	sld [smem:$0x3FD9]  }
0x89: {  	s3 =	sld [smem:$0x3FFE];
	_ =	sdelay $0x1  }
0x8a: {  	s1 =	srdreg.scid  }
0x8b: {  	s0 =	sand.u32 $0x1, s1  }
0x8c: {  	s17 =	sshll.u32 s0, $0xA;
	s2 =	sadd.s32 s3, s2  }
0x8d: {  	s2 =	sadd.s32 s2, s17  }
0x8e: {  	[smem:$0x3FC6] =	sst s2  }
0x8f: {  	_ = 	snop  }
0x90: {  	s2 =	sld [smem:$0x3FD0];
	(tm) =	ssettm $0x1  }
0x91: {  	s18 =	sld [smem:$0x3FFB];
	_ =	sdelay $0x3  }
0x92: {  	_ =	strace s18  }
0x93: {  	s3 =	sld [smem:$0x3FFC];
	_ =	sdelay $0x3  }
0x94: {  	_ =	strace s3  }
0x95: {  	s3 =	sld [smem:$0x3FFD];
	_ =	sdelay $0x3  }
0x96: {  	_ =	strace s3  }
0x97: {  	_ =	strace $0x8FFFFFFF  }
0x98: {  	s19 =	sld [smem:$0x3FDB];
	_ =	sdelay $0x1  }
0x99: {  	s4 =	simm.s32 $_scs_section_size  }
0x9a: {  	s5 =	simm.s32 $_size__tile_overlayer_lowered;
	s6 =	simm.s32 $_tile_overlayer_lowered  }
0x9b: {  	s22 =	simm.s32 $0x1BFF;
	s21 =	sshll.u32 s6, $0x1;
	s3 =	sadd.s32 s4, s19  }
0x9c: {  	s7 =	simm.s32 $0x0;
	s20 =	sshll.u32 s5, $0x1;
	s5 =	sadd.s32 s21, s3  }
0x9d: {  	[timem:s7], [sflag:s22] =	dma.local [hbm:s5], s20  }
0x9e: {  	_ =	swait.ge [sflag:s22], s20  }
0x9f: {  	s4 =	ssub.s32 $0x0, s20;
	[sflag:s22] =	ssyncset.done $0x0  }
0xa0: {  	[sflag:s22] =	ssyncadd.s32 s4;
	_ =	sdelay $0x1  }
0xa1: {  	s23 =	simm.s32 $0x1B8B  }
0xa2: {  	_ =	swait.ge [sflag:s23], $0x1  }
0xa3: {  	[sflag:s23] =	ssyncset.done $0x0  }
0xa4: {  	s25 =	simm.s32 $0x1B8E;
	s24 =	sld [smem:$0x3FFE];
	[sflag:s23] =	ssyncadd.s32 $0xFFFFFFFF  }
0xa5: {  	s26 =	simm.s32 $execute0_lowered;
	[smem:$0x3FD2] =	sst s25  }
0xa6: {  	s5 =	sshll.u32 s26, $0x1;
	_ =	strace $0x80000046;
	[dreg:$0x1] =	wrdreg $0xFFFFFFFF  }
0xa7: {  	s28 =	simm.s32 $_size_execute0_lowered;
	s3 =	sadd.s32 s3, s5;
	[dreg:$0x0] =	wrdreg $0x0  }
0xa8: {  	s5 =	sshll.u32 s28, $0x1;
	[dreg:$0x2] =	wrdreg s3  }
0xa9: {  	[dreg:$0x3] =	wrdreg s5  }
0xaa: {  	[dreg:$0x4] =	wrdreg $0xC0  }
0xab: {  	_ =	task [dreg:s7], $0x5FFFF  }
0xac: {  	[dreg:$0x1] =	wrdreg $0xFFFFFFFF  }
0xad: {  	[dreg:$0x0] =	wrdreg $0x60  }
0xae: {  	[dreg:$0x2] =	wrdreg s24  }
0xaf: {  	[dreg:$0x3] =	wrdreg s2  }
0xb0: {  	[dreg:$0x4] =	wrdreg $0x9  }
0xb1: {  	_ =	task.clear_ibuf [dreg:s7], $0x5FFFF;
	_ =	strace $0x90000046  }
0xb2: {  	s29 =	simm.s32 $0x9;
	_ =	strace $0x80000048  }
0xb3: {  	_ =	swait.ge [sflag:s29], $0x1  }
0xb4: {  	[sflag:s29] =	ssyncadd.s32 $0xFFFFFFFF  }
0xb5: {  	_ =	strace $0x90000048  }
0xb6: {  	_ =	sfence  }
0xb7: {  	s30 =	sld [smem:$0x0];
	_ =	sdelay $0x2  }
0xb8: {  	s31 =	sshll.u32 s1, $0xD;
	s1 =	sshrl.u32 s1, $0x2  }
0xb9: {  	s3 =	sand.u32 $0x4000, s31;
	s1 =	sadd.s32 s1, s30  }
0xba: {  	s0 =	sor.u32 s3, s0;
	s1 =	sshll.u32 s1, $0x11  }
0xbb: {  	s0 =	sor.u32 s1, s0  }
0xbc: {  	s0 =	sadd.s32 $0x8F2B, s0  }
0xbd: {  	[sflag:s0] =	ssyncadd.remote.s32 $0x1  }
0xbe: {  	_ =	sfence.sel $0xFFFF  }
0xbf: {  	[dreg:$0x0] =	wrdreg $0xFFFFFFFF;
	(pc) =	sbr.abs _section_cstart, $3  }
0xc0: {  	[dreg:$0x1] =	wrdreg $0xFFFFFFFF  }
0xc1: {  	_ =	task.clear_ibuf [dreg:s7], $0x2FFFF;
	_ =	strace $0x9FFFFFFF  }
0xc2: {  	(tm) =	ssettm $0x7FFFFFFF  }
0xc3: {  	_ =	shalt  }
tec
execute0_lowered:
.L_overlay_start_1:
0x0: {  	(tag) =	ssettag $0x1  }
0x1: {  	v0 =	vlaneseq.u32  }
0x2: {  	v1 =	vmul.u32 $0x88, v0  }
0x3: {  	s1 =	srdreg.scid;
	v2 =	vimm.s32 $0x0;
	vm0 =	vcmask $0x300  }
0x4: {  	s0 =	stileid.u32;
	s4 =	rddreg [dreg:$0x0];
	v2 =	vsel vm0, $0x3, v2;
	v3 =	vadd.s32 $0x880, v1  }
0x5: {  	s2 =	rddreg [dreg:$0x1];
	s3 =	simm.s32 $0x0;
	s9 =	simm.s32 $0x6400;
	v4 =	vadd.s32 $0x1100, v1;
	v5 =	vadd.s32 $0x1980, v1;
	v6 =	vor.u32 $0x1, v1  }
0x6: {  	s10 =	simm.s32 $0x80;
	s11 =	simm.s32 $0xC990;
	s12 =	simm.s32 $0x6480;
	v7 =	vadd.s32 $0x881, v1;
	v8 =	vadd.s32 $0x1101, v1;
	v9 =	vadd.s32 $0x1981, v1  }
0x7: {  	s13 =	simm.s32 $0xE990;
	s14 =	simm.s32 $0x1;
	s15 =	simm.s32 $0x10990;
	v10 =	vor.u32 $0x2, v1;
	v11 =	vadd.s32 $0x882, v1;
	v12 =	vadd.s32 $0x1102, v1  }
0x8: {  	s16 =	simm.s32 $0x2;
	s17 =	simm.s32 $0x12B90;
	s18 =	simm.s32 $0x3;
	v13 =	vadd.s32 $0x1982, v1;
	v14 =	vor.u32 $0x3, v1;
	v15 =	vadd.s32 $0x883, v1  }
0x9: {  	s19 =	simm.s32 $0x4;
	s5 =	sand.u32 $0x1, s1;
	s31 =	sshll.u32 s0, $0x1;
	v16 =	vadd.s32 $0x1103, v1;
	v17 =	vadd.s32 $0x1983, v1;
	v18 =	vor.u32 $0x4, v1  }
0xa: {  	s20 =	simm.s32 $0x0;
	s1 =	rddreg [dreg:$0x2];
	s7 =	sor.u32 s5, s31;
	v19 =	vadd.s32 $0x884, v1;
	v20 =	vadd.s32 $0x1104, v1;
	v21 =	vadd.s32 $0x1984, v1  }
0xb: {  	[smem:$0x7FF] =	sst s3;
	s5 =	ssub.s32 $0x2, s5;
	s6 =	smul.u32 $0xC80, s7;
	v22 =	vor.u32 $0x5, v1;
	v23 =	vadd.s32 $0x885, v1;
	v24 =	vadd.s32 $0x1105, v1  }
0xc: {  	_ =	strace $0x80000047;
	s8 =	sshrl.u32 s5, $0x1;
	s7 =	sshll.u32 s7, $0x9;
	v25 =	vadd.s32 $0x1985, v1;
	v26 =	vor.u32 $0x6, v1;
	v27 =	vadd.s32 $0x886, v1  }
0xd: {  	v28 =	vadd.s32 $0x1106, v1;
	v29 =	vadd.s32 $0x1986, v1;
	v30 =	vor.u32 $0x7, v1;
	s8 =	ssub.s32 s5, s8;
	s6 =	sadd.s32 s6, s4;
	s4 =	sadd.s32 $0xF42A00, s4  }
0xe: {  	v31 =	vadd.s32 $0x887, v1;
	v32 =	vadd.s32 $0x1107, v1;
	v33 =	vadd.s32 $0x1987, v1;
	s5 =	sadd.s32 $0x600, s6;
	s6 =	smax.u32 s8, $0x1;
	s8 =	simm.s32 $0x5  }
.LBB2_1:
0xf: {  	v34 =	vor.u32 s3, v0  }
0x10: {  	v35 =	vmulhi.u32 $0x51EB851F, v34;
	_ =	sdelay $0x1  }
0x11: {  	v35 =	vshrl.u32 v35, $0x4  }
0x12: {  	v36 =	vmul.u32 $0xFFFFFFCE, v35  }
0x13: {  	s21 =	simm.s32 $0x10  }
0x14: {  	[tilespmem:s3], [sflag:$0x5] =	stream.linear.gather [hbm4b:s5+s3], $0x6400, $0x38;
	v50 =	vor.u32 s21, v0;
	v34 =	vadd.s32 v34, v36;
	[tilespmem:$0x14D90] =	vst v63  }
0x15: {  	_ =	swait.ge [sflag:s8], $0x6400;
	v37 =	vmulhi.u32 $0x51EB851F, v50;
	v34 =	vmul.u32 $0x208, v34  }
0x16: {  	[sflag:s8] =	ssyncset.done $0x0;
	v38 =	vand.u32 $0x3F8, v35  }
0x17: {  	s21 =	simm.s32 $0x40;
	[sflag:s8] =	ssyncadd.s32 $0xFFFF9C00;
	v35 =	vand.u32 $0x7, v35;
	v37 =	vshrl.u32 v37, $0x4;
	v34 =	vadd.s32 v38, v34  }
0x18: {  	v51 =	vld [tilespmem:s21+$0xFFFFFFC0];
	v52 =	vmul.u32 $0xFFFFFFCE, v37;
	v34 =	vor.u32 v35, v34  }
0x19: {  	s22 =	simm.s32 $0x20  }
0x1a: {  	v53 =	vor.u32 s22, v0;
	v35 =	vadd.s32 v50, v52  }
0x1b: {  	v39 =	vmulhi.u32 $0x51EB851F, v53;
	v35 =	vmul.u32 $0x208, v35  }
0x1c: {  	v40 =	vand.u32 $0x3FFFFF8, v37  }
0x1d: {  	v55 =	vshrl.u32 v39, $0x4;
	v54 =	vand.u32 $0x7, v37;
	v35 =	vadd.s32 v40, v35;
	[tilespmem:v34+s9+$0x0] =	vst.idx.msk $0xffff, v51  }
0x1e: {  	v56 =	vmul.u32 $0xFFFFFFCE, v55;
	v34 =	vor.u32 v54, v35;
	v38 =	vld [tilespmem:s21+$0xFFFFFFD0]  }
0x1f: {  	s26 =	simm.s32 $0x30  }
0x20: {  	v57 =	vor.u32 s26, v0;
	v35 =	vadd.s32 v53, v56  }
0x21: {  	v58 =	vmulhi.u32 $0x51EB851F, v57;
	v35 =	vmul.u32 $0x208, v35  }
0x22: {  	v59 =	vand.u32 $0x3FFFFF8, v55  }
0x23: {  	v61 =	vshrl.u32 v58, $0x4;
	v60 =	vand.u32 $0x7, v55;
	v35 =	vadd.s32 v59, v35;
	[tilespmem:v34+s9+$0x0] =	vst.idx.msk $0xffff, v38  }
0x24: {  	v62 =	vmul.u32 $0xFFFFFFCE, v61;
	v34 =	vor.u32 v60, v35;
	v38 =	vld [tilespmem:s21+$0xFFFFFFE0]  }
0x25: {  	s28 =	simm.s32 $0x40  }
0x26: {  	v63 =	vor.u32 s28, v0;
	v35 =	vadd.s32 v57, v62  }
0x27: {  	v44 =	vmulhi.u32 $0x51EB851F, v63;
	v35 =	vmul.u32 $0x208, v35  }
0x28: {  	v45 =	vand.u32 $0x3FFFFF8, v61  }
0x29: {  	v47 =	vshrl.u32 v44, $0x4;
	v46 =	vand.u32 $0x7, v61;
	v35 =	vadd.s32 v45, v35;
	[tilespmem:v34+s9+$0x0] =	vst.idx.msk $0xffff, v38  }
0x2a: {  	v48 =	vmul.u32 $0xFFFFFFCE, v47;
	v34 =	vor.u32 v46, v35;
	v38 =	vld [tilespmem:s21+$0xFFFFFFF0]  }
0x2b: {  	s29 =	simm.s32 $0x50  }
0x2c: {  	v49 =	vor.u32 s29, v0;
	v35 =	vadd.s32 v63, v48  }
0x2d: {  	v50 =	vmulhi.u32 $0x51EB851F, v49;
	v35 =	vmul.u32 $0x208, v35  }
0x2e: {  	v51 =	vand.u32 $0x3FFFFF8, v47  }
0x2f: {  	v52 =	vand.u32 $0x7, v47;
	v53 =	vshrl.u32 v50, $0x4;
	v35 =	vadd.s32 v51, v35;
	[tilespmem:v34+s9+$0x0] =	vst.idx.msk $0xffff, v38  }
0x30: {  	v54 =	vmul.u32 $0xFFFFFFCE, v53;
	v34 =	vor.u32 v52, v35;
	v38 =	vld [tilespmem:s21+$0x0]  }
0x31: {  	s30 =	simm.s32 $0x60  }
0x32: {  	v55 =	vor.u32 s30, v0;
	v35 =	vadd.s32 v49, v54  }
0x33: {  	v56 =	vmulhi.u32 $0x51EB851F, v55;
	v35 =	vmul.u32 $0x208, v35  }
0x34: {  	v57 =	vand.u32 $0x3FFFFF8, v53  }
0x35: {  	v58 =	vand.u32 $0x7, v53;
	v59 =	vshrl.u32 v56, $0x4;
	v35 =	vadd.s32 v57, v35;
	[tilespmem:v34+s9+$0x0] =	vst.idx.msk $0xffff, v38  }
0x36: {  	v60 =	vmul.u32 $0xFFFFFFCE, v59;
	v35 =	vor.u32 v58, v35;
	v38 =	vld [tilespmem:s21+$0x10]  }
0x37: {  	s31 =	simm.s32 $0x70  }
0x38: {  	v36 =	vadd.s32 v55, v60;
	v34 =	vor.u32 s31, v0  }
0x39: {  	v36 =	vmul.u32 $0x208, v36;
	v61 =	vmulhi.u32 $0x51EB851F, v34  }
0x3a: {  	v62 =	vand.u32 $0x3FFFFF8, v59  }
0x3b: {  	v37 =	vand.u32 $0x7, v59;
	v63 =	vadd.s32 v62, v36;
	[tilespmem:v35+s9+$0x0] =	vst.idx.msk $0xffff, v38;
	v35 =	vshrl.u32 v61, $0x4  }
0x3c: {  	v37 =	vor.u32 v37, v63;
	v36 =	vld [tilespmem:s21+$0x20];
	v38 =	vmul.u32 $0xFFFFFFCE, v35  }
0x3d: {  	s23 =	simm.s32 $0x80;
	s22 =	simm.s32 $0x0  }
.LBB2_2:
0x3e: {  	v39 =	vor.u32 s23, v0;
	s22 =	sadd.s32 $0x8, s22;
	v34 =	vadd.s32 v34, v38  }
0x3f: {  	v38 =	vmulhi.u32 $0x51EB851F, v39;
	p0 =	slt.u32 s22, $0x638;
	v34 =	vmul.u32 $0x208, v34  }
0x40: {  	v40 =	vand.u32 $0x3FFFFF8, v35  }
0x41: {  	v35 =	vand.u32 $0x7, v35;
	v38 =	vshrl.u32 v38, $0x4;
	[tilespmem:v37+s9+$0x0] =	vst.idx.msk $0xffff, v36;
	v34 =	vadd.s32 v40, v34  }
0x42: {  	v36 =	vmul.u32 $0xFFFFFFCE, v38;
	v37 =	vld [tilespmem:s21+$0x30];
	v34 =	vor.u32 v35, v34  }
0x43: {  	s24 =	sadd.s32 $0x10, s23  }
0x44: {  	v35 =	vadd.s32 v39, v36;
	v36 =	vor.u32 s24, v0  }
0x45: {  	v35 =	vmul.u32 $0x208, v35;
	v39 =	vmulhi.u32 $0x51EB851F, v36  }
0x46: {  	v40 =	vand.u32 $0x3F8, v38  }
0x47: {  	v38 =	vand.u32 $0x7, v38;
	s21 =	sadd.s32 $0x80, s21;
	v35 =	vadd.s32 v40, v35;
	v39 =	vshrl.u32 v39, $0x4;
	[tilespmem:v34+s9+$0x0] =	vst.idx.msk $0xffff, v37  }
0x48: {  	v34 =	vld [tilespmem:s21+$0xFFFFFFC0];
	v35 =	vor.u32 v38, v35;
	v37 =	vmul.u32 $0xFFFFFFCE, v39  }
0x49: {  	s24 =	sadd.s32 $0x20, s23  }
0x4a: {  	v36 =	vadd.s32 v36, v37;
	v37 =	vor.u32 s24, v0  }
0x4b: {  	v36 =	vmul.u32 $0x208, v36;
	v38 =	vmulhi.u32 $0x51EB851F, v37  }
0x4c: {  	v40 =	vand.u32 $0x3FFFFF8, v39  }
0x4d: {  	[tilespmem:v35+s9+$0x0] =	vst.idx.msk $0xffff, v34;
	v34 =	vand.u32 $0x7, v39;
	v35 =	vadd.s32 v40, v36;
	v36 =	vshrl.u32 v38, $0x4  }
0x4e: {  	v38 =	vld [tilespmem:s21+$0xFFFFFFD0];
	v34 =	vor.u32 v34, v35;
	v35 =	vmul.u32 $0xFFFFFFCE, v36  }
0x4f: {  	s24 =	sadd.s32 $0x30, s23  }
0x50: {  	v35 =	vadd.s32 v37, v35;
	v37 =	vor.u32 s24, v0  }
0x51: {  	v35 =	vmul.u32 $0x208, v35;
	v39 =	vmulhi.u32 $0x51EB851F, v37  }
0x52: {  	v40 =	vand.u32 $0x3FFFFF8, v36  }
0x53: {  	[tilespmem:v34+s9+$0x0] =	vst.idx.msk $0xffff, v38;
	v34 =	vand.u32 $0x7, v36;
	v35 =	vadd.s32 v40, v35;
	v36 =	vshrl.u32 v39, $0x4  }
0x54: {  	v38 =	vld [tilespmem:s21+$0xFFFFFFE0];
	v34 =	vor.u32 v34, v35;
	v35 =	vmul.u32 $0xFFFFFFCE, v36  }
0x55: {  	s24 =	sadd.s32 $0x40, s23  }
0x56: {  	v35 =	vadd.s32 v37, v35;
	v37 =	vor.u32 s24, v0  }
0x57: {  	v35 =	vmul.u32 $0x208, v35;
	v39 =	vmulhi.u32 $0x51EB851F, v37  }
0x58: {  	v40 =	vand.u32 $0x3FFFFF8, v36  }
0x59: {  	[tilespmem:v34+s9+$0x0] =	vst.idx.msk $0xffff, v38;
	v34 =	vand.u32 $0x7, v36;
	v35 =	vadd.s32 v40, v35;
	v36 =	vshrl.u32 v39, $0x4  }
0x5a: {  	v38 =	vld [tilespmem:s21+$0xFFFFFFF0];
	v34 =	vor.u32 v34, v35;
	v35 =	vmul.u32 $0xFFFFFFCE, v36  }
0x5b: {  	s24 =	sadd.s32 $0x50, s23  }
0x5c: {  	v35 =	vadd.s32 v37, v35;
	v37 =	vor.u32 s24, v0  }
0x5d: {  	v35 =	vmul.u32 $0x208, v35;
	v39 =	vmulhi.u32 $0x51EB851F, v37  }
0x5e: {  	v40 =	vand.u32 $0x3FFFFF8, v36  }
0x5f: {  	[tilespmem:v34+s9+$0x0] =	vst.idx.msk $0xffff, v38;
	v34 =	vand.u32 $0x7, v36;
	v35 =	vadd.s32 v40, v35;
	v36 =	vshrl.u32 v39, $0x4  }
0x60: {  	v38 =	vld [tilespmem:s21+$0x0];
	v34 =	vor.u32 v34, v35;
	v35 =	vmul.u32 $0xFFFFFFCE, v36  }
0x61: {  	s24 =	sadd.s32 $0x60, s23  }
0x62: {  	v35 =	vadd.s32 v37, v35;
	v37 =	vor.u32 s24, v0  }
0x63: {  	v35 =	vmul.u32 $0x208, v35;
	v39 =	vmulhi.u32 $0x51EB851F, v37  }
0x64: {  	v40 =	vand.u32 $0x3FFFFF8, v36  }
0x65: {  	[tilespmem:v34+s9+$0x0] =	vst.idx.msk $0xffff, v38;
	v34 =	vand.u32 $0x7, v36;
	v35 =	vadd.s32 v40, v35;
	v36 =	vshrl.u32 v39, $0x4  }
0x66: {  	v38 =	vld [tilespmem:s21+$0x10];
	v35 =	vor.u32 v34, v35;
	v34 =	vmul.u32 $0xFFFFFFCE, v36  }
0x67: {  	s24 =	sadd.s32 $0x70, s23  }
0x68: {  	v37 =	vadd.s32 v37, v34;
	v34 =	vor.u32 s24, v0  }
.Ltmp0:
0x69: {  	v37 =	vmul.u32 $0x208, v37;
	v39 =	vmulhi.u32 $0x51EB851F, v34;
	(pc) =	sbr.rel @p0 .LBB2_2-.Ltmp0, $4  }
0x6a: {  	v40 =	vand.u32 $0x3FFFFF8, v36  }
0x6b: {  	[tilespmem:v35+s9+$0x0] =	vst.idx.msk $0xffff, v38;
	v38 =	vand.u32 $0x7, v36;
	v37 =	vadd.s32 v40, v37;
	v35 =	vshrl.u32 v39, $0x4  }
0x6c: {  	v36 =	vld [tilespmem:s21+$0x20];
	v37 =	vor.u32 v38, v37;
	v38 =	vmul.u32 $0xFFFFFFCE, v35  }
0x6d: {  	s23 =	sadd.s32 $0x80, s23  }
0x6e: {  	_ = 	snop  }
0x6f: {  	v34 =	vadd.s32 v34, v38  }
0x70: {  	v34 =	vmul.u32 $0x208, v34  }
0x71: {  	v62 =	vand.u32 $0x3FFFFF8, v35  }
0x72: {  	v63 =	vand.u32 $0x7, v35;
	[tilespmem:v37+s9+$0x0] =	vst.idx.msk $0xffff, v36;
	v34 =	vadd.s32 v62, v34  }
0x73: {  	v36 =	vld [tilespmem:s21+$0x30];
	v34 =	vor.u32 v63, v34;
	_ =	sdelay $0x4  }
0x74: {  	[tilespmem:v34+s9+$0x0] =	vst.idx.msk $0xffff, v36  }
0x75: {  	[tilespmem:s11], [sflag:$0x1] =	stream.indirect.gather [hbm4b:s4+s10], $0x40, s9, s10, $0xb8;
	[tilespmem:$0x14D90] =	vst v63  }
0x76: {  	s21 =	simm.s32 $0x0  }
0x77: {  	[tilespmem:s13], [sflag:$0x2] =	stream.indirect.gather [hbm4b:s4+s10], $0x40, s12, s10, $0xb8;
	[tilespmem:$0x14D90] =	vst v63  }
.LBB2_4:
0x78: {  	_ =	swait.ge [sflag:s14], $0x2000  }
0x79: {  	p1 =	seq.s32 s21, $0x0;
	[sflag:s14] =	ssyncset.done $0x0  }
0x7a: {  	s23 =	simm.s32 @!p1 $0x3;
	[sflag:s14] =	ssyncadd.s32 $0xFFFFE000  }
0x7b: {  	_ =	swait.ge @!p1 [sflag:s23], $0x2000  }
0x7c: {  	s22 =	sshll.u32 s21, $0x1;
	[sflag:s23] =	ssyncset.done @!p1 $0x0  }
0x7d: {  	s24 =	simm.s32 $0x0;
	[sflag:s23] =	ssyncadd.s32 @!p1 $0xFFFFE000;
	s23 =	simm.s32 $0xCB90  }
.LBB2_5:
0x7e: {  	v34 =	vmov s24  }
0x7f: {  	v34 =	vshrl.u32 v34, $0x3  }
0x80: {  	v34 =	vshll.u32 v34, v2  }
0x81: {  	v35 =	vld [tilespmem:s23+$0xFFFFFE00];
	v34 =	vbroadcast v34, $0x0;
	_ =	sdelay $0x1  }
0x82: {  	v36 =	vadd.s32 v1, v34;
	_ =	sdelay $0x2  }
0x83: {  	v35 =	vmul.f32 $8.000000000e+00, v35;
	_ =	sdelay $0x1  }
0x84: {  	[tilespmem:v36+s15+$0x0] =	vst.idx.msk $0xffff, v35  }
0x85: {  	v35 =	vld [tilespmem:s23+$0xFFFFFE10];
	_ =	sdelay $0x1  }
0x86: {  	v61 =	vadd.s32 v3, v34;
	_ =	sdelay $0x2  }
0x87: {  	v35 =	vmul.f32 $8.000000000e+00, v35;
	_ =	sdelay $0x1  }
0x88: {  	[tilespmem:v61+s15+$0x0] =	vst.idx.msk $0xffff, v35  }
0x89: {  	v35 =	vld [tilespmem:s23+$0xFFFFFE20];
	_ =	sdelay $0x1  }
0x8a: {  	v62 =	vadd.s32 v4, v34;
	_ =	sdelay $0x2  }
0x8b: {  	v35 =	vmul.f32 $8.000000000e+00, v35;
	_ =	sdelay $0x1  }
0x8c: {  	[tilespmem:v62+s15+$0x0] =	vst.idx.msk $0xffff, v35  }
0x8d: {  	v35 =	vld [tilespmem:s23+$0xFFFFFE30];
	_ =	sdelay $0x1  }
0x8e: {  	v34 =	vadd.s32 v5, v34;
	_ =	sdelay $0x1  }
0x8f: {  	s25 =	sadd.s32 $0x1, s24  }
0x90: {  	v63 =	vmov s25;
	v35 =	vmul.f32 $8.000000000e+00, v35  }
0x91: {  	v36 =	vshrl.u32 v63, $0x3  }
0x92: {  	v39 =	vshll.u32 v36, v2;
	[tilespmem:v34+s15+$0x0] =	vst.idx.msk $0xffff, v35  }
0x93: {  	v34 =	vbroadcast v39, $0x0;
	v35 =	vld [tilespmem:s23+$0xFFFFFE40];
	_ =	sdelay $0x1  }
0x94: {  	v40 =	vadd.s32 v6, v34;
	_ =	sdelay $0x2  }
0x95: {  	v35 =	vmul.f32 $8.000000000e+00, v35;
	_ =	sdelay $0x1  }
0x96: {  	[tilespmem:v40+s15+$0x0] =	vst.idx.msk $0xffff, v35  }
0x97: {  	v35 =	vld [tilespmem:s23+$0xFFFFFE50];
	_ =	sdelay $0x1  }
0x98: {  	v41 =	vadd.s32 v7, v34;
	_ =	sdelay $0x2  }
0x99: {  	v35 =	vmul.f32 $8.000000000e+00, v35;
	_ =	sdelay $0x1  }
0x9a: {  	[tilespmem:v41+s15+$0x0] =	vst.idx.msk $0xffff, v35  }
0x9b: {  	v35 =	vld [tilespmem:s23+$0xFFFFFE60];
	_ =	sdelay $0x1  }
0x9c: {  	v42 =	vadd.s32 v8, v34;
	_ =	sdelay $0x2  }
0x9d: {  	v35 =	vmul.f32 $8.000000000e+00, v35;
	_ =	sdelay $0x1  }
0x9e: {  	[tilespmem:v42+s15+$0x0] =	vst.idx.msk $0xffff, v35  }
0x9f: {  	v35 =	vld [tilespmem:s23+$0xFFFFFE70];
	_ =	sdelay $0x1  }
0xa0: {  	v34 =	vadd.s32 v9, v34;
	_ =	sdelay $0x1  }
0xa1: {  	s28 =	sadd.s32 $0x2, s24  }
0xa2: {  	v43 =	vmov s28;
	v35 =	vmul.f32 $8.000000000e+00, v35  }
0xa3: {  	v36 =	vshrl.u32 v43, $0x3  }
0xa4: {  	v44 =	vshll.u32 v36, v2;
	[tilespmem:v34+s15+$0x0] =	vst.idx.msk $0xffff, v35  }
0xa5: {  	v34 =	vbroadcast v44, $0x0;
	v35 =	vld [tilespmem:s23+$0xFFFFFE80];
	_ =	sdelay $0x1  }
0xa6: {  	v45 =	vadd.s32 v10, v34;
	_ =	sdelay $0x2  }
0xa7: {  	v35 =	vmul.f32 $8.000000000e+00, v35;
	_ =	sdelay $0x1  }
0xa8: {  	[tilespmem:v45+s15+$0x0] =	vst.idx.msk $0xffff, v35  }
0xa9: {  	v35 =	vld [tilespmem:s23+$0xFFFFFE90];
	_ =	sdelay $0x1  }
0xaa: {  	v46 =	vadd.s32 v11, v34;
	_ =	sdelay $0x2  }
0xab: {  	v35 =	vmul.f32 $8.000000000e+00, v35;
	_ =	sdelay $0x1  }
0xac: {  	[tilespmem:v46+s15+$0x0] =	vst.idx.msk $0xffff, v35  }
0xad: {  	v35 =	vld [tilespmem:s23+$0xFFFFFEA0];
	_ =	sdelay $0x1  }
0xae: {  	v47 =	vadd.s32 v12, v34;
	_ =	sdelay $0x2  }
0xaf: {  	v35 =	vmul.f32 $8.000000000e+00, v35;
	_ =	sdelay $0x1  }
0xb0: {  	[tilespmem:v47+s15+$0x0] =	vst.idx.msk $0xffff, v35  }
0xb1: {  	v35 =	vld [tilespmem:s23+$0xFFFFFEB0];
	_ =	sdelay $0x1  }
0xb2: {  	v34 =	vadd.s32 v13, v34;
	_ =	sdelay $0x1  }
0xb3: {  	s29 =	sadd.s32 $0x3, s24  }
0xb4: {  	v48 =	vmov s29;
	v35 =	vmul.f32 $8.000000000e+00, v35  }
0xb5: {  	v36 =	vshrl.u32 v48, $0x3  }
0xb6: {  	v49 =	vshll.u32 v36, v2;
	[tilespmem:v34+s15+$0x0] =	vst.idx.msk $0xffff, v35  }
0xb7: {  	v34 =	vbroadcast v49, $0x0;
	v35 =	vld [tilespmem:s23+$0xFFFFFEC0];
	_ =	sdelay $0x1  }
0xb8: {  	v50 =	vadd.s32 v14, v34;
	_ =	sdelay $0x2  }
0xb9: {  	v35 =	vmul.f32 $8.000000000e+00, v35;
	_ =	sdelay $0x1  }
0xba: {  	[tilespmem:v50+s15+$0x0] =	vst.idx.msk $0xffff, v35  }
0xbb: {  	v35 =	vld [tilespmem:s23+$0xFFFFFED0];
	_ =	sdelay $0x1  }
0xbc: {  	v51 =	vadd.s32 v15, v34;
	_ =	sdelay $0x2  }
0xbd: {  	v35 =	vmul.f32 $8.000000000e+00, v35;
	_ =	sdelay $0x1  }
0xbe: {  	[tilespmem:v51+s15+$0x0] =	vst.idx.msk $0xffff, v35  }
0xbf: {  	v35 =	vld [tilespmem:s23+$0xFFFFFEE0];
	_ =	sdelay $0x1  }
0xc0: {  	v52 =	vadd.s32 v16, v34;
	_ =	sdelay $0x2  }
0xc1: {  	v35 =	vmul.f32 $8.000000000e+00, v35;
	_ =	sdelay $0x1  }
0xc2: {  	[tilespmem:v52+s15+$0x0] =	vst.idx.msk $0xffff, v35  }
0xc3: {  	v35 =	vld [tilespmem:s23+$0xFFFFFEF0];
	_ =	sdelay $0x1  }
0xc4: {  	v34 =	vadd.s32 v17, v34;
	_ =	sdelay $0x1  }
0xc5: {  	s30 =	sadd.s32 $0x4, s24  }
0xc6: {  	v53 =	vmov s30;
	v35 =	vmul.f32 $8.000000000e+00, v35  }
0xc7: {  	v36 =	vshrl.u32 v53, $0x3  }
0xc8: {  	v54 =	vshll.u32 v36, v2;
	[tilespmem:v34+s15+$0x0] =	vst.idx.msk $0xffff, v35  }
0xc9: {  	v34 =	vbroadcast v54, $0x0;
	v35 =	vld [tilespmem:s23+$0xFFFFFF00];
	_ =	sdelay $0x1  }
0xca: {  	v55 =	vadd.s32 v18, v34;
	_ =	sdelay $0x2  }
0xcb: {  	v35 =	vmul.f32 $8.000000000e+00, v35;
	_ =	sdelay $0x1  }
0xcc: {  	[tilespmem:v55+s15+$0x0] =	vst.idx.msk $0xffff, v35  }
0xcd: {  	v35 =	vld [tilespmem:s23+$0xFFFFFF10];
	_ =	sdelay $0x1  }
0xce: {  	v56 =	vadd.s32 v19, v34;
	_ =	sdelay $0x2  }
0xcf: {  	v35 =	vmul.f32 $8.000000000e+00, v35;
	_ =	sdelay $0x1  }
0xd0: {  	[tilespmem:v56+s15+$0x0] =	vst.idx.msk $0xffff, v35  }
0xd1: {  	v35 =	vld [tilespmem:s23+$0xFFFFFF20];
	_ =	sdelay $0x1  }
0xd2: {  	v57 =	vadd.s32 v20, v34;
	_ =	sdelay $0x2  }
0xd3: {  	v35 =	vmul.f32 $8.000000000e+00, v35;
	_ =	sdelay $0x1  }
0xd4: {  	[tilespmem:v57+s15+$0x0] =	vst.idx.msk $0xffff, v35  }
0xd5: {  	v35 =	vld [tilespmem:s23+$0xFFFFFF30];
	_ =	sdelay $0x1  }
0xd6: {  	v34 =	vadd.s32 v21, v34;
	_ =	sdelay $0x1  }
0xd7: {  	s31 =	sadd.s32 $0x5, s24  }
0xd8: {  	v58 =	vmov s31;
	v35 =	vmul.f32 $8.000000000e+00, v35  }
0xd9: {  	v36 =	vshrl.u32 v58, $0x3  }
0xda: {  	v59 =	vshll.u32 v36, v2;
	[tilespmem:v34+s15+$0x0] =	vst.idx.msk $0xffff, v35  }
0xdb: {  	v34 =	vbroadcast v59, $0x0;
	v35 =	vld [tilespmem:s23+$0xFFFFFF40];
	_ =	sdelay $0x1  }
0xdc: {  	v60 =	vadd.s32 v22, v34;
	_ =	sdelay $0x2  }
0xdd: {  	v35 =	vmul.f32 $8.000000000e+00, v35;
	_ =	sdelay $0x1  }
0xde: {  	[tilespmem:v60+s15+$0x0] =	vst.idx.msk $0xffff, v35  }
0xdf: {  	v35 =	vld [tilespmem:s23+$0xFFFFFF50];
	_ =	sdelay $0x1  }
0xe0: {  	v61 =	vadd.s32 v23, v34;
	_ =	sdelay $0x2  }
0xe1: {  	v35 =	vmul.f32 $8.000000000e+00, v35;
	_ =	sdelay $0x1  }
0xe2: {  	[tilespmem:v61+s15+$0x0] =	vst.idx.msk $0xffff, v35  }
0xe3: {  	v35 =	vld [tilespmem:s23+$0xFFFFFF60];
	_ =	sdelay $0x1  }
0xe4: {  	v62 =	vadd.s32 v24, v34;
	_ =	sdelay $0x2  }
0xe5: {  	v35 =	vmul.f32 $8.000000000e+00, v35;
	_ =	sdelay $0x1  }
0xe6: {  	[tilespmem:v62+s15+$0x0] =	vst.idx.msk $0xffff, v35  }
0xe7: {  	v35 =	vld [tilespmem:s23+$0xFFFFFF70];
	_ =	sdelay $0x1  }
0xe8: {  	v34 =	vadd.s32 v25, v34;
	_ =	sdelay $0x1  }
0xe9: {  	s26 =	sadd.s32 $0x6, s24  }
0xea: {  	v63 =	vmov s26;
	v35 =	vmul.f32 $8.000000000e+00, v35  }
0xeb: {  	v36 =	vshrl.u32 v63, $0x3  }
0xec: {  	v39 =	vshll.u32 v36, v2;
	[tilespmem:v34+s15+$0x0] =	vst.idx.msk $0xffff, v35  }
0xed: {  	v34 =	vbroadcast v39, $0x0;
	v35 =	vld [tilespmem:s23+$0xFFFFFF80];
	_ =	sdelay $0x1  }
0xee: {  	v40 =	vadd.s32 v26, v34;
	_ =	sdelay $0x2  }
0xef: {  	v35 =	vmul.f32 $8.000000000e+00, v35;
	_ =	sdelay $0x1  }
0xf0: {  	[tilespmem:v40+s15+$0x0] =	vst.idx.msk $0xffff, v35  }
0xf1: {  	v35 =	vld [tilespmem:s23+$0xFFFFFF90];
	_ =	sdelay $0x1  }
0xf2: {  	v41 =	vadd.s32 v27, v34;
	_ =	sdelay $0x2  }
0xf3: {  	v35 =	vmul.f32 $8.000000000e+00, v35;
	_ =	sdelay $0x1  }
0xf4: {  	[tilespmem:v41+s15+$0x0] =	vst.idx.msk $0xffff, v35  }
0xf5: {  	v35 =	vld [tilespmem:s23+$0xFFFFFFA0];
	_ =	sdelay $0x1  }
0xf6: {  	v42 =	vadd.s32 v28, v34;
	_ =	sdelay $0x2  }
0xf7: {  	v35 =	vmul.f32 $8.000000000e+00, v35;
	_ =	sdelay $0x1  }
0xf8: {  	[tilespmem:v42+s15+$0x0] =	vst.idx.msk $0xffff, v35  }
0xf9: {  	v35 =	vld [tilespmem:s23+$0xFFFFFFB0];
	_ =	sdelay $0x1  }
0xfa: {  	v34 =	vadd.s32 v29, v34;
	_ =	sdelay $0x1  }
0xfb: {  	s28 =	sadd.s32 $0x7, s24  }
0xfc: {  	v43 =	vmov s28;
	v35 =	vmul.f32 $8.000000000e+00, v35  }
0xfd: {  	v36 =	vshrl.u32 v43, $0x3  }
0xfe: {  	v44 =	vshll.u32 v36, v2;
	[tilespmem:v34+s15+$0x0] =	vst.idx.msk $0xffff, v35  }
0xff: {  	v34 =	vbroadcast v44, $0x0;
	v35 =	vld [tilespmem:s23+$0xFFFFFFC0];
	_ =	sdelay $0x1  }
0x100: {  	v45 =	vadd.s32 v30, v34;
	_ =	sdelay $0x2  }
0x101: {  	v35 =	vmul.f32 $8.000000000e+00, v35;
	_ =	sdelay $0x1  }
0x102: {  	[tilespmem:v45+s15+$0x0] =	vst.idx.msk $0xffff, v35  }
0x103: {  	v35 =	vld [tilespmem:s23+$0xFFFFFFD0];
	_ =	sdelay $0x1  }
0x104: {  	v46 =	vadd.s32 v31, v34;
	_ =	sdelay $0x2  }
0x105: {  	v35 =	vmul.f32 $8.000000000e+00, v35;
	_ =	sdelay $0x1  }
0x106: {  	[tilespmem:v46+s15+$0x0] =	vst.idx.msk $0xffff, v35  }
0x107: {  	v35 =	vld [tilespmem:s23+$0xFFFFFFE0];
	_ =	sdelay $0x1  }
0x108: {  	v47 =	vadd.s32 v32, v34;
	_ =	sdelay $0x2  }
0x109: {  	v35 =	vmul.f32 $8.000000000e+00, v35;
	_ =	sdelay $0x1  }
0x10a: {  	[tilespmem:v47+s15+$0x0] =	vst.idx.msk $0xffff, v35  }
0x10b: {  	v35 =	vld [tilespmem:s23+$0xFFFFFFF0];
	_ =	sdelay $0x1  }
0x10c: {  	v34 =	vadd.s32 v33, v34;
	_ =	sdelay $0x1  }
0x10d: {  	s29 =	sadd.s32 $0x8, s24  }
0x10e: {  	v48 =	vmov s29;
	v35 =	vmul.f32 $8.000000000e+00, v35  }
0x10f: {  	v36 =	vshrl.u32 v48, $0x3  }
0x110: {  	v49 =	vshll.u32 v36, v2;
	[tilespmem:v34+s15+$0x0] =	vst.idx.msk $0xffff, v35  }
0x111: {  	v34 =	vbroadcast v49, $0x0;
	v35 =	vld [tilespmem:s23+$0x0];
	_ =	sdelay $0x1  }
0x112: {  	v50 =	vadd.s32 v1, v34;
	_ =	sdelay $0x2  }
0x113: {  	v35 =	vmul.f32 $8.000000000e+00, v35;
	_ =	sdelay $0x1  }
0x114: {  	[tilespmem:v50+s15+$0x0] =	vst.idx.msk $0xffff, v35  }
0x115: {  	v35 =	vld [tilespmem:s23+$0x10];
	_ =	sdelay $0x1  }
0x116: {  	v51 =	vadd.s32 v3, v34;
	_ =	sdelay $0x2  }
0x117: {  	v35 =	vmul.f32 $8.000000000e+00, v35;
	_ =	sdelay $0x1  }
0x118: {  	[tilespmem:v51+s15+$0x0] =	vst.idx.msk $0xffff, v35  }
0x119: {  	v35 =	vld [tilespmem:s23+$0x20];
	_ =	sdelay $0x1  }
0x11a: {  	v52 =	vadd.s32 v4, v34;
	_ =	sdelay $0x2  }
0x11b: {  	v35 =	vmul.f32 $8.000000000e+00, v35;
	_ =	sdelay $0x1  }
0x11c: {  	[tilespmem:v52+s15+$0x0] =	vst.idx.msk $0xffff, v35  }
0x11d: {  	v35 =	vld [tilespmem:s23+$0x30];
	_ =	sdelay $0x1  }
0x11e: {  	v34 =	vadd.s32 v5, v34;
	_ =	sdelay $0x1  }
0x11f: {  	s30 =	sadd.s32 $0x9, s24  }
0x120: {  	v53 =	vmov s30;
	v35 =	vmul.f32 $8.000000000e+00, v35  }
0x121: {  	v36 =	vshrl.u32 v53, $0x3  }
0x122: {  	v54 =	vshll.u32 v36, v2;
	[tilespmem:v34+s15+$0x0] =	vst.idx.msk $0xffff, v35  }
0x123: {  	v34 =	vbroadcast v54, $0x0;
	v35 =	vld [tilespmem:s23+$0x40];
	_ =	sdelay $0x1  }
0x124: {  	v55 =	vadd.s32 v6, v34;
	_ =	sdelay $0x2  }
0x125: {  	v35 =	vmul.f32 $8.000000000e+00, v35;
	_ =	sdelay $0x1  }
0x126: {  	[tilespmem:v55+s15+$0x0] =	vst.idx.msk $0xffff, v35  }
0x127: {  	v35 =	vld [tilespmem:s23+$0x50];
	_ =	sdelay $0x1  }
0x128: {  	v56 =	vadd.s32 v7, v34;
	_ =	sdelay $0x2  }
0x129: {  	v35 =	vmul.f32 $8.000000000e+00, v35;
	_ =	sdelay $0x1  }
0x12a: {  	[tilespmem:v56+s15+$0x0] =	vst.idx.msk $0xffff, v35  }
0x12b: {  	v35 =	vld [tilespmem:s23+$0x60];
	_ =	sdelay $0x1  }
0x12c: {  	v57 =	vadd.s32 v8, v34;
	_ =	sdelay $0x2  }
0x12d: {  	v35 =	vmul.f32 $8.000000000e+00, v35;
	_ =	sdelay $0x1  }
0x12e: {  	[tilespmem:v57+s15+$0x0] =	vst.idx.msk $0xffff, v35  }
0x12f: {  	v35 =	vld [tilespmem:s23+$0x70];
	_ =	sdelay $0x1  }
0x130: {  	v34 =	vadd.s32 v9, v34;
	_ =	sdelay $0x1  }
0x131: {  	s31 =	sadd.s32 $0xA, s24  }
0x132: {  	v58 =	vmov s31;
	v35 =	vmul.f32 $8.000000000e+00, v35  }
0x133: {  	v36 =	vshrl.u32 v58, $0x3  }
0x134: {  	v59 =	vshll.u32 v36, v2;
	[tilespmem:v34+s15+$0x0] =	vst.idx.msk $0xffff, v35  }
0x135: {  	v34 =	vbroadcast v59, $0x0;
	v35 =	vld [tilespmem:s23+$0x80];
	_ =	sdelay $0x1  }
0x136: {  	v60 =	vadd.s32 v10, v34;
	_ =	sdelay $0x2  }
0x137: {  	v35 =	vmul.f32 $8.000000000e+00, v35;
	_ =	sdelay $0x1  }
0x138: {  	[tilespmem:v60+s15+$0x0] =	vst.idx.msk $0xffff, v35  }
0x139: {  	v35 =	vld [tilespmem:s23+$0x90];
	_ =	sdelay $0x1  }
0x13a: {  	v61 =	vadd.s32 v11, v34;
	_ =	sdelay $0x2  }
0x13b: {  	v35 =	vmul.f32 $8.000000000e+00, v35;
	_ =	sdelay $0x1  }
0x13c: {  	[tilespmem:v61+s15+$0x0] =	vst.idx.msk $0xffff, v35  }
0x13d: {  	v35 =	vld [tilespmem:s23+$0xA0];
	_ =	sdelay $0x1  }
0x13e: {  	v62 =	vadd.s32 v12, v34;
	_ =	sdelay $0x2  }
0x13f: {  	v35 =	vmul.f32 $8.000000000e+00, v35;
	_ =	sdelay $0x1  }
0x140: {  	[tilespmem:v62+s15+$0x0] =	vst.idx.msk $0xffff, v35  }
0x141: {  	v35 =	vld [tilespmem:s23+$0xB0];
	_ =	sdelay $0x1  }
0x142: {  	v34 =	vadd.s32 v13, v34;
	_ =	sdelay $0x1  }
0x143: {  	s26 =	sadd.s32 $0xB, s24  }
0x144: {  	v63 =	vmov s26;
	v35 =	vmul.f32 $8.000000000e+00, v35  }
0x145: {  	v36 =	vshrl.u32 v63, $0x3  }
0x146: {  	v40 =	vshll.u32 v36, v2;
	[tilespmem:v34+s15+$0x0] =	vst.idx.msk $0xffff, v35  }
0x147: {  	v34 =	vbroadcast v40, $0x0;
	v35 =	vld [tilespmem:s23+$0xC0];
	_ =	sdelay $0x1  }
0x148: {  	v41 =	vadd.s32 v14, v34;
	_ =	sdelay $0x2  }
0x149: {  	v35 =	vmul.f32 $8.000000000e+00, v35;
	_ =	sdelay $0x1  }
0x14a: {  	[tilespmem:v41+s15+$0x0] =	vst.idx.msk $0xffff, v35  }
0x14b: {  	v35 =	vld [tilespmem:s23+$0xD0];
	_ =	sdelay $0x1  }
0x14c: {  	v42 =	vadd.s32 v15, v34;
	_ =	sdelay $0x2  }
0x14d: {  	v35 =	vmul.f32 $8.000000000e+00, v35;
	_ =	sdelay $0x1  }
0x14e: {  	[tilespmem:v42+s15+$0x0] =	vst.idx.msk $0xffff, v35  }
0x14f: {  	v35 =	vld [tilespmem:s23+$0xE0];
	_ =	sdelay $0x1  }
0x150: {  	v43 =	vadd.s32 v16, v34;
	_ =	sdelay $0x2  }
0x151: {  	v35 =	vmul.f32 $8.000000000e+00, v35;
	_ =	sdelay $0x1  }
0x152: {  	[tilespmem:v43+s15+$0x0] =	vst.idx.msk $0xffff, v35  }
0x153: {  	v35 =	vld [tilespmem:s23+$0xF0];
	_ =	sdelay $0x1  }
0x154: {  	v34 =	vadd.s32 v17, v34;
	_ =	sdelay $0x1  }
0x155: {  	s28 =	sadd.s32 $0xC, s24  }
0x156: {  	v44 =	vmov s28;
	v35 =	vmul.f32 $8.000000000e+00, v35  }
0x157: {  	v36 =	vshrl.u32 v44, $0x3  }
0x158: {  	v45 =	vshll.u32 v36, v2;
	[tilespmem:v34+s15+$0x0] =	vst.idx.msk $0xffff, v35  }
0x159: {  	v34 =	vbroadcast v45, $0x0;
	v35 =	vld [tilespmem:s23+$0x100];
	_ =	sdelay $0x1  }
0x15a: {  	v46 =	vadd.s32 v18, v34;
	_ =	sdelay $0x2  }
0x15b: {  	v35 =	vmul.f32 $8.000000000e+00, v35;
	_ =	sdelay $0x1  }
0x15c: {  	[tilespmem:v46+s15+$0x0] =	vst.idx.msk $0xffff, v35  }
0x15d: {  	v35 =	vld [tilespmem:s23+$0x110];
	_ =	sdelay $0x1  }
0x15e: {  	v47 =	vadd.s32 v19, v34;
	_ =	sdelay $0x2  }
0x15f: {  	v35 =	vmul.f32 $8.000000000e+00, v35;
	_ =	sdelay $0x1  }
0x160: {  	[tilespmem:v47+s15+$0x0] =	vst.idx.msk $0xffff, v35  }
0x161: {  	v35 =	vld [tilespmem:s23+$0x120];
	_ =	sdelay $0x1  }
0x162: {  	v48 =	vadd.s32 v20, v34;
	_ =	sdelay $0x2  }
0x163: {  	v35 =	vmul.f32 $8.000000000e+00, v35;
	_ =	sdelay $0x1  }
0x164: {  	[tilespmem:v48+s15+$0x0] =	vst.idx.msk $0xffff, v35  }
0x165: {  	v35 =	vld [tilespmem:s23+$0x130];
	_ =	sdelay $0x1  }
0x166: {  	v34 =	vadd.s32 v21, v34;
	_ =	sdelay $0x1  }
0x167: {  	s29 =	sadd.s32 $0xD, s24  }
0x168: {  	v49 =	vmov s29;
	v35 =	vmul.f32 $8.000000000e+00, v35  }
0x169: {  	v36 =	vshrl.u32 v49, $0x3  }
0x16a: {  	v50 =	vshll.u32 v36, v2;
	[tilespmem:v34+s15+$0x0] =	vst.idx.msk $0xffff, v35  }
0x16b: {  	v34 =	vbroadcast v50, $0x0;
	v35 =	vld [tilespmem:s23+$0x140];
	_ =	sdelay $0x1  }
0x16c: {  	v51 =	vadd.s32 v22, v34;
	_ =	sdelay $0x2  }
0x16d: {  	v35 =	vmul.f32 $8.000000000e+00, v35;
	_ =	sdelay $0x1  }
0x16e: {  	[tilespmem:v51+s15+$0x0] =	vst.idx.msk $0xffff, v35  }
0x16f: {  	v35 =	vld [tilespmem:s23+$0x150];
	_ =	sdelay $0x1  }
0x170: {  	v52 =	vadd.s32 v23, v34;
	_ =	sdelay $0x2  }
0x171: {  	v35 =	vmul.f32 $8.000000000e+00, v35;
	_ =	sdelay $0x1  }
0x172: {  	[tilespmem:v52+s15+$0x0] =	vst.idx.msk $0xffff, v35  }
0x173: {  	v35 =	vld [tilespmem:s23+$0x160];
	_ =	sdelay $0x1  }
0x174: {  	v53 =	vadd.s32 v24, v34;
	_ =	sdelay $0x2  }
0x175: {  	v35 =	vmul.f32 $8.000000000e+00, v35;
	_ =	sdelay $0x1  }
0x176: {  	[tilespmem:v53+s15+$0x0] =	vst.idx.msk $0xffff, v35  }
0x177: {  	v35 =	vld [tilespmem:s23+$0x170];
	_ =	sdelay $0x1  }
0x178: {  	v34 =	vadd.s32 v25, v34;
	_ =	sdelay $0x1  }
0x179: {  	s30 =	sadd.s32 $0xE, s24  }
0x17a: {  	v54 =	vmov s30;
	v35 =	vmul.f32 $8.000000000e+00, v35  }
0x17b: {  	v36 =	vshrl.u32 v54, $0x3  }
0x17c: {  	v55 =	vshll.u32 v36, v2;
	[tilespmem:v34+s15+$0x0] =	vst.idx.msk $0xffff, v35  }
0x17d: {  	v34 =	vbroadcast v55, $0x0;
	v35 =	vld [tilespmem:s23+$0x180];
	_ =	sdelay $0x1  }
0x17e: {  	v56 =	vadd.s32 v26, v34;
	_ =	sdelay $0x2  }
0x17f: {  	v35 =	vmul.f32 $8.000000000e+00, v35;
	_ =	sdelay $0x1  }
0x180: {  	[tilespmem:v56+s15+$0x0] =	vst.idx.msk $0xffff, v35  }
0x181: {  	v35 =	vld [tilespmem:s23+$0x190];
	_ =	sdelay $0x1  }
0x182: {  	v57 =	vadd.s32 v27, v34;
	_ =	sdelay $0x2  }
0x183: {  	v35 =	vmul.f32 $8.000000000e+00, v35;
	_ =	sdelay $0x1  }
0x184: {  	[tilespmem:v57+s15+$0x0] =	vst.idx.msk $0xffff, v35  }
0x185: {  	v35 =	vld [tilespmem:s23+$0x1A0];
	_ =	sdelay $0x1  }
0x186: {  	v58 =	vadd.s32 v28, v34;
	_ =	sdelay $0x2  }
0x187: {  	v35 =	vmul.f32 $8.000000000e+00, v35;
	_ =	sdelay $0x1  }
0x188: {  	[tilespmem:v58+s15+$0x0] =	vst.idx.msk $0xffff, v35  }
0x189: {  	v35 =	vld [tilespmem:s23+$0x1B0];
	_ =	sdelay $0x1  }
0x18a: {  	v34 =	vadd.s32 v29, v34;
	_ =	sdelay $0x1  }
0x18b: {  	s31 =	sadd.s32 $0xF, s24  }
0x18c: {  	v59 =	vmov s31;
	v35 =	vmul.f32 $8.000000000e+00, v35  }
0x18d: {  	v36 =	vshrl.u32 v59, $0x3  }
0x18e: {  	v60 =	vshll.u32 v36, v2;
	[tilespmem:v34+s15+$0x0] =	vst.idx.msk $0xffff, v35  }
0x18f: {  	v34 =	vbroadcast v60, $0x0;
	v35 =	vld [tilespmem:s23+$0x1C0];
	_ =	sdelay $0x1  }
0x190: {  	v61 =	vadd.s32 v30, v34;
	_ =	sdelay $0x2  }
0x191: {  	v35 =	vmul.f32 $8.000000000e+00, v35;
	_ =	sdelay $0x1  }
0x192: {  	[tilespmem:v61+s15+$0x0] =	vst.idx.msk $0xffff, v35  }
0x193: {  	v35 =	vld [tilespmem:s23+$0x1D0];
	_ =	sdelay $0x1  }
0x194: {  	v62 =	vadd.s32 v31, v34;
	_ =	sdelay $0x2  }
0x195: {  	v35 =	vmul.f32 $8.000000000e+00, v35;
	_ =	sdelay $0x1  }
0x196: {  	[tilespmem:v62+s15+$0x0] =	vst.idx.msk $0xffff, v35  }
0x197: {  	v35 =	vld [tilespmem:s23+$0x1E0];
	_ =	sdelay $0x1  }
0x198: {  	v63 =	vadd.s32 v32, v34;
	_ =	sdelay $0x2  }
0x199: {  	v35 =	vmul.f32 $8.000000000e+00, v35;
	_ =	sdelay $0x1  }
0x19a: {  	[tilespmem:v63+s15+$0x0] =	vst.idx.msk $0xffff, v35  }
0x19b: {  	v35 =	vld [tilespmem:s23+$0x1F0];
	_ =	sdelay $0x1  }
0x19c: {  	p0 =	slt.u32 s24, $0x70;
	v34 =	vadd.s32 v33, v34  }
.Ltmp1:
0x19d: {  	_ = 	snop;
	(pc) =	sbr.rel @p0 .LBB2_5-.Ltmp1, $3  }
0x19e: {  	_ = 	snop  }
0x19f: {  	v35 =	vmul.f32 $8.000000000e+00, v35;
	_ =	sdelay $0x1  }
0x1a0: {  	s24 =	sadd.s32 $0x10, s24;
	s23 =	sadd.s32 $0x400, s23;
	[tilespmem:v34+s15+$0x0] =	vst.idx.msk $0xffff, v35  }
0x1a1: {  	p0 =	seq.s32 s21, $0x63  }
0x1a2: {  	s23 =	sadd.s32 @!p0 $0x2, s22  }
0x1a3: {  	s24 =	sshrl.u32 @!p0 s23, $0x2  }
0x1a4: {  	s24 =	smul.u32 @!p0 $0x820, s24  }
0x1a5: {  	s23 =	sshll.u32 @!p0 s23, $0x7  }
0x1a6: {  	s23 =	sand.u32 @!p0 $0x100, s23;
	s24 =	sshra.s32 @!p0 s24, $0x2  }
0x1a7: {  	s26 =	sshll.u32 s21, $0x10;
	s30 =	sshll.u32 s21, $0x8;
	s23 =	sadd.s32 @!p0 s23, s24  }
0x1a8: {  	s25 =	simm.s32 @!p0 $0xC990;
	s24 =	simm.s32 @!p0 $0x80;
	s23 =	sadd.s32 @!p0 $0x6400, s23  }
0x1a9: {  	[tilespmem:s25], [sflag:$0x1] =	stream.indirect.gather @!p0 [hbm4b:s4+s24], $0x40, s23, s24, $0xb8;
	[tilespmem:$0x14D90] =	vst v63  }
0x1aa: {  	s23 =	sand.u32 $0x7E0000, s26;
	s24 =	sand.u32 $0x100, s30  }
0x1ab: {  	s24 =	sor.u32 s24, s7;
	s23 =	sadd.s32 s2, s23  }
0x1ac: {  	s31 =	simm.s32 $0x10990;
	s23 =	sadd.s32 s24, s23  }
0x1ad: {  	[hbm4b:s23+s3] =	stream.linear.scatter [tilespmem:s31], [sflag:$0x3], $0x80, $0x38;
	[tilespmem:$0x14D90] =	vst v63  }
0x1ae: {  	s25 =	simm.s32 $0x10A18;
	s26 =	sadd.s32 $0x10, s23  }
0x1af: {  	[hbm4b:s26+s3] =	stream.linear.scatter [tilespmem:s25], [sflag:$0x3], $0x80, $0x38;
	[tilespmem:$0x14D90] =	vst v63  }
0x1b0: {  	s28 =	simm.s32 $0x10D48;
	s30 =	simm.s32 $0x10AA0;
	s31 =	sadd.s32 $0x20, s23  }
0x1b1: {  	[hbm4b:s31+s3] =	stream.linear.scatter [tilespmem:s30], [sflag:$0x3], $0x80, $0x38;
	[tilespmem:$0x14D90] =	vst v63  }
0x1b2: {  	s24 =	simm.s32 $0x440;
	s25 =	simm.s32 $0x10B28;
	s26 =	sadd.s32 $0x30, s23  }
0x1b3: {  	[hbm4b:s26+s3] =	stream.linear.scatter [tilespmem:s25], [sflag:$0x3], $0x80, $0x38;
	[tilespmem:$0x14D90] =	vst v63  }
0x1b4: {  	s29 =	sadd.s32 $0x70, s23;
	s30 =	simm.s32 $0x10BB0;
	s31 =	sadd.s32 $0x40, s23  }
0x1b5: {  	[hbm4b:s31+s3] =	stream.linear.scatter [tilespmem:s30], [sflag:$0x3], $0x80, $0x38;
	[tilespmem:$0x14D90] =	vst v63  }
0x1b6: {  	s25 =	simm.s32 $0x10C38;
	s26 =	sadd.s32 $0x50, s23;
	s30 =	simm.s32 $0x10CC0  }
0x1b7: {  	[hbm4b:s26+s3] =	stream.linear.scatter [tilespmem:s25], [sflag:$0x3], $0x80, $0x38;
	[tilespmem:$0x14D90] =	vst v63  }
0x1b8: {  	s31 =	sadd.s32 $0x60, s23;
	s26 =	simm.s32 $0x2200;
	s25 =	sadd.s32 $0x4000, s23  }
0x1b9: {  	[hbm4b:s31+s3] =	stream.linear.scatter [tilespmem:s30], [sflag:$0x3], $0x80, $0x38;
	[tilespmem:$0x14D90] =	vst v63  }
.LBB2_7:
0x1ba: {  	[hbm4b:s29+s3] =	stream.linear.scatter [tilespmem:s28], [sflag:$0x3], $0x80, $0x38;
	[tilespmem:$0x14D90] =	vst v63  }
0x1bb: {  	s28 =	smov.u32 s24;
	s24 =	smov.u32 s26  }
0x1bc: {  	s30 =	sadd.s32 $0x1100, s26;
	s24 =	sshra.s32 s24, $0x2;
	s29 =	sadd.s32 $0x10990, s28  }
0x1bd: {  	[hbm4b:s25+s3] =	stream.linear.scatter [tilespmem:s29], [sflag:$0x3], $0x80, $0x38;
	[tilespmem:$0x14D90] =	vst v63  }
0x1be: {  	p2 =	sne.s32 s26, $0x7700;
	s26 =	sadd.s32 $0x10A18, s28;
	s29 =	sadd.s32 $0x10, s25  }
0x1bf: {  	[hbm4b:s29+s3] =	stream.linear.scatter [tilespmem:s26], [sflag:$0x3], $0x80, $0x38;
	[tilespmem:$0x14D90] =	vst v63  }
0x1c0: {  	s26 =	sadd.s32 $0x10AA0, s28;
	s29 =	sadd.s32 $0x20, s25  }
0x1c1: {  	[hbm4b:s29+s3] =	stream.linear.scatter [tilespmem:s26], [sflag:$0x3], $0x80, $0x38;
	[tilespmem:$0x14D90] =	vst v63  }
0x1c2: {  	s26 =	sadd.s32 $0x10B28, s28;
	s29 =	sadd.s32 $0x30, s25  }
0x1c3: {  	[hbm4b:s29+s3] =	stream.linear.scatter [tilespmem:s26], [sflag:$0x3], $0x80, $0x38;
	[tilespmem:$0x14D90] =	vst v63  }
0x1c4: {  	s26 =	sadd.s32 $0x10BB0, s28;
	s29 =	sadd.s32 $0x40, s25  }
0x1c5: {  	[hbm4b:s29+s3] =	stream.linear.scatter [tilespmem:s26], [sflag:$0x3], $0x80, $0x38;
	[tilespmem:$0x14D90] =	vst v63  }
.Ltmp2:
0x1c6: {  	s26 =	sadd.s32 $0x10C38, s28;
	s29 =	sadd.s32 $0x50, s25;
	(pc) =	sbr.rel @p2 .LBB2_7-.Ltmp2, $4  }
0x1c7: {  	[hbm4b:s29+s3] =	stream.linear.scatter [tilespmem:s26], [sflag:$0x3], $0x80, $0x38;
	[tilespmem:$0x14D90] =	vst v63  }
0x1c8: {  	s26 =	sadd.s32 $0x10CC0, s28;
	s29 =	sadd.s32 $0x60, s25;
	s28 =	sadd.s32 $0x10D48, s28  }
0x1c9: {  	[hbm4b:s29+s3] =	stream.linear.scatter [tilespmem:s26], [sflag:$0x3], $0x80, $0x38;
	[tilespmem:$0x14D90] =	vst v63  }
0x1ca: {  	s29 =	sadd.s32 $0x70, s25;
	s25 =	sadd.s32 $0x4000, s25;
	s26 =	smov.u32 s30  }
0x1cb: {  	[hbm4b:s29+s3] =	stream.linear.scatter [tilespmem:s28], [sflag:$0x3], $0x80, $0x38;
	[tilespmem:$0x14D90] =	vst v63  }
0x1cc: {  	s26 =	sadd.s32 $0x10990, s24  }
0x1cd: {  	[hbm4b:s25+s3] =	stream.linear.scatter [tilespmem:s26], [sflag:$0x3], $0x80, $0x38;
	[tilespmem:$0x14D90] =	vst v63  }
0x1ce: {  	s30 =	sadd.s32 $0x10A18, s24;
	s31 =	sadd.s32 $0x10, s25  }
0x1cf: {  	[hbm4b:s31+s3] =	stream.linear.scatter [tilespmem:s30], [sflag:$0x3], $0x80, $0x38;
	[tilespmem:$0x14D90] =	vst v63  }
0x1d0: {  	s29 =	sadd.s32 $0x10AA0, s24;
	s30 =	sadd.s32 $0x20, s25  }
0x1d1: {  	[hbm4b:s30+s3] =	stream.linear.scatter [tilespmem:s29], [sflag:$0x3], $0x80, $0x38;
	[tilespmem:$0x14D90] =	vst v63  }
0x1d2: {  	s31 =	sadd.s32 $0x10B28, s24;
	s29 =	sadd.s32 $0x30, s25  }
0x1d3: {  	[hbm4b:s29+s3] =	stream.linear.scatter [tilespmem:s31], [sflag:$0x3], $0x80, $0x38;
	[tilespmem:$0x14D90] =	vst v63  }
0x1d4: {  	s30 =	sadd.s32 $0x10BB0, s24;
	s31 =	sadd.s32 $0x40, s25  }
0x1d5: {  	[hbm4b:s31+s3] =	stream.linear.scatter [tilespmem:s30], [sflag:$0x3], $0x80, $0x38;
	[tilespmem:$0x14D90] =	vst v63  }
0x1d6: {  	s29 =	sadd.s32 $0x10C38, s24;
	s30 =	sadd.s32 $0x50, s25  }
0x1d7: {  	[hbm4b:s30+s3] =	stream.linear.scatter [tilespmem:s29], [sflag:$0x3], $0x80, $0x38;
	[tilespmem:$0x14D90] =	vst v63  }
0x1d8: {  	s31 =	sadd.s32 $0x10CC0, s24;
	s29 =	sadd.s32 $0x60, s25  }
0x1d9: {  	[hbm4b:s29+s3] =	stream.linear.scatter [tilespmem:s31], [sflag:$0x3], $0x80, $0x38;
	[tilespmem:$0x14D90] =	vst v63  }
0x1da: {  	s30 =	sadd.s32 $0x10D48, s24;
	s31 =	sadd.s32 $0x70, s25  }
0x1db: {  	[hbm4b:s31+s3] =	stream.linear.scatter [tilespmem:s30], [sflag:$0x3], $0x80, $0x38;
	[tilespmem:$0x14D90] =	vst v63  }
0x1dc: {  	_ =	swait.ge [sflag:s16], $0x2000  }
0x1dd: {  	[sflag:s16] =	ssyncset.done $0x0  }
0x1de: {  	s24 =	simm.s32 @!p1 $0x4;
	[sflag:s16] =	ssyncadd.s32 $0xFFFFE000  }
0x1df: {  	_ =	swait.ge @!p1 [sflag:s24], $0x2000  }
0x1e0: {  	[sflag:s24] =	ssyncset.done @!p1 $0x0  }
0x1e1: {  	s25 =	simm.s32 $0xEB90;
	[sflag:s24] =	ssyncadd.s32 @!p1 $0xFFFFE000;
	s24 =	simm.s32 $0x0  }
.LBB2_9:
0x1e2: {  	v34 =	vmov s24  }
0x1e3: {  	v34 =	vshrl.u32 v34, $0x3  }
0x1e4: {  	v34 =	vshll.u32 v34, v2  }
0x1e5: {  	v35 =	vld [tilespmem:s25+$0xFFFFFE00];
	v34 =	vbroadcast v34, $0x0;
	_ =	sdelay $0x1  }
0x1e6: {  	v36 =	vadd.s32 v1, v34;
	_ =	sdelay $0x2  }
0x1e7: {  	v35 =	vmul.f32 $8.000000000e+00, v35;
	_ =	sdelay $0x1  }
0x1e8: {  	[tilespmem:v36+s17+$0x0] =	vst.idx.msk $0xffff, v35  }
0x1e9: {  	v35 =	vld [tilespmem:s25+$0xFFFFFE10];
	_ =	sdelay $0x1  }
0x1ea: {  	v61 =	vadd.s32 v3, v34;
	_ =	sdelay $0x2  }
0x1eb: {  	v35 =	vmul.f32 $8.000000000e+00, v35;
	_ =	sdelay $0x1  }
0x1ec: {  	[tilespmem:v61+s17+$0x0] =	vst.idx.msk $0xffff, v35  }
0x1ed: {  	v35 =	vld [tilespmem:s25+$0xFFFFFE20];
	_ =	sdelay $0x1  }
0x1ee: {  	v62 =	vadd.s32 v4, v34;
	_ =	sdelay $0x2  }
0x1ef: {  	v35 =	vmul.f32 $8.000000000e+00, v35;
	_ =	sdelay $0x1  }
0x1f0: {  	[tilespmem:v62+s17+$0x0] =	vst.idx.msk $0xffff, v35  }
0x1f1: {  	v35 =	vld [tilespmem:s25+$0xFFFFFE30];
	_ =	sdelay $0x1  }
0x1f2: {  	v34 =	vadd.s32 v5, v34;
	_ =	sdelay $0x1  }
0x1f3: {  	s26 =	sadd.s32 $0x1, s24  }
0x1f4: {  	v63 =	vmov s26;
	v35 =	vmul.f32 $8.000000000e+00, v35  }
0x1f5: {  	v36 =	vshrl.u32 v63, $0x3  }
0x1f6: {  	v39 =	vshll.u32 v36, v2;
	[tilespmem:v34+s17+$0x0] =	vst.idx.msk $0xffff, v35  }
0x1f7: {  	v34 =	vbroadcast v39, $0x0;
	v35 =	vld [tilespmem:s25+$0xFFFFFE40];
	_ =	sdelay $0x1  }
0x1f8: {  	v40 =	vadd.s32 v6, v34;
	_ =	sdelay $0x2  }
0x1f9: {  	v35 =	vmul.f32 $8.000000000e+00, v35;
	_ =	sdelay $0x1  }
0x1fa: {  	[tilespmem:v40+s17+$0x0] =	vst.idx.msk $0xffff, v35  }
0x1fb: {  	v35 =	vld [tilespmem:s25+$0xFFFFFE50];
	_ =	sdelay $0x1  }
0x1fc: {  	v41 =	vadd.s32 v7, v34;
	_ =	sdelay $0x2  }
0x1fd: {  	v35 =	vmul.f32 $8.000000000e+00, v35;
	_ =	sdelay $0x1  }
0x1fe: {  	[tilespmem:v41+s17+$0x0] =	vst.idx.msk $0xffff, v35  }
0x1ff: {  	v35 =	vld [tilespmem:s25+$0xFFFFFE60];
	_ =	sdelay $0x1  }
0x200: {  	v42 =	vadd.s32 v8, v34;
	_ =	sdelay $0x2  }
0x201: {  	v35 =	vmul.f32 $8.000000000e+00, v35;
	_ =	sdelay $0x1  }
0x202: {  	[tilespmem:v42+s17+$0x0] =	vst.idx.msk $0xffff, v35  }
0x203: {  	v35 =	vld [tilespmem:s25+$0xFFFFFE70];
	_ =	sdelay $0x1  }
0x204: {  	v34 =	vadd.s32 v9, v34;
	_ =	sdelay $0x1  }
0x205: {  	s30 =	sadd.s32 $0x2, s24  }
0x206: {  	v43 =	vmov s30;
	v35 =	vmul.f32 $8.000000000e+00, v35  }
0x207: {  	v36 =	vshrl.u32 v43, $0x3  }
0x208: {  	v44 =	vshll.u32 v36, v2;
	[tilespmem:v34+s17+$0x0] =	vst.idx.msk $0xffff, v35  }
0x209: {  	v34 =	vbroadcast v44, $0x0;
	v35 =	vld [tilespmem:s25+$0xFFFFFE80];
	_ =	sdelay $0x1  }
0x20a: {  	v45 =	vadd.s32 v10, v34;
	_ =	sdelay $0x2  }
0x20b: {  	v35 =	vmul.f32 $8.000000000e+00, v35;
	_ =	sdelay $0x1  }
0x20c: {  	[tilespmem:v45+s17+$0x0] =	vst.idx.msk $0xffff, v35  }
0x20d: {  	v35 =	vld [tilespmem:s25+$0xFFFFFE90];
	_ =	sdelay $0x1  }
0x20e: {  	v46 =	vadd.s32 v11, v34;
	_ =	sdelay $0x2  }
0x20f: {  	v35 =	vmul.f32 $8.000000000e+00, v35;
	_ =	sdelay $0x1  }
0x210: {  	[tilespmem:v46+s17+$0x0] =	vst.idx.msk $0xffff, v35  }
0x211: {  	v35 =	vld [tilespmem:s25+$0xFFFFFEA0];
	_ =	sdelay $0x1  }
0x212: {  	v47 =	vadd.s32 v12, v34;
	_ =	sdelay $0x2  }
0x213: {  	v35 =	vmul.f32 $8.000000000e+00, v35;
	_ =	sdelay $0x1  }
0x214: {  	[tilespmem:v47+s17+$0x0] =	vst.idx.msk $0xffff, v35  }
0x215: {  	v35 =	vld [tilespmem:s25+$0xFFFFFEB0];
	_ =	sdelay $0x1  }
0x216: {  	v34 =	vadd.s32 v13, v34;
	_ =	sdelay $0x1  }
0x217: {  	s31 =	sadd.s32 $0x3, s24  }
0x218: {  	v48 =	vmov s31;
	v35 =	vmul.f32 $8.000000000e+00, v35  }
0x219: {  	v36 =	vshrl.u32 v48, $0x3  }
0x21a: {  	v49 =	vshll.u32 v36, v2;
	[tilespmem:v34+s17+$0x0] =	vst.idx.msk $0xffff, v35  }
0x21b: {  	v34 =	vbroadcast v49, $0x0;
	v35 =	vld [tilespmem:s25+$0xFFFFFEC0];
	_ =	sdelay $0x1  }
0x21c: {  	v50 =	vadd.s32 v14, v34;
	_ =	sdelay $0x2  }
0x21d: {  	v35 =	vmul.f32 $8.000000000e+00, v35;
	_ =	sdelay $0x1  }
0x21e: {  	[tilespmem:v50+s17+$0x0] =	vst.idx.msk $0xffff, v35  }
0x21f: {  	v35 =	vld [tilespmem:s25+$0xFFFFFED0];
	_ =	sdelay $0x1  }
0x220: {  	v51 =	vadd.s32 v15, v34;
	_ =	sdelay $0x2  }
0x221: {  	v35 =	vmul.f32 $8.000000000e+00, v35;
	_ =	sdelay $0x1  }
0x222: {  	[tilespmem:v51+s17+$0x0] =	vst.idx.msk $0xffff, v35  }
0x223: {  	v35 =	vld [tilespmem:s25+$0xFFFFFEE0];
	_ =	sdelay $0x1  }
0x224: {  	v52 =	vadd.s32 v16, v34;
	_ =	sdelay $0x2  }
0x225: {  	v35 =	vmul.f32 $8.000000000e+00, v35;
	_ =	sdelay $0x1  }
0x226: {  	[tilespmem:v52+s17+$0x0] =	vst.idx.msk $0xffff, v35  }
0x227: {  	v35 =	vld [tilespmem:s25+$0xFFFFFEF0];
	_ =	sdelay $0x1  }
0x228: {  	v34 =	vadd.s32 v17, v34;
	_ =	sdelay $0x1  }
0x229: {  	s28 =	sadd.s32 $0x4, s24  }
0x22a: {  	v53 =	vmov s28;
	v35 =	vmul.f32 $8.000000000e+00, v35  }
0x22b: {  	v36 =	vshrl.u32 v53, $0x3  }
0x22c: {  	v54 =	vshll.u32 v36, v2;
	[tilespmem:v34+s17+$0x0] =	vst.idx.msk $0xffff, v35  }
0x22d: {  	v34 =	vbroadcast v54, $0x0;
	v35 =	vld [tilespmem:s25+$0xFFFFFF00];
	_ =	sdelay $0x1  }
0x22e: {  	v55 =	vadd.s32 v18, v34;
	_ =	sdelay $0x2  }
0x22f: {  	v35 =	vmul.f32 $8.000000000e+00, v35;
	_ =	sdelay $0x1  }
0x230: {  	[tilespmem:v55+s17+$0x0] =	vst.idx.msk $0xffff, v35  }
0x231: {  	v35 =	vld [tilespmem:s25+$0xFFFFFF10];
	_ =	sdelay $0x1  }
0x232: {  	v56 =	vadd.s32 v19, v34;
	_ =	sdelay $0x2  }
0x233: {  	v35 =	vmul.f32 $8.000000000e+00, v35;
	_ =	sdelay $0x1  }
0x234: {  	[tilespmem:v56+s17+$0x0] =	vst.idx.msk $0xffff, v35  }
0x235: {  	v35 =	vld [tilespmem:s25+$0xFFFFFF20];
	_ =	sdelay $0x1  }
0x236: {  	v57 =	vadd.s32 v20, v34;
	_ =	sdelay $0x2  }
0x237: {  	v35 =	vmul.f32 $8.000000000e+00, v35;
	_ =	sdelay $0x1  }
0x238: {  	[tilespmem:v57+s17+$0x0] =	vst.idx.msk $0xffff, v35  }
0x239: {  	v35 =	vld [tilespmem:s25+$0xFFFFFF30];
	_ =	sdelay $0x1  }
0x23a: {  	v34 =	vadd.s32 v21, v34;
	_ =	sdelay $0x1  }
0x23b: {  	s29 =	sadd.s32 $0x5, s24  }
0x23c: {  	v58 =	vmov s29;
	v35 =	vmul.f32 $8.000000000e+00, v35  }
0x23d: {  	v36 =	vshrl.u32 v58, $0x3  }
0x23e: {  	v59 =	vshll.u32 v36, v2;
	[tilespmem:v34+s17+$0x0] =	vst.idx.msk $0xffff, v35  }
0x23f: {  	v34 =	vbroadcast v59, $0x0;
	v35 =	vld [tilespmem:s25+$0xFFFFFF40];
	_ =	sdelay $0x1  }
0x240: {  	v60 =	vadd.s32 v22, v34;
	_ =	sdelay $0x2  }
0x241: {  	v35 =	vmul.f32 $8.000000000e+00, v35;
	_ =	sdelay $0x1  }
0x242: {  	[tilespmem:v60+s17+$0x0] =	vst.idx.msk $0xffff, v35  }
0x243: {  	v35 =	vld [tilespmem:s25+$0xFFFFFF50];
	_ =	sdelay $0x1  }
0x244: {  	v61 =	vadd.s32 v23, v34;
	_ =	sdelay $0x2  }
0x245: {  	v35 =	vmul.f32 $8.000000000e+00, v35;
	_ =	sdelay $0x1  }
0x246: {  	[tilespmem:v61+s17+$0x0] =	vst.idx.msk $0xffff, v35  }
0x247: {  	v35 =	vld [tilespmem:s25+$0xFFFFFF60];
	_ =	sdelay $0x1  }
0x248: {  	v62 =	vadd.s32 v24, v34;
	_ =	sdelay $0x2  }
0x249: {  	v35 =	vmul.f32 $8.000000000e+00, v35;
	_ =	sdelay $0x1  }
0x24a: {  	[tilespmem:v62+s17+$0x0] =	vst.idx.msk $0xffff, v35  }
0x24b: {  	v35 =	vld [tilespmem:s25+$0xFFFFFF70];
	_ =	sdelay $0x1  }
0x24c: {  	v34 =	vadd.s32 v25, v34;
	_ =	sdelay $0x1  }
0x24d: {  	s30 =	sadd.s32 $0x6, s24  }
0x24e: {  	v63 =	vmov s30;
	v35 =	vmul.f32 $8.000000000e+00, v35  }
0x24f: {  	v36 =	vshrl.u32 v63, $0x3  }
0x250: {  	v39 =	vshll.u32 v36, v2;
	[tilespmem:v34+s17+$0x0] =	vst.idx.msk $0xffff, v35  }
0x251: {  	v34 =	vbroadcast v39, $0x0;
	v35 =	vld [tilespmem:s25+$0xFFFFFF80];
	_ =	sdelay $0x1  }
0x252: {  	v40 =	vadd.s32 v26, v34;
	_ =	sdelay $0x2  }
0x253: {  	v35 =	vmul.f32 $8.000000000e+00, v35;
	_ =	sdelay $0x1  }
0x254: {  	[tilespmem:v40+s17+$0x0] =	vst.idx.msk $0xffff, v35  }
0x255: {  	v35 =	vld [tilespmem:s25+$0xFFFFFF90];
	_ =	sdelay $0x1  }
0x256: {  	v41 =	vadd.s32 v27, v34;
	_ =	sdelay $0x2  }
0x257: {  	v35 =	vmul.f32 $8.000000000e+00, v35;
	_ =	sdelay $0x1  }
0x258: {  	[tilespmem:v41+s17+$0x0] =	vst.idx.msk $0xffff, v35  }
0x259: {  	v35 =	vld [tilespmem:s25+$0xFFFFFFA0];
	_ =	sdelay $0x1  }
0x25a: {  	v42 =	vadd.s32 v28, v34;
	_ =	sdelay $0x2  }
0x25b: {  	v35 =	vmul.f32 $8.000000000e+00, v35;
	_ =	sdelay $0x1  }
0x25c: {  	[tilespmem:v42+s17+$0x0] =	vst.idx.msk $0xffff, v35  }
0x25d: {  	v35 =	vld [tilespmem:s25+$0xFFFFFFB0];
	_ =	sdelay $0x1  }
0x25e: {  	v34 =	vadd.s32 v29, v34;
	_ =	sdelay $0x1  }
0x25f: {  	s31 =	sadd.s32 $0x7, s24  }
0x260: {  	v43 =	vmov s31;
	v35 =	vmul.f32 $8.000000000e+00, v35  }
0x261: {  	v36 =	vshrl.u32 v43, $0x3  }
0x262: {  	v44 =	vshll.u32 v36, v2;
	[tilespmem:v34+s17+$0x0] =	vst.idx.msk $0xffff, v35  }
0x263: {  	v34 =	vbroadcast v44, $0x0;
	v35 =	vld [tilespmem:s25+$0xFFFFFFC0];
	_ =	sdelay $0x1  }
0x264: {  	v45 =	vadd.s32 v30, v34;
	_ =	sdelay $0x2  }
0x265: {  	v35 =	vmul.f32 $8.000000000e+00, v35;
	_ =	sdelay $0x1  }
0x266: {  	[tilespmem:v45+s17+$0x0] =	vst.idx.msk $0xffff, v35  }
0x267: {  	v35 =	vld [tilespmem:s25+$0xFFFFFFD0];
	_ =	sdelay $0x1  }
0x268: {  	v46 =	vadd.s32 v31, v34;
	_ =	sdelay $0x2  }
0x269: {  	v35 =	vmul.f32 $8.000000000e+00, v35;
	_ =	sdelay $0x1  }
0x26a: {  	[tilespmem:v46+s17+$0x0] =	vst.idx.msk $0xffff, v35  }
0x26b: {  	v35 =	vld [tilespmem:s25+$0xFFFFFFE0];
	_ =	sdelay $0x1  }
0x26c: {  	v47 =	vadd.s32 v32, v34;
	_ =	sdelay $0x2  }
0x26d: {  	v35 =	vmul.f32 $8.000000000e+00, v35;
	_ =	sdelay $0x1  }
0x26e: {  	[tilespmem:v47+s17+$0x0] =	vst.idx.msk $0xffff, v35  }
0x26f: {  	v35 =	vld [tilespmem:s25+$0xFFFFFFF0];
	_ =	sdelay $0x1  }
0x270: {  	v34 =	vadd.s32 v33, v34;
	_ =	sdelay $0x1  }
0x271: {  	s28 =	sadd.s32 $0x8, s24  }
0x272: {  	v48 =	vmov s28;
	v35 =	vmul.f32 $8.000000000e+00, v35  }
0x273: {  	v36 =	vshrl.u32 v48, $0x3  }
0x274: {  	v49 =	vshll.u32 v36, v2;
	[tilespmem:v34+s17+$0x0] =	vst.idx.msk $0xffff, v35  }
0x275: {  	v34 =	vbroadcast v49, $0x0;
	v35 =	vld [tilespmem:s25+$0x0];
	_ =	sdelay $0x1  }
0x276: {  	v50 =	vadd.s32 v1, v34;
	_ =	sdelay $0x2  }
0x277: {  	v35 =	vmul.f32 $8.000000000e+00, v35;
	_ =	sdelay $0x1  }
0x278: {  	[tilespmem:v50+s17+$0x0] =	vst.idx.msk $0xffff, v35  }
0x279: {  	v35 =	vld [tilespmem:s25+$0x10];
	_ =	sdelay $0x1  }
0x27a: {  	v51 =	vadd.s32 v3, v34;
	_ =	sdelay $0x2  }
0x27b: {  	v35 =	vmul.f32 $8.000000000e+00, v35;
	_ =	sdelay $0x1  }
0x27c: {  	[tilespmem:v51+s17+$0x0] =	vst.idx.msk $0xffff, v35  }
0x27d: {  	v35 =	vld [tilespmem:s25+$0x20];
	_ =	sdelay $0x1  }
0x27e: {  	v52 =	vadd.s32 v4, v34;
	_ =	sdelay $0x2  }
0x27f: {  	v35 =	vmul.f32 $8.000000000e+00, v35;
	_ =	sdelay $0x1  }
0x280: {  	[tilespmem:v52+s17+$0x0] =	vst.idx.msk $0xffff, v35  }
0x281: {  	v35 =	vld [tilespmem:s25+$0x30];
	_ =	sdelay $0x1  }
0x282: {  	v34 =	vadd.s32 v5, v34;
	_ =	sdelay $0x1  }
0x283: {  	s29 =	sadd.s32 $0x9, s24  }
0x284: {  	v53 =	vmov s29;
	v35 =	vmul.f32 $8.000000000e+00, v35  }
0x285: {  	v36 =	vshrl.u32 v53, $0x3  }
0x286: {  	v54 =	vshll.u32 v36, v2;
	[tilespmem:v34+s17+$0x0] =	vst.idx.msk $0xffff, v35  }
0x287: {  	v34 =	vbroadcast v54, $0x0;
	v35 =	vld [tilespmem:s25+$0x40];
	_ =	sdelay $0x1  }
0x288: {  	v55 =	vadd.s32 v6, v34;
	_ =	sdelay $0x2  }
0x289: {  	v35 =	vmul.f32 $8.000000000e+00, v35;
	_ =	sdelay $0x1  }
0x28a: {  	[tilespmem:v55+s17+$0x0] =	vst.idx.msk $0xffff, v35  }
0x28b: {  	v35 =	vld [tilespmem:s25+$0x50];
	_ =	sdelay $0x1  }
0x28c: {  	v56 =	vadd.s32 v7, v34;
	_ =	sdelay $0x2  }
0x28d: {  	v35 =	vmul.f32 $8.000000000e+00, v35;
	_ =	sdelay $0x1  }
0x28e: {  	[tilespmem:v56+s17+$0x0] =	vst.idx.msk $0xffff, v35  }
0x28f: {  	v35 =	vld [tilespmem:s25+$0x60];
	_ =	sdelay $0x1  }
0x290: {  	v57 =	vadd.s32 v8, v34;
	_ =	sdelay $0x2  }
0x291: {  	v35 =	vmul.f32 $8.000000000e+00, v35;
	_ =	sdelay $0x1  }
0x292: {  	[tilespmem:v57+s17+$0x0] =	vst.idx.msk $0xffff, v35  }
0x293: {  	v35 =	vld [tilespmem:s25+$0x70];
	_ =	sdelay $0x1  }
0x294: {  	v34 =	vadd.s32 v9, v34;
	_ =	sdelay $0x1  }
0x295: {  	s30 =	sadd.s32 $0xA, s24  }
0x296: {  	v58 =	vmov s30;
	v35 =	vmul.f32 $8.000000000e+00, v35  }
0x297: {  	v36 =	vshrl.u32 v58, $0x3  }
0x298: {  	v59 =	vshll.u32 v36, v2;
	[tilespmem:v34+s17+$0x0] =	vst.idx.msk $0xffff, v35  }
0x299: {  	v34 =	vbroadcast v59, $0x0;
	v35 =	vld [tilespmem:s25+$0x80];
	_ =	sdelay $0x1  }
0x29a: {  	v60 =	vadd.s32 v10, v34;
	_ =	sdelay $0x2  }
0x29b: {  	v35 =	vmul.f32 $8.000000000e+00, v35;
	_ =	sdelay $0x1  }
0x29c: {  	[tilespmem:v60+s17+$0x0] =	vst.idx.msk $0xffff, v35  }
0x29d: {  	v35 =	vld [tilespmem:s25+$0x90];
	_ =	sdelay $0x1  }
0x29e: {  	v61 =	vadd.s32 v11, v34;
	_ =	sdelay $0x2  }
0x29f: {  	v35 =	vmul.f32 $8.000000000e+00, v35;
	_ =	sdelay $0x1  }
0x2a0: {  	[tilespmem:v61+s17+$0x0] =	vst.idx.msk $0xffff, v35  }
0x2a1: {  	v35 =	vld [tilespmem:s25+$0xA0];
	_ =	sdelay $0x1  }
0x2a2: {  	v62 =	vadd.s32 v12, v34;
	_ =	sdelay $0x2  }
0x2a3: {  	v35 =	vmul.f32 $8.000000000e+00, v35;
	_ =	sdelay $0x1  }
0x2a4: {  	[tilespmem:v62+s17+$0x0] =	vst.idx.msk $0xffff, v35  }
0x2a5: {  	v35 =	vld [tilespmem:s25+$0xB0];
	_ =	sdelay $0x1  }
0x2a6: {  	v34 =	vadd.s32 v13, v34;
	_ =	sdelay $0x1  }
0x2a7: {  	s31 =	sadd.s32 $0xB, s24  }
0x2a8: {  	v63 =	vmov s31;
	v35 =	vmul.f32 $8.000000000e+00, v35  }
0x2a9: {  	v36 =	vshrl.u32 v63, $0x3  }
0x2aa: {  	v40 =	vshll.u32 v36, v2;
	[tilespmem:v34+s17+$0x0] =	vst.idx.msk $0xffff, v35  }
0x2ab: {  	v34 =	vbroadcast v40, $0x0;
	v35 =	vld [tilespmem:s25+$0xC0];
	_ =	sdelay $0x1  }
0x2ac: {  	v41 =	vadd.s32 v14, v34;
	_ =	sdelay $0x2  }
0x2ad: {  	v35 =	vmul.f32 $8.000000000e+00, v35;
	_ =	sdelay $0x1  }
0x2ae: {  	[tilespmem:v41+s17+$0x0] =	vst.idx.msk $0xffff, v35  }
0x2af: {  	v35 =	vld [tilespmem:s25+$0xD0];
	_ =	sdelay $0x1  }
0x2b0: {  	v42 =	vadd.s32 v15, v34;
	_ =	sdelay $0x2  }
0x2b1: {  	v35 =	vmul.f32 $8.000000000e+00, v35;
	_ =	sdelay $0x1  }
0x2b2: {  	[tilespmem:v42+s17+$0x0] =	vst.idx.msk $0xffff, v35  }
0x2b3: {  	v35 =	vld [tilespmem:s25+$0xE0];
	_ =	sdelay $0x1  }
0x2b4: {  	v43 =	vadd.s32 v16, v34;
	_ =	sdelay $0x2  }
0x2b5: {  	v35 =	vmul.f32 $8.000000000e+00, v35;
	_ =	sdelay $0x1  }
0x2b6: {  	[tilespmem:v43+s17+$0x0] =	vst.idx.msk $0xffff, v35  }
0x2b7: {  	v35 =	vld [tilespmem:s25+$0xF0];
	_ =	sdelay $0x1  }
0x2b8: {  	v34 =	vadd.s32 v17, v34;
	_ =	sdelay $0x1  }
0x2b9: {  	s28 =	sadd.s32 $0xC, s24  }
0x2ba: {  	v44 =	vmov s28;
	v35 =	vmul.f32 $8.000000000e+00, v35  }
0x2bb: {  	v36 =	vshrl.u32 v44, $0x3  }
0x2bc: {  	v45 =	vshll.u32 v36, v2;
	[tilespmem:v34+s17+$0x0] =	vst.idx.msk $0xffff, v35  }
0x2bd: {  	v34 =	vbroadcast v45, $0x0;
	v35 =	vld [tilespmem:s25+$0x100];
	_ =	sdelay $0x1  }
0x2be: {  	v46 =	vadd.s32 v18, v34;
	_ =	sdelay $0x2  }
0x2bf: {  	v35 =	vmul.f32 $8.000000000e+00, v35;
	_ =	sdelay $0x1  }
0x2c0: {  	[tilespmem:v46+s17+$0x0] =	vst.idx.msk $0xffff, v35  }
0x2c1: {  	v35 =	vld [tilespmem:s25+$0x110];
	_ =	sdelay $0x1  }
0x2c2: {  	v47 =	vadd.s32 v19, v34;
	_ =	sdelay $0x2  }
0x2c3: {  	v35 =	vmul.f32 $8.000000000e+00, v35;
	_ =	sdelay $0x1  }
0x2c4: {  	[tilespmem:v47+s17+$0x0] =	vst.idx.msk $0xffff, v35  }
0x2c5: {  	v35 =	vld [tilespmem:s25+$0x120];
	_ =	sdelay $0x1  }
0x2c6: {  	v48 =	vadd.s32 v20, v34;
	_ =	sdelay $0x2  }
0x2c7: {  	v35 =	vmul.f32 $8.000000000e+00, v35;
	_ =	sdelay $0x1  }
0x2c8: {  	[tilespmem:v48+s17+$0x0] =	vst.idx.msk $0xffff, v35  }
0x2c9: {  	v35 =	vld [tilespmem:s25+$0x130];
	_ =	sdelay $0x1  }
0x2ca: {  	v34 =	vadd.s32 v21, v34;
	_ =	sdelay $0x1  }
0x2cb: {  	s29 =	sadd.s32 $0xD, s24  }
0x2cc: {  	v49 =	vmov s29;
	v35 =	vmul.f32 $8.000000000e+00, v35  }
0x2cd: {  	v36 =	vshrl.u32 v49, $0x3  }
0x2ce: {  	v50 =	vshll.u32 v36, v2;
	[tilespmem:v34+s17+$0x0] =	vst.idx.msk $0xffff, v35  }
0x2cf: {  	v34 =	vbroadcast v50, $0x0;
	v35 =	vld [tilespmem:s25+$0x140];
	_ =	sdelay $0x1  }
0x2d0: {  	v51 =	vadd.s32 v22, v34;
	_ =	sdelay $0x2  }
0x2d1: {  	v35 =	vmul.f32 $8.000000000e+00, v35;
	_ =	sdelay $0x1  }
0x2d2: {  	[tilespmem:v51+s17+$0x0] =	vst.idx.msk $0xffff, v35  }
0x2d3: {  	v35 =	vld [tilespmem:s25+$0x150];
	_ =	sdelay $0x1  }
0x2d4: {  	v52 =	vadd.s32 v23, v34;
	_ =	sdelay $0x2  }
0x2d5: {  	v35 =	vmul.f32 $8.000000000e+00, v35;
	_ =	sdelay $0x1  }
0x2d6: {  	[tilespmem:v52+s17+$0x0] =	vst.idx.msk $0xffff, v35  }
0x2d7: {  	v35 =	vld [tilespmem:s25+$0x160];
	_ =	sdelay $0x1  }
0x2d8: {  	v53 =	vadd.s32 v24, v34;
	_ =	sdelay $0x2  }
0x2d9: {  	v35 =	vmul.f32 $8.000000000e+00, v35;
	_ =	sdelay $0x1  }
0x2da: {  	[tilespmem:v53+s17+$0x0] =	vst.idx.msk $0xffff, v35  }
0x2db: {  	v35 =	vld [tilespmem:s25+$0x170];
	_ =	sdelay $0x1  }
0x2dc: {  	v34 =	vadd.s32 v25, v34;
	_ =	sdelay $0x1  }
0x2dd: {  	s30 =	sadd.s32 $0xE, s24  }
0x2de: {  	v54 =	vmov s30;
	v35 =	vmul.f32 $8.000000000e+00, v35  }
0x2df: {  	v36 =	vshrl.u32 v54, $0x3  }
0x2e0: {  	v55 =	vshll.u32 v36, v2;
	[tilespmem:v34+s17+$0x0] =	vst.idx.msk $0xffff, v35  }
0x2e1: {  	v34 =	vbroadcast v55, $0x0;
	v35 =	vld [tilespmem:s25+$0x180];
	_ =	sdelay $0x1  }
0x2e2: {  	v56 =	vadd.s32 v26, v34;
	_ =	sdelay $0x2  }
0x2e3: {  	v35 =	vmul.f32 $8.000000000e+00, v35;
	_ =	sdelay $0x1  }
0x2e4: {  	[tilespmem:v56+s17+$0x0] =	vst.idx.msk $0xffff, v35  }
0x2e5: {  	v35 =	vld [tilespmem:s25+$0x190];
	_ =	sdelay $0x1  }
0x2e6: {  	v57 =	vadd.s32 v27, v34;
	_ =	sdelay $0x2  }
0x2e7: {  	v35 =	vmul.f32 $8.000000000e+00, v35;
	_ =	sdelay $0x1  }
0x2e8: {  	[tilespmem:v57+s17+$0x0] =	vst.idx.msk $0xffff, v35  }
0x2e9: {  	v35 =	vld [tilespmem:s25+$0x1A0];
	_ =	sdelay $0x1  }
0x2ea: {  	v58 =	vadd.s32 v28, v34;
	_ =	sdelay $0x2  }
0x2eb: {  	v35 =	vmul.f32 $8.000000000e+00, v35;
	_ =	sdelay $0x1  }
0x2ec: {  	[tilespmem:v58+s17+$0x0] =	vst.idx.msk $0xffff, v35  }
0x2ed: {  	v35 =	vld [tilespmem:s25+$0x1B0];
	_ =	sdelay $0x1  }
0x2ee: {  	v34 =	vadd.s32 v29, v34;
	_ =	sdelay $0x1  }
0x2ef: {  	s31 =	sadd.s32 $0xF, s24  }
0x2f0: {  	v59 =	vmov s31;
	v35 =	vmul.f32 $8.000000000e+00, v35  }
0x2f1: {  	v36 =	vshrl.u32 v59, $0x3  }
0x2f2: {  	v60 =	vshll.u32 v36, v2;
	[tilespmem:v34+s17+$0x0] =	vst.idx.msk $0xffff, v35  }
0x2f3: {  	v34 =	vbroadcast v60, $0x0;
	v35 =	vld [tilespmem:s25+$0x1C0];
	_ =	sdelay $0x1  }
0x2f4: {  	v61 =	vadd.s32 v30, v34;
	_ =	sdelay $0x2  }
0x2f5: {  	v35 =	vmul.f32 $8.000000000e+00, v35;
	_ =	sdelay $0x1  }
0x2f6: {  	[tilespmem:v61+s17+$0x0] =	vst.idx.msk $0xffff, v35  }
0x2f7: {  	v35 =	vld [tilespmem:s25+$0x1D0];
	_ =	sdelay $0x1  }
0x2f8: {  	v62 =	vadd.s32 v31, v34;
	_ =	sdelay $0x2  }
0x2f9: {  	v35 =	vmul.f32 $8.000000000e+00, v35;
	_ =	sdelay $0x1  }
0x2fa: {  	[tilespmem:v62+s17+$0x0] =	vst.idx.msk $0xffff, v35  }
0x2fb: {  	v35 =	vld [tilespmem:s25+$0x1E0];
	_ =	sdelay $0x1  }
0x2fc: {  	v63 =	vadd.s32 v32, v34;
	_ =	sdelay $0x2  }
0x2fd: {  	v35 =	vmul.f32 $8.000000000e+00, v35;
	_ =	sdelay $0x1  }
0x2fe: {  	[tilespmem:v63+s17+$0x0] =	vst.idx.msk $0xffff, v35  }
0x2ff: {  	v35 =	vld [tilespmem:s25+$0x1F0];
	_ =	sdelay $0x1  }
0x300: {  	p1 =	slt.u32 s24, $0x70;
	v34 =	vadd.s32 v33, v34  }
.Ltmp3:
0x301: {  	_ = 	snop;
	(pc) =	sbr.rel @p1 .LBB2_9-.Ltmp3, $3  }
0x302: {  	_ = 	snop  }
0x303: {  	v35 =	vmul.f32 $8.000000000e+00, v35;
	_ =	sdelay $0x1  }
0x304: {  	s24 =	sadd.s32 $0x10, s24;
	s25 =	sadd.s32 $0x400, s25;
	[tilespmem:v34+s17+$0x0] =	vst.idx.msk $0xffff, v35  }
0x305: {  	s22 =	sadd.s32 @!p0 $0x3, s22  }
0x306: {  	s24 =	sshrl.u32 @!p0 s22, $0x2  }
0x307: {  	s24 =	smul.u32 @!p0 $0x820, s24  }
0x308: {  	s22 =	sshll.u32 @!p0 s22, $0x7  }
0x309: {  	s22 =	sand.u32 @!p0 $0x180, s22;
	s24 =	sshra.s32 @!p0 s24, $0x2  }
0x30a: {  	s22 =	sadd.s32 @!p0 s22, s24  }
0x30b: {  	s25 =	simm.s32 @!p0 $0xE990;
	s24 =	simm.s32 @!p0 $0x80;
	s22 =	sadd.s32 @!p0 $0x6400, s22  }
0x30c: {  	[tilespmem:s25], [sflag:$0x2] =	stream.indirect.gather @!p0 [hbm4b:s4+s24], $0x40, s22, s24, $0xb8;
	[tilespmem:$0x14D90] =	vst v63  }
0x30d: {  	s23 =	sadd.s32 $0x80, s23;
	s24 =	simm.s32 $0x12B90  }
0x30e: {  	[hbm4b:s23+s3] =	stream.linear.scatter [tilespmem:s24], [sflag:$0x4], $0x80, $0x38;
	[tilespmem:$0x14D90] =	vst v63  }
0x30f: {  	s26 =	sadd.s32 $0x10, s23;
	s25 =	simm.s32 $0x12C18  }
0x310: {  	[hbm4b:s26+s3] =	stream.linear.scatter [tilespmem:s25], [sflag:$0x4], $0x80, $0x38;
	[tilespmem:$0x14D90] =	vst v63  }
0x311: {  	s28 =	simm.s32 $0x12CA0;
	s30 =	simm.s32 $0x12D28;
	s29 =	sadd.s32 $0x20, s23  }
0x312: {  	[hbm4b:s29+s3] =	stream.linear.scatter [tilespmem:s28], [sflag:$0x4], $0x80, $0x38;
	[tilespmem:$0x14D90] =	vst v63  }
0x313: {  	s31 =	sadd.s32 $0x30, s23;
	s22 =	simm.s32 $0x440;
	s24 =	simm.s32 $0x2200  }
0x314: {  	[hbm4b:s31+s3] =	stream.linear.scatter [tilespmem:s30], [sflag:$0x4], $0x80, $0x38;
	[tilespmem:$0x14D90] =	vst v63  }
0x315: {  	s25 =	simm.s32 $0x12DB0;
	s26 =	sadd.s32 $0x40, s23;
	s28 =	simm.s32 $0x12E38  }
0x316: {  	[hbm4b:s26+s3] =	stream.linear.scatter [tilespmem:s25], [sflag:$0x4], $0x80, $0x38;
	[tilespmem:$0x14D90] =	vst v63  }
0x317: {  	s29 =	sadd.s32 $0x50, s23;
	s30 =	simm.s32 $0x12EC0;
	s31 =	sadd.s32 $0x60, s23  }
0x318: {  	[hbm4b:s29+s3] =	stream.linear.scatter [tilespmem:s28], [sflag:$0x4], $0x80, $0x38;
	[tilespmem:$0x14D90] =	vst v63  }
0x319: {  	s25 =	simm.s32 $0x12F48;
	s26 =	sadd.s32 $0x70, s23;
	s23 =	sadd.s32 $0x4000, s23  }
0x31a: {  	[hbm4b:s31+s3] =	stream.linear.scatter [tilespmem:s30], [sflag:$0x4], $0x80, $0x38;
	[tilespmem:$0x14D90] =	vst v63  }
.LBB2_11:
0x31b: {  	[hbm4b:s26+s3] =	stream.linear.scatter [tilespmem:s25], [sflag:$0x4], $0x80, $0x38;
	[tilespmem:$0x14D90] =	vst v63  }
0x31c: {  	s25 =	smov.u32 s22;
	s22 =	smov.u32 s24  }
0x31d: {  	s28 =	sadd.s32 $0x1100, s24;
	s22 =	sshra.s32 s22, $0x2;
	s26 =	sadd.s32 $0x12B90, s25  }
0x31e: {  	[hbm4b:s23+s3] =	stream.linear.scatter [tilespmem:s26], [sflag:$0x4], $0x80, $0x38;
	[tilespmem:$0x14D90] =	vst v63  }
0x31f: {  	p0 =	sne.s32 s24, $0x7700;
	s24 =	sadd.s32 $0x12C18, s25;
	s26 =	sadd.s32 $0x10, s23  }
0x320: {  	[hbm4b:s26+s3] =	stream.linear.scatter [tilespmem:s24], [sflag:$0x4], $0x80, $0x38;
	[tilespmem:$0x14D90] =	vst v63  }
0x321: {  	s24 =	sadd.s32 $0x12CA0, s25;
	s26 =	sadd.s32 $0x20, s23  }
0x322: {  	[hbm4b:s26+s3] =	stream.linear.scatter [tilespmem:s24], [sflag:$0x4], $0x80, $0x38;
	[tilespmem:$0x14D90] =	vst v63  }
0x323: {  	s24 =	sadd.s32 $0x12D28, s25;
	s26 =	sadd.s32 $0x30, s23  }
0x324: {  	[hbm4b:s26+s3] =	stream.linear.scatter [tilespmem:s24], [sflag:$0x4], $0x80, $0x38;
	[tilespmem:$0x14D90] =	vst v63  }
0x325: {  	s24 =	sadd.s32 $0x12DB0, s25;
	s26 =	sadd.s32 $0x40, s23  }
0x326: {  	[hbm4b:s26+s3] =	stream.linear.scatter [tilespmem:s24], [sflag:$0x4], $0x80, $0x38;
	[tilespmem:$0x14D90] =	vst v63  }
.Ltmp4:
0x327: {  	s24 =	sadd.s32 $0x12E38, s25;
	s26 =	sadd.s32 $0x50, s23;
	(pc) =	sbr.rel @p0 .LBB2_11-.Ltmp4, $4  }
0x328: {  	[hbm4b:s26+s3] =	stream.linear.scatter [tilespmem:s24], [sflag:$0x4], $0x80, $0x38;
	[tilespmem:$0x14D90] =	vst v63  }
0x329: {  	s24 =	sadd.s32 $0x12EC0, s25;
	s26 =	sadd.s32 $0x60, s23;
	s25 =	sadd.s32 $0x12F48, s25  }
0x32a: {  	[hbm4b:s26+s3] =	stream.linear.scatter [tilespmem:s24], [sflag:$0x4], $0x80, $0x38;
	[tilespmem:$0x14D90] =	vst v63  }
0x32b: {  	s26 =	sadd.s32 $0x70, s23;
	s23 =	sadd.s32 $0x4000, s23;
	s24 =	smov.u32 s28  }
0x32c: {  	[hbm4b:s26+s3] =	stream.linear.scatter [tilespmem:s25], [sflag:$0x4], $0x80, $0x38;
	[tilespmem:$0x14D90] =	vst v63  }
0x32d: {  	s24 =	sadd.s32 $0x12B90, s22  }
0x32e: {  	[hbm4b:s23+s3] =	stream.linear.scatter [tilespmem:s24], [sflag:$0x4], $0x80, $0x38;
	[tilespmem:$0x14D90] =	vst v63  }
0x32f: {  	s30 =	sadd.s32 $0x12C18, s22;
	s31 =	sadd.s32 $0x10, s23  }
0x330: {  	[hbm4b:s31+s3] =	stream.linear.scatter [tilespmem:s30], [sflag:$0x4], $0x80, $0x38;
	[tilespmem:$0x14D90] =	vst v63  }
0x331: {  	s25 =	sadd.s32 $0x12CA0, s22;
	s26 =	sadd.s32 $0x20, s23  }
0x332: {  	[hbm4b:s26+s3] =	stream.linear.scatter [tilespmem:s25], [sflag:$0x4], $0x80, $0x38;
	[tilespmem:$0x14D90] =	vst v63  }
0x333: {  	s28 =	sadd.s32 $0x12D28, s22;
	s29 =	sadd.s32 $0x30, s23  }
0x334: {  	[hbm4b:s29+s3] =	stream.linear.scatter [tilespmem:s28], [sflag:$0x4], $0x80, $0x38;
	[tilespmem:$0x14D90] =	vst v63  }
0x335: {  	s21 =	sadd.s32 $0x1, s21;
	s30 =	sadd.s32 $0x12DB0, s22;
	s31 =	sadd.s32 $0x40, s23  }
0x336: {  	[hbm4b:s31+s3] =	stream.linear.scatter [tilespmem:s30], [sflag:$0x4], $0x80, $0x38;
	[tilespmem:$0x14D90] =	vst v63  }
0x337: {  	p0 =	sne.s32 s21, $0x64;
	s25 =	sadd.s32 $0x12E38, s22;
	s26 =	sadd.s32 $0x50, s23  }
0x338: {  	[hbm4b:s26+s3] =	stream.linear.scatter [tilespmem:s25], [sflag:$0x4], $0x80, $0x38;
	[tilespmem:$0x14D90] =	vst v63  }
.Ltmp5:
0x339: {  	_ = 	snop;
	(pc) =	sbr.rel @p0 .LBB2_4-.Ltmp5, $4  }
0x33a: {  	s28 =	sadd.s32 $0x12EC0, s22;
	s29 =	sadd.s32 $0x60, s23  }
0x33b: {  	[hbm4b:s29+s3] =	stream.linear.scatter [tilespmem:s28], [sflag:$0x4], $0x80, $0x38;
	[tilespmem:$0x14D90] =	vst v63  }
0x33c: {  	s30 =	sadd.s32 $0x12F48, s22;
	s31 =	sadd.s32 $0x70, s23  }
0x33d: {  	[hbm4b:s31+s3] =	stream.linear.scatter [tilespmem:s30], [sflag:$0x4], $0x80, $0x38;
	[tilespmem:$0x14D90] =	vst v63  }
0x33e: {  	s20 =	sadd.s32 $0x1, s20  }
0x33f: {  	_ =	swait.ge [sflag:s18], $0x2000;
	p0 =	sne.s32 s20, s6  }
.Ltmp6:
0x340: {  	[sflag:s18] =	ssyncset.done $0x0;
	(pc) =	sbr.rel @p0 .LBB2_1-.Ltmp6, $4  }
0x341: {  	[sflag:s18] =	ssyncadd.s32 $0xFFFFE000  }
0x342: {  	_ =	swait.ge [sflag:s19], $0x2000  }
0x343: {  	[sflag:s19] =	ssyncset.done $0x0  }
0x344: {  	[sflag:s19] =	ssyncadd.s32 $0xFFFFE000  }
0x345: {  	_ =	sfence.sel $0x180000  }
0x346: {  	[bflag:$0x0] =	sbarrier.arrive $0xFFFF  }
0x347: {  	p0 =	sne.s32 s0, $0x0;
	_ =	strace $0x90000047  }
0x348: {  	s0 =	sadd.s32 @!p0 $0x100000, s1;
	[bflag:$0x2] =	sbarrier.arrive $0xFFFF  }
0x349: {  	[sflag:s0] =	ssyncadd.tile.s32 @!p0 $0x1;
	_ =	shalt  }
.Lfunc_end2:
_tile_overlayer_lowered:
.L_overlay_start_2:
0x34a: {  	(tag) =	ssettag $0x2  }
0x34b: {  	s0 =	rddreg [dreg:$0x0];
	s2 =	stileid.u32  }
0x34c: {  	s1 =	rddreg [dreg:$0x1];
	p0 =	sne.s32 s2, $0x0  }
0x34d: {  	s3 =	rddreg [dreg:$0x2];
	[bflag:$0x3] =	sbarrier.arrive $0xFFFF;
	s2 =	simm.s32 @!p0 $0x1C05  }
0x34e: {  	[timem:s3], [sflag:s2] =	dma.local @!p0 [hbm:s0], s1  }
0x34f: {  	s0 =	simm.s32 @!p0 $0x5  }
0x350: {  	_ =	swait.ge @!p0 [sflag:s0], s1  }
0x351: {  	s1 =	ssub.s32 @!p0 $0x0, s1;
	[sflag:s0] =	ssyncset.done @!p0 $0x0  }
0x352: {  	[sflag:s0] =	ssyncadd.s32 @!p0 s1  }
0x353: {  	[bflag:$0x3] =	sbarrier.arrive $0xFFFF  }
0x354: {  	_ =	shalt  }

</sc_bundles>
